<compile_context>
chip_gen: v7x
topology: tpu7x:2x2x1
jax: 0.10.2.dev20260603
libtpu: 0.0.44.dev20260713+nightly
codegen_flags: <defaults>
</compile_context>

<pallas_src>
import functools

import jax
import jax.numpy as jnp
from jax import lax
from jax.experimental import pallas as pl
from jax.experimental.pallas import tpu as pltpu
from jax.experimental.pallas import tpu_sc as plsc

_CH = 128


def _sc_gather(x2d, src):
    B = src.shape[0]
    fv = x2d.shape[1]
    info = plsc.get_sparse_core_info()
    nw = info.num_cores * info.num_subcores
    per_w = B // nw
    n_ch = per_w // _CH
    mesh = plsc.VectorSubcoreMesh(core_axis_name="c", subcore_axis_name="s")

    @functools.partial(
        pl.kernel,
        mesh=mesh,
        compiler_params=pltpu.CompilerParams(use_tc_tiling_on_sc=False),
        out_type=jax.ShapeDtypeStruct((B, fv), jnp.float32),
        scratch_types=[
            pltpu.VMEM((_CH,), jnp.int32),
            pltpu.VMEM((_CH, fv), jnp.float32),
            pltpu.SemaphoreType.DMA,
        ],
    )
    def gather_kernel(x_hbm, src_hbm, out_hbm, idx_v, rows_v, sem):
        wid = lax.axis_index("s") * info.num_cores + lax.axis_index("c")
        base = wid * per_w

        def body(i, carry):
            off = base + i * _CH
            pltpu.sync_copy(src_hbm.at[pl.ds(off, _CH)], idx_v)
            pltpu.async_copy(x_hbm.at[idx_v], rows_v, sem).wait()
            pltpu.sync_copy(rows_v, out_hbm.at[pl.ds(off, _CH)])
            return carry

        lax.fori_loop(0, n_ch, body, 0)

    return gather_kernel(x2d, src)


def _scale_matmul(sums, inv, w_big, b_big, block_n=400):
    n, fvp = sums.shape
    fv = w_big.shape[1]

    def body(s_ref, c_ref, w_ref, b_ref, o_ref):
        o_ref[...] = (
            jnp.dot(s_ref[...] * c_ref[...], w_ref[...],
                    preferred_element_type=jnp.float32)
            + b_ref[...]
        )

    return pl.pallas_call(
        body,
        grid=(n // block_n,),
        in_specs=[
            pl.BlockSpec((block_n, fvp), lambda i: (i, 0)),
            pl.BlockSpec((block_n, 1), lambda i: (i, 0)),
            pl.BlockSpec((fvp, fv), lambda i: (0, 0)),
            pl.BlockSpec((1, fv), lambda i: (0, 0)),
        ],
        out_specs=pl.BlockSpec((block_n, fv), lambda i: (i, 0)),
        out_shape=jax.ShapeDtypeStruct((n, fv), jnp.float32),
    )(sums, inv, w_big, b_big)


def kernel(x, edge, pool_edge, finer_edge, W, b):
    node_num, f_dim, v_dim = x.shape
    fv = f_dim * v_dim
    finer_nodes = 2 * node_num

    fv_pad = fv
    x2d = x.reshape(node_num, fv)
    src = edge[pool_edge].reshape(-1)
    B = src.shape[0]
    nw_ch = 32 * _CH
    B_pad = ((B + nw_ch - 1) // nw_ch) * nw_ch
    src_p = jnp.concatenate(
        [src, jnp.zeros((B_pad - B,), dtype=jnp.int32)])

    gathered = _sc_gather(x2d, src_p)[:B]

    dst = finer_edge.reshape(-1)
    sums = jax.ops.segment_sum(gathered, dst, num_segments=finer_nodes)
    counts = jax.ops.segment_sum(
        jnp.ones((B,), dtype=jnp.float32), dst, num_segments=finer_nodes)
    inv = (1.0 / jnp.maximum(counts, 1.0))[:, None]

    w_big = jnp.pad(jnp.kron(W.T, jnp.eye(v_dim, dtype=jnp.float32)),
                    ((0, fv_pad - fv), (0, 0)))
    b_big = jnp.repeat(b, v_dim)[None, :]

    out = _scale_matmul(sums, inv, w_big, b_big, block_n=400)
    return out.reshape(finer_nodes, f_dim, v_dim)

# --- scband reference (transcript-rebuilt; emitter-appended) ---
"""Pipeline reference for scband-up-sample-88364657148232 (READ-ONLY COPY).

The authoritative reference and input builder live on the scoring server;
editing this copy changes nothing except your own understanding.
"""

import jax, jax.numpy as jnp
import numpy as np

NODE_NUM = 50000
EDGE_NUM = 50000
FINER_EDGE_NUM = 50000
FINER_NODE_NUM = 100000
F_DIM = 64
V_DIM = 3


def setup_inputs(seed: int = 0) -> dict:
    key = jax.random.key(seed)
    k1, k2, k3, k4, k5, k6 = jax.random.split(key, 6)
    x = jax.random.normal(k1, (NODE_NUM, F_DIM, V_DIM), dtype=jnp.float32)
    edge = jax.random.randint(k2, (EDGE_NUM, 8), 0, NODE_NUM, dtype=jnp.int32)
    pool_edge = jax.random.randint(k3, (FINER_EDGE_NUM,), 0, EDGE_NUM, dtype=jnp.int32)
    finer_edge = jax.random.randint(k4, (FINER_EDGE_NUM, 8), 0, FINER_NODE_NUM, dtype=jnp.int32)
    # Conv1d(channels_in=64, channels_out=64, kernel_size=1) parameters.
    # W corresponds to torch weight [out, in, 1] squeezed to [out, in].
    W = jax.random.normal(k5, (F_DIM, F_DIM), dtype=jnp.float32) * (1.0 / np.sqrt(F_DIM))
    b = jax.random.normal(k6, (F_DIM,), dtype=jnp.float32) * 0.01
    return {"x": x, "edge": edge, "pool_edge": pool_edge, "finer_edge": finer_edge, "W": W, "b": b}


def reference(x, edge, pool_edge, finer_edge, W, b):
    # x_ij = x[grid.edge] : [edge_num, 8, F, V]
    x_ij = x[edge]
    # edge_ = grid.finer_grid.edge.reshape(-1) : [finer_edge_num * 8]
    edge_flat = finer_edge.reshape(-1)
    # x_ij_ = x_ij[grid.pool_edge].reshape(edge_.shape[0], F, V)
    x_sel = x_ij[pool_edge].reshape(edge_flat.shape[0], F_DIM, V_DIM)
    # scatter(..., reduce='mean') over dim 0 -> fine nodes
    flat = x_sel.reshape(edge_flat.shape[0], F_DIM * V_DIM)
    sums = jax.ops.segment_sum(flat, edge_flat, num_segments=FINER_NODE_NUM)
    counts = jax.ops.segment_sum(jnp.ones((edge_flat.shape[0],), dtype=jnp.float32), edge_flat, num_segments=FINER_NODE_NUM)
    mean = sums / jnp.maximum(counts, 1.0)[:, None]
    x_ = mean.reshape(FINER_NODE_NUM, F_DIM, V_DIM)
    # nn.Conv1d(C_in, C_out, 1) on [N, C_in, V] == pointwise channel mix
    out = jnp.einsum('nfv,of->nov', x_, W) + b[None, :, None]
    return out

if __name__ == "__main__":
    import jax
    _d = setup_inputs()
    print(jax.jit(kernel)(*tuple(_d.values())))

</pallas_src>

<mosaic_0001>
#map = affine_map<(d0, d1) -> (0, 0)>
#map1 = affine_map<(d0, d1) -> (0)>
module attributes {stable_mosaic.version = 14 : i64} {
  func.func @gather_kernel(%arg0: i32, %arg1: i32, %arg2: memref<50000x192xf32, #tpu.memory_space<hbm>>, %arg3: memref<401408xi32, #tpu.memory_space<hbm>>, %arg4: memref<401408x192xf32, #tpu.memory_space<hbm>>, %arg5: memref<128xi32, #tpu.memory_space<vmem>>, %arg6: memref<128x192xf32, #tpu.memory_space<vmem>>, %arg7: memref<!tpu.dma_semaphore, #tpu.memory_space<semaphore_mem>>) attributes {dimension_semantics = [#tpu.dimension_semantics<core_parallel>, #tpu.dimension_semantics<subcore_parallel>], iteration_bounds = array<i64: 2, 16>, scalar_prefetch = 0 : i64, scratch_operands = 3 : i64, tpu.core_type = #tpu.core_type<sc_vector_subcore>, window_params = [{transform_indices = #map}, {transform_indices = #map1}, {transform_indices = #map}]} {
    %mul3A = arith.constant 2 : i32
    %mul3A_0 = arith.muli %arg1, %mul3A : i32
    %add3A = arith.addi %mul3A_0, %arg0 : i32
    %mul3A_1 = arith.constant 12544 : i32
    %mul3A_2 = arith.muli %add3A, %mul3A_1 : i32
    %scan3A = arith.constant 0 : i32
    %scan3A_3 = arith.constant 0 : i32
    %scan3A_4 = arith.constant 98 : i32
    %scan3A_5 = arith.addi %scan3A_3, %scan3A_4 : i32
    %scan3A_6 = arith.constant 1 : i32
    scf.for %scan3A_8 = %scan3A_3 to %scan3A_5 step %scan3A_6  : i32 {
      %mul3A_9 = arith.constant 128 : i32
      %mul3A_10 = arith.muli %scan3A_8, %mul3A_9 : i32
      %add3A_11 = arith.addi %mul3A_2, %mul3A_10 : i32
      "tpu.region"() ({
        %run_scoped3A = tpu.sem_alloc : memref<!tpu.dma_semaphore, #tpu.memory_space<semaphore_mem>>
        %dma_start3A_16 = tpu.memref_slice %arg3[%add3A_11] : memref<401408xi32, #tpu.memory_space<hbm>> -> memref<128xi32, #tpu.memory_space<hbm>>
        %dma_start3A_17 = tpu.memref_slice %arg3[%add3A_11] : memref<401408xi32, #tpu.memory_space<hbm>> -> memref<128xi32, #tpu.memory_space<hbm>>
        tpu.enqueue_dma source(%dma_start3A_17 : memref<128xi32, #tpu.memory_space<hbm>>) target(%arg5 : memref<128xi32, #tpu.memory_space<vmem>>) target_semaphore(%run_scoped3A : memref<!tpu.dma_semaphore, #tpu.memory_space<semaphore_mem>>)
        %dma_wait3A_18 = tpu.memref_slice %arg3[%add3A_11] : memref<401408xi32, #tpu.memory_space<hbm>> -> memref<128xi32, #tpu.memory_space<hbm>>
        %dma_wait3A_19 = tpu.memref_slice %arg3[%add3A_11] : memref<401408xi32, #tpu.memory_space<hbm>> -> memref<128xi32, #tpu.memory_space<hbm>>
        tpu.wait_dma2 semaphore(%run_scoped3A : memref<!tpu.dma_semaphore, #tpu.memory_space<semaphore_mem>>) src(%dma_wait3A_19 : memref<128xi32, #tpu.memory_space<hbm>>) dst(%arg5 : memref<128xi32, #tpu.memory_space<vmem>>)
        tpu.yield
      }) : () -> ()
      %dma_start3A = arith.constant 0 : i32
      %dma_start3A_12 = arith.constant 0 : i32
      %dma_start3A_13 = tpu.memref_slice %arg2[%dma_start3A, %dma_start3A_12] : memref<50000x192xf32, #tpu.memory_space<hbm>> -> memref<50000x192xf32, #tpu.memory_space<hbm>>
      tpu.enqueue_indirect_dma source(%dma_start3A_13 : memref<50000x192xf32, #tpu.memory_space<hbm>>) target(%arg6 : memref<128x192xf32, #tpu.memory_space<vmem>>) offsets(%arg5 : memref<128xi32, #tpu.memory_space<vmem>>) semaphore(%arg7 : memref<!tpu.dma_semaphore, #tpu.memory_space<semaphore_mem>>)
      %dma_wait3A = arith.constant 0 : i32
      %dma_wait3A_14 = arith.constant 0 : i32
      %dma_wait3A_15 = tpu.memref_slice %arg2[%dma_wait3A, %dma_wait3A_14] : memref<50000x192xf32, #tpu.memory_space<hbm>> -> memref<50000x192xf32, #tpu.memory_space<hbm>>
      tpu.wait_indirect_dma semaphore(%arg7 : memref<!tpu.dma_semaphore, #tpu.memory_space<semaphore_mem>>) src(%dma_wait3A_15 : memref<50000x192xf32, #tpu.memory_space<hbm>>) dst(%arg6 : memref<128x192xf32, #tpu.memory_space<vmem>>)
      "tpu.region"() ({
        %run_scoped3A = tpu.sem_alloc : memref<!tpu.dma_semaphore, #tpu.memory_space<semaphore_mem>>
        %dma_start3A_16 = arith.constant 0 : i32
        %dma_start3A_17 = tpu.memref_slice %arg4[%add3A_11, %dma_start3A_16] : memref<401408x192xf32, #tpu.memory_space<hbm>> -> memref<128x192xf32, #tpu.memory_space<hbm>>
        %dma_start3A_18 = arith.constant 0 : i32
        %dma_start3A_19 = tpu.memref_slice %arg4[%add3A_11, %dma_start3A_18] : memref<401408x192xf32, #tpu.memory_space<hbm>> -> memref<128x192xf32, #tpu.memory_space<hbm>>
        tpu.enqueue_dma source(%arg6 : memref<128x192xf32, #tpu.memory_space<vmem>>) target(%dma_start3A_19 : memref<128x192xf32, #tpu.memory_space<hbm>>) target_semaphore(%run_scoped3A : memref<!tpu.dma_semaphore, #tpu.memory_space<semaphore_mem>>)
        %dma_wait3A_20 = arith.constant 0 : i32
        %dma_wait3A_21 = tpu.memref_slice %arg4[%add3A_11, %dma_wait3A_20] : memref<401408x192xf32, #tpu.memory_space<hbm>> -> memref<128x192xf32, #tpu.memory_space<hbm>>
        %dma_wait3A_22 = arith.constant 0 : i32
        %dma_wait3A_23 = tpu.memref_slice %arg4[%add3A_11, %dma_wait3A_22] : memref<401408x192xf32, #tpu.memory_space<hbm>> -> memref<128x192xf32, #tpu.memory_space<hbm>>
        tpu.wait_dma2 semaphore(%run_scoped3A : memref<!tpu.dma_semaphore, #tpu.memory_space<semaphore_mem>>) src(%arg6 : memref<128x192xf32, #tpu.memory_space<vmem>>) dst(%dma_wait3A_23 : memref<128x192xf32, #tpu.memory_space<hbm>>)
        tpu.yield
      }) : () -> ()
    }
    %scan3A_7 = arith.constant 98 : i32
    return
  }
}

module attributes {stable_mosaic.version = 14 : i64} {
  func.func @body(%arg0: i32, %arg1: memref<400x192xf32, #tpu.memory_space<vmem>>, %arg2: memref<400x1xf32, #tpu.memory_space<vmem>>, %arg3: memref<192x192xf32, #tpu.memory_space<vmem>>, %arg4: memref<1x192xf32, #tpu.memory_space<vmem>>, %arg5: memref<400x192xf32, #tpu.memory_space<vmem>>) attributes {dimension_semantics = [#tpu.dimension_semantics<arbitrary>], iteration_bounds = array<i64: 250>, scalar_prefetch = 0 : i64, scratch_operands = 0 : i64, tpu.core_type = #tpu.core_type<tc>, window_params = [{transform_indices = @transform_0, window_bounds = array<i64: 400, 192>}, {transform_indices = @transform_1, window_bounds = array<i64: 400, 1>}, {pipeline_mode = #tpu.pipeline_mode<synchronous>, transform_indices = @transform_2, window_bounds = array<i64: 192, 192>}, {pipeline_mode = #tpu.pipeline_mode<synchronous>, transform_indices = @transform_3, window_bounds = array<i64: 1, 192>}, {transform_indices = @transform_4, window_bounds = array<i64: 400, 192>}]} {
    %get3A = arith.constant 0 : index
    %get3A_0 = arith.constant 0 : index
    %get3A_1 = vector.load %arg1[%get3A, %get3A_0] : memref<400x192xf32, #tpu.memory_space<vmem>>, vector<400x192xf32>
    %get3A_2 = arith.constant 0 : index
    %get3A_3 = arith.constant 0 : index
    %get3A_4 = vector.load %arg2[%get3A_2, %get3A_3] : memref<400x1xf32, #tpu.memory_space<vmem>>, vector<400x1xf32>
    %mul3A = vector.broadcast %get3A_4 : vector<400x1xf32> to vector<400x192xf32>
    %mul3A_5 = arith.mulf %get3A_1, %mul3A : vector<400x192xf32>
    %get3A_6 = arith.constant 0 : index
    %get3A_7 = arith.constant 0 : index
    %get3A_8 = vector.load %arg3[%get3A_6, %get3A_7] : memref<192x192xf32, #tpu.memory_space<vmem>>, vector<192x192xf32>
    %dot_general3A = arith.constant dense<0.000000e+00> : vector<400x192xf32>
    %dot_general3A_9 = tpu.matmul %mul3A_5, %get3A_8, %dot_general3A {dimension_numbers = #tpu.dot_dimension_numbers<[1], [0], [0], [1], [0, 0, 1, 1], [], []>, transpose_lhs_hint = false} : vector<400x192xf32>, vector<192x192xf32>, vector<400x192xf32> -> vector<400x192xf32>
    %get3A_10 = arith.constant 0 : index
    %get3A_11 = arith.constant 0 : index
    %get3A_12 = vector.load %arg4[%get3A_10, %get3A_11] : memref<1x192xf32, #tpu.memory_space<vmem>>, vector<1x192xf32>
    %add3A = vector.broadcast %get3A_12 : vector<1x192xf32> to vector<400x192xf32>
    %add3A_13 = arith.addf %dot_general3A_9, %add3A : vector<400x192xf32>
    %swap3A = arith.constant 0 : index
    %swap3A_14 = arith.constant 0 : index
    %swap3A_15 = vector.load %arg5[%swap3A, %swap3A_14] : memref<400x192xf32, #tpu.memory_space<vmem>>, vector<400x192xf32>
    tpu.vector_store %arg5[%swap3A, %swap3A_14], %add3A_13 {strides = array<i32>} : memref<400x192xf32, #tpu.memory_space<vmem>>, vector<400x192xf32>,
    return
  }
  func.func @transform_0(%arg0: i32) -> (i32, i32) {
    %c0_i32 = arith.constant 0 : i32
    %c0_i32_0 = arith.constant 0 : i32
    return %arg0, %c0_i32 : i32, i32
  }
  func.func @transform_1(%arg0: i32) -> (i32, i32) {
    %c0_i32 = arith.constant 0 : i32
    %c0_i32_0 = arith.constant 0 : i32
    return %arg0, %c0_i32 : i32, i32
  }
  func.func @transform_2(%arg0: i32) -> (i32, i32) {
    %c0_i32 = arith.constant 0 : i32
    %c0_i32_0 = arith.constant 0 : i32
    %c0_i32_1 = arith.constant 0 : i32
    return %c0_i32, %c0_i32_0 : i32, i32
  }
  func.func @transform_3(%arg0: i32) -> (i32, i32) {
    %c0_i32 = arith.constant 0 : i32
    %c0_i32_0 = arith.constant 0 : i32
    %c0_i32_1 = arith.constant 0 : i32
    return %c0_i32, %c0_i32_0 : i32, i32
  }
  func.func @transform_4(%arg0: i32) -> (i32, i32) {
    %c0_i32 = arith.constant 0 : i32
    %c0_i32_0 = arith.constant 0 : i32
    return %arg0, %c0_i32 : i32, i32
  }
}

</mosaic_0001>

<sc_bundles>
// kernel: gather_offload_async_start
scs
__scs_entry_jumppad:
0x0: {  	(pc) =	sbr.rel $0x88, $3  }
0x1: {  	(tag) =	ssettag $0x0;
	lr =	simm.s32 $0x1  }
0x2: {  	[smem:$0x3F9B] =	sst lr;
	_ =	strace $0xD0000000  }
0x3: {  	_ = 	snop  }
0x4: {  	_ = 	snop  }
0x5: {  	_ = 	snop  }
0x6: {  	_ = 	snop  }
0x7: {  	_ = 	snop  }
__scs_overlays_trampoline_lowered:
0x8: {  	[smem:$0x3FAA] =	sst s0  }
0x9: {  	[smem:$0x3FAB] =	sst s1  }
0xa: {  	[smem:$0x3FAC] =	sst s2  }
0xb: {  	[smem:$0x3FAD] =	sst s3  }
0xc: {  	[smem:$0x3FAE] =	sst s4  }
0xd: {  	[smem:$0x3FAF] =	sst s5  }
0xe: {  	[smem:$0x3FB0] =	sst s6  }
0xf: {  	[smem:$0x3FB1] =	sst s7  }
0x10: {  	[smem:$0x3FB2] =	sst s8  }
0x11: {  	[smem:$0x3FB3] =	sst s9;
	s0 =	simm.s32 @!p0 $0x0  }
0x12: {  	s1 =	sld [smem:$0x3F99];
	s0 =	simm.s32 @p0 $0x1  }
0x13: {  	[smem:$0x3FB4] =	sst s0;
	s0 =	simm.s32 @!p1 $0x0  }
0x14: {  	s2 =	sld [smem:$0x3F98];
	s0 =	simm.s32 @p1 $0x1  }
0x15: {  	[smem:$0x3FB5] =	sst s0;
	s0 =	simm.s32 @!p2 $0x0  }
0x16: {  	s3 =	sld [smem:$0x3FDB];
	s0 =	simm.s32 @p2 $0x1  }
0x17: {  	s4 =	simm.s32 $0x1BF5;
	[smem:$0x3FB7] =	sst s0  }
0x18: {  	s0 =	sld [smem:$0x3F9A];
	_ =	swait.ge [sflag:s4], $0x0  }
0x19: {  	s7 =	sld [smem:$0x3F9B]  }
0x1a: {  	s8 =	sadd.s32 $0xFFFFE003, lr  }
0x1b: {  	s9 =	sadd.s32 $0xFFFFFEF7, lr;
	s5 =	simm.s32 $0xFFFFFFFF;
	p2 =	slt.u32 s8, $0xFFFFF086  }
0x1c: {  	p1 =	slt.u32 s9, $0xF7A;
	s5 =	simm.s32 @!p2 $0x0  }
0x1d: {  	s5 =	simm.s32 @p1 $0x1;
	p0 =	seq.s32 s7, s2  }
0x1e: {  	s7 =	smul.u32 @!p0 $0xF7A, s2;
	p2 =	seq.s32 @!p0 s5, $0x0  }
0x1f: {  	s9 =	smul.u32 $0xF7A, s1;
	s8 =	simm.s32 @!p0 $0x1BF5;
	p2 =	por !p2, p0  }
0x20: {  	[sflag:s8] =	ssyncset.s32 @!p0 $0xFFFFF086;
	s6 =	sadd.s32 @!p0 s3, s7;
	s7 =	simm.s32 @!p0 $0x108  }
0x21: {  	s3 =	sadd.s32 s3, s9;
	s6 =	sadd.s32 @!p0 $0x88, s6;
	s7 =	simm.s32 @p2 $0x1082  }
0x22: {  	[simem:s7], [sflag:s8] =	dma.local @!p0 [hbm:s6], $0xF7A  }
0x23: {  	s9 =	sor.u32 $0xD0000000, s2;
	s6 =	simm.s32 $0x108;
	_ =	swait.ge @!p0 [sflag:s8], $0x0  }
0x24: {  	s3 =	sadd.s32 $0x88, s3;
	s6 =	simm.s32 @!p1 $0x1082;
	[sflag:s4] =	ssyncset.s32 $0xFFFFF086  }
0x25: {  	[simem:s6], [sflag:s4] =	dma.local [hbm:s3], $0xF7A  }
0x26: {  	[smem:$0x3F9B] =	sst s1;
	(tag) =	ssettag s2;
	_ =	strace s9  }
0x27: {  	s1 =	sld [smem:$0x3FAB]  }
0x28: {  	s2 =	sld [smem:$0x3FAC]  }
0x29: {  	s4 =	sld [smem:$0x3FAE]  }
0x2a: {  	p0 =	seq.s32 s5, $0x0;
	s5 =	sld [smem:$0x3FAF]  }
0x2b: {  	s6 =	sld [smem:$0x3FB0]  }
0x2c: {  	s7 =	sld [smem:$0x3FB1]  }
0x2d: {  	s3 =	simm.s32 $0x108;
	s8 =	sld [smem:$0x3FB2]  }
0x2e: {  	s3 =	simm.s32 @!p0 $0x1082;
	s9 =	sld [smem:$0x3FB3]  }
0x2f: {  	lr =	sadd.s32 s0, s3;
	s0 =	sld [smem:$0x3FAA]  }
0x30: {  	s3 =	sld [smem:$0x3FAD]  }
0x31: {  	[smem:$0x3FB6] =	sst s10  }
0x32: {  	s10 =	sld [smem:$0x3FB4];
	_ =	sdelay $0x3  }
0x33: {  	p0 =	seq.s32 s10, $0x1;
	s10 =	sld [smem:$0x3FB6];
	_ =	sdelay $0x3  }
0x34: {  	[smem:$0x3FB6] =	sst s10  }
0x35: {  	s10 =	sld [smem:$0x3FB5];
	_ =	sdelay $0x3  }
0x36: {  	p1 =	seq.s32 s10, $0x1;
	s10 =	sld [smem:$0x3FB6];
	_ =	sdelay $0x3  }
0x37: {  	[smem:$0x3FB6] =	sst s10  }
0x38: {  	s10 =	sld [smem:$0x3FB7]  }
0x39: {  	_ = 	snop;
	(pc) =	sbr.ind lr, $3  }
0x3a: {  	_ = 	snop  }
0x3b: {  	_ = 	snop  }
0x3c: {  	p2 =	seq.s32 s10, $0x1;
	s10 =	sld [smem:$0x3FB6]  }
0x3d: {  	_ =	shalt  }
0x3e: {  	_ =	shalt  }
0x3f: {  	_ =	shalt  }
0x40: {  	_ =	shalt  }
0x41: {  	_ =	shalt  }
0x42: {  	_ =	shalt  }
0x43: {  	_ =	shalt  }
0x44: {  	_ =	shalt  }
0x45: {  	_ =	shalt  }
0x46: {  	_ =	shalt  }
0x47: {  	_ =	shalt  }
0x48: {  	_ =	shalt  }
0x49: {  	_ =	shalt  }
0x4a: {  	_ =	shalt  }
0x4b: {  	_ =	shalt  }
0x4c: {  	_ =	shalt  }
0x4d: {  	_ =	shalt  }
0x4e: {  	_ =	shalt  }
0x4f: {  	_ =	shalt  }
0x50: {  	_ =	shalt  }
0x51: {  	_ =	shalt  }
0x52: {  	_ =	shalt  }
0x53: {  	_ =	shalt  }
0x54: {  	_ =	shalt  }
0x55: {  	_ =	shalt  }
0x56: {  	_ =	shalt  }
0x57: {  	_ =	shalt  }
0x58: {  	_ =	shalt  }
0x59: {  	_ =	shalt  }
0x5a: {  	_ =	shalt  }
0x5b: {  	_ =	shalt  }
0x5c: {  	_ =	shalt  }
0x5d: {  	_ =	shalt  }
0x5e: {  	_ =	shalt  }
0x5f: {  	_ =	shalt  }
0x60: {  	_ =	shalt  }
0x61: {  	_ =	shalt  }
0x62: {  	_ =	shalt  }
0x63: {  	_ =	shalt  }
0x64: {  	_ =	shalt  }
0x65: {  	_ =	shalt  }
0x66: {  	_ =	shalt  }
0x67: {  	_ =	shalt  }
0x68: {  	_ =	shalt  }
0x69: {  	_ =	shalt  }
0x6a: {  	_ =	shalt  }
0x6b: {  	_ =	shalt  }
0x6c: {  	_ =	shalt  }
0x6d: {  	_ =	shalt  }
0x6e: {  	_ =	shalt  }
0x6f: {  	_ =	shalt  }
0x70: {  	_ =	shalt  }
0x71: {  	_ =	shalt  }
0x72: {  	_ =	shalt  }
0x73: {  	_ =	shalt  }
0x74: {  	_ =	shalt  }
0x75: {  	_ =	shalt  }
0x76: {  	_ =	shalt  }
0x77: {  	_ =	shalt  }
0x78: {  	_ =	shalt  }
0x79: {  	_ =	shalt  }
0x7a: {  	_ =	shalt  }
0x7b: {  	_ =	shalt  }
0x7c: {  	_ =	shalt  }
0x7d: {  	_ =	shalt  }
0x7e: {  	_ =	shalt  }
0x7f: {  	_ =	shalt  }
0x80: {  	_ =	shalt  }
0x81: {  	_ =	shalt  }
0x82: {  	_ =	shalt  }
0x83: {  	_ =	shalt  }
0x84: {  	_ =	shalt  }
0x85: {  	_ =	shalt  }
0x86: {  	_ =	shalt  }
0x87: {  	_ =	shalt  }
.Lfunc_end0:
.L_simem_size_0:
called_computation.4_lowered:
.L_overlay_start_0:
0x88: {  	s0 =	sld [smem:$0x3FD9]  }
0x89: {  	s1 =	sld [smem:$0x3FFE];
	_ =	sdelay $0x3  }
0x8a: {  	s0 =	sadd.s32 s1, s0  }
0x8b: {  	[smem:$0x3FC2] =	sst s0  }
0x8c: {  	_ = 	snop  }
0x8d: {  	(tm) =	ssettm $0x1  }
0x8e: {  	s15 =	sld [smem:$0x3FFB];
	_ =	sdelay $0x3  }
0x8f: {  	_ =	strace s15  }
0x90: {  	s0 =	sld [smem:$0x3FFC];
	_ =	sdelay $0x3  }
0x91: {  	_ =	strace s0  }
0x92: {  	s0 =	sld [smem:$0x3FFD];
	_ =	sdelay $0x3  }
0x93: {  	_ =	strace s0  }
0x94: {  	_ =	strace $0x8FFFFFFF  }
0x95: {  	s16 =	sld [smem:$0x3FDB];
	_ =	sdelay $0x1  }
0x96: {  	s17 =	simm.s32 $_scs_section_size  }
0x97: {  	s2 =	simm.s32 $_size__tile_overlayer_lowered;
	s3 =	simm.s32 $_tile_overlayer_lowered  }
0x98: {  	s20 =	simm.s32 $0x1BFF;
	s19 =	sshll.u32 s3, $0x1;
	s0 =	sadd.s32 s17, s16  }
0x99: {  	s4 =	simm.s32 $0x0;
	s18 =	sshll.u32 s2, $0x1;
	s2 =	sadd.s32 s19, s0  }
0x9a: {  	[timem:s4], [sflag:s20] =	dma.local [hbm:s2], s18  }
0x9b: {  	_ =	swait.ge [sflag:s20], s18  }
0x9c: {  	s1 =	ssub.s32 $0x0, s18;
	[sflag:s20] =	ssyncset.done $0x0  }
0x9d: {  	[sflag:s20] =	ssyncadd.s32 s1;
	_ =	sdelay $0x1  }
0x9e: {  	s21 =	simm.s32 $0x1B8B  }
0x9f: {  	_ =	swait.ge [sflag:s21], $0x1  }
0xa0: {  	[sflag:s21] =	ssyncset.done $0x0  }
0xa1: {  	s23 =	simm.s32 $0x1B8E;
	s22 =	sld [smem:$0x3FFE];
	[sflag:s21] =	ssyncadd.s32 $0xFFFFFFFF  }
0xa2: {  	s24 =	simm.s32 $execute0_lowered;
	[smem:$0x3FD2] =	sst s23  }
0xa3: {  	s2 =	sshll.u32 s24, $0x1;
	_ =	strace $0x80000046;
	[dreg:$0x1] =	wrdreg $0xFFFFFFFF  }
0xa4: {  	s25 =	simm.s32 $_size_execute0_lowered;
	s0 =	sadd.s32 s0, s2;
	[dreg:$0x0] =	wrdreg $0x0  }
0xa5: {  	s2 =	sshll.u32 s25, $0x1;
	[dreg:$0x2] =	wrdreg s0  }
0xa6: {  	[dreg:$0x3] =	wrdreg s2  }
0xa7: {  	[dreg:$0x4] =	wrdreg $0xC0  }
0xa8: {  	_ =	task [dreg:s4], $0x5FFFF  }
0xa9: {  	[dreg:$0x1] =	wrdreg $0xFFFFFFFF  }
0xaa: {  	[dreg:$0x0] =	wrdreg $0x60  }
0xab: {  	[dreg:$0x2] =	wrdreg s22  }
0xac: {  	[dreg:$0x3] =	wrdreg $0xA  }
0xad: {  	_ =	task.clear_ibuf [dreg:s4], $0x4FFFF;
	_ =	strace $0x90000046  }
0xae: {  	s26 =	simm.s32 $0xA;
	_ =	strace $0x80000048  }
0xaf: {  	_ =	swait.ge [sflag:s26], $0x1  }
0xb0: {  	[sflag:s26] =	ssyncadd.s32 $0xFFFFFFFF  }
0xb1: {  	_ =	strace $0x90000048  }
0xb2: {  	_ =	sfence  }
0xb3: {  	s28 =	sld [smem:$0x0];
	_ =	sdelay $0x1  }
0xb4: {  	s29 =	srdreg.scid  }
0xb5: {  	s30 =	sshll.u32 s29, $0xD;
	s31 =	sshrl.u32 s29, $0x2  }
0xb6: {  	s1 =	sand.u32 $0x1, s29;
	s2 =	sand.u32 $0x4000, s30;
	s0 =	sadd.s32 s31, s28  }
0xb7: {  	s1 =	sor.u32 s2, s1;
	s0 =	sshll.u32 s0, $0x11  }
0xb8: {  	s0 =	sor.u32 s0, s1  }
0xb9: {  	s0 =	sadd.s32 $0x8F2B, s0  }
0xba: {  	[sflag:s0] =	ssyncadd.remote.s32 $0x1  }
0xbb: {  	_ =	sfence.sel $0xFFFF  }
0xbc: {  	[dreg:$0x0] =	wrdreg $0xFFFFFFFF;
	(pc) =	sbr.abs _section_cstart, $3  }
0xbd: {  	[dreg:$0x1] =	wrdreg $0xFFFFFFFF  }
0xbe: {  	_ =	task.clear_ibuf [dreg:s4], $0x2FFFF;
	_ =	strace $0x9FFFFFFF  }
0xbf: {  	(tm) =	ssettm $0x7FFFFFFF  }
tec
execute0_lowered:
.L_overlay_start_1:
0x0: {  	(tag) =	ssettag $0x1  }
0x1: {  	s0 =	stileid.u32  }
0x2: {  	s1 =	smul.u32 $0x7, s0  }
0x3: {  	s2 =	smin.u32 s0, $0xD  }
0x4: {  	s1 =	sadd.s32 s2, s1  }
0x5: {  	p0 =	slt.u32 s0, $0xD;
	s2 =	simm.s32 $0xC80;
	s1 =	smul.u32 $0x190, s1  }
0x6: {  	s2 =	simm.s32 @!p0 $0xAF0  }
0x7: {  	s2 =	sadd.s32 s2, s1  }
0x8: {  	s3 =	smin.u32 s2, $0xC350  }
0x9: {  	s7 =	ssub.s32 s3, s1  }
0xa: {  	p0 =	sgt.s32 s7, $0x0  }
0xb: {  	s7 =	simm.s32 @!p0 $0x0  }
0xc: {  	s31 =	sand.u32 $0xFFF0, s7  }
0xd: {  	s2 =	sshrl.u32 s31, $0x4  }
0xe: {  	s2 =	smul.u32 $0xA3E, s2  }
0xf: {  	s4 =	rddreg [dreg:$0x0];
	s6 =	simm.s32 $0x1  }
0x10: {  	s10 =	simm.s32 $0x3;
	s13 =	simm.s32 $0x0;
	s8 =	sshrl.u32 s2, $0x10  }
0x11: {  	s12 =	simm.s32 $0x0;
	s5 =	sadd.s32 $0xC3600, s4;
	s9 =	smul.u32 $0x190, s8  }
.Ltmp0:
0x12: {  	s11 =	smov.u32 s1;
	s2 =	rddreg [dreg:$0x1];
	(pc) =	sbr.rel .LBB2_1-.Ltmp0, $4  }
0x13: {  	_ =	strace $0x80000047;
	p0 =	sne.s32 s7, s9;
	s9 =	simm.s32 $0x1  }
0x14: {  	[sflag:s6] =	ssyncpa.u1 $0x0;
	s7 =	simm.s32 $0x2;
	s9 =	simm.s32 @!p0 $0x0  }
0x15: {  	[sflag:s7] =	ssyncpa.u1 $0x0;
	p0 =	por $0x0, $0x0;
	s8 =	sadd.s32 s8, s9  }
0x16: {  	vm0 =	vmmov $0xff;
	vm1 =	vcmask $0x3F20;
	s9 =	sadd.s32 $0xC5000, s4;
	[sflag:s10] =	ssyncpa.u1 $0x0;
	s10 =	sadd.s32 $0x1, s8  }
.LBB2_6:
0x17: {  	[hbm:s17] =	stream.linear.scatter [tilespmem:s14], [sflag:$0x3], $0x400, $0x38;
	[tilespmem:$0x19320] =	vst v63  }
.LBB2_7:
0x18: {  	s13 =	sadd.s32 $0x190, s11  }
0x19: {  	s15 =	smov.u32 s1;
	p2 =	slt.s32 s13, s3  }
0x1a: {  	s15 =	smov.u32 @p2 s13;
	p2 =	sne.s32 s12, s10  }
.Ltmp1:
0x1b: {  	p1 =	slt.u32 s12, $0x2;
	(pc) =	sbr.rel @!p2 .LBB2_8-.Ltmp1, $4  }
0x1c: {  	s14 =	simm.s32 @!p1 $0x3  }
0x1d: {  	s16 =	sadd.s32 $0x1, s12;
	_ =	swait.ge @!p1 [sflag:s14], $0xC800  }
0x1e: {  	p0 =	por !p0, !p0;
	s13 =	smov.u32 s11;
	[sflag:s14] =	ssyncset.done @!p1 $0x0  }
0x1f: {  	s12 =	smov.u32 s16;
	s11 =	smov.u32 s15;
	[sflag:s14] =	ssyncadd.s32 @!p1 $0xFFFF3800  }
.LBB2_1:
0x20: {  	p1 =	sge.u32 s12, s8  }
0x21: {  	s14 =	sxor.u32 @!p1 $0xFFFFFFFF, s12  }
0x22: {  	s14 =	sand.u32 @!p1 $0x1, s14  }
0x23: {  	s14 =	smul.u32 @!p1 $0x640, s14  }
0x24: {  	s31 =	sadd.s32 $0xFFFFFFFF, s12;
	s15 =	sshrl.u32 @!p1 s11, $0x3  }
0x25: {  	s16 =	sand.u32 @!p1 $0x7, s11;
	s15 =	sadd.s32 @!p1 s5, s15;
	s14 =	sshrl.u32 @!p1 s14, $0x2  }
0x26: {  	[tilespmem:s14], [sflag:$0x2] =	stream.linear.gather @!p1 [hbm4b:s15+s16], $0x190, $0x38;
	[tilespmem:$0x19320] =	vst v63  }
0x27: {  	p1 =	sge.u32 s31, s8  }
.Ltmp2:
0x28: {  	_ = 	snop;
	(pc) =	sbr.rel @p1 .LBB2_7-.Ltmp2, $1  }
0x29: {  	_ =	sdelay $0x3  }
0x2a: {  	s14 =	simm.s32 $0x1  }
0x2b: {  	s14 =	simm.s32 @!p0 $0x0  }
0x2c: {  	s15 =	smul.u32 $0x640, s14  }
0x2d: {  	_ =	swait.ge [sflag:s7], $0x190  }
0x2e: {  	[sflag:s7] =	ssyncset.done $0x0;
	s16 =	sshrl.u32 s15, $0x2  }
0x2f: {  	[sflag:s7] =	ssyncadd.s32 $0xFFFFFE70;
	s15 =	sadd.s32 $0x0, s16  }
0x30: {  	v0 =	vld.msk [tilespmem:s15+$0x0 ss:$0x1], $0xffff;
	_ =	sdelay $0x4  }
0x31: {  	vm2 =	vgt.s32 v0, $0x0  }
0x32: {  	v0 =	vnsel vm2, $0x0, v0  }
0x33: {  	v0 =	vmin.u32 v0, $0xC34F  }
0x34: {  	v0 =	vshll.u32 v0, $0x4  }
0x35: {  	s14 =	smul.u32 $0x32000, s14;
	_ =	sdelay $0x1  }
0x36: {  	s14 =	sshrl.u32 s14, $0x2  }
0x37: {  	s14 =	sor.u32 $0x320, s14  }
0x38: {  	[tilespmem:s14], [sflag:$0x1] =	stream.indirect_vreg.gather [hbm:s4], $0x80, v0, vm0, $0x38;
	[tilespmem:$0x19320] =	vst v63  }
0x39: {  	s17 =	sadd.s32 $0x10, s16;
	s15 =	sadd.s32 $0x400, s14  }
0x3a: {  	[tilespmem:s15], [sflag:$0x1] =	stream.indirect_vreg.gather [hbm:s4], $0x80, v0, vm1, $0x38;
	[tilespmem:$0x19320] =	vst v63  }
0x3b: {  	s18 =	simm.s32 $0x80;
	v0 =	vld.msk [tilespmem:s17+$0x0 ss:$0x1], $0xffff;
	s17 =	smov.u32 s14  }
.LBB2_3:
0x3c: {  	p1 =	sne.s32 s18, $0x600;
	_ =	sdelay $0x4  }
0x3d: {  	vm2 =	vgt.s32 v0, $0x0  }
0x3e: {  	v0 =	vnsel vm2, $0x0, v0  }
0x3f: {  	v0 =	vmin.u32 v0, $0xC34F  }
0x40: {  	v0 =	vshll.u32 v0, $0x4;
	_ =	sdelay $0x3  }
.Ltmp3:
0x41: {  	s19 =	sshra.s32 s18, $0x2;
	s17 =	sadd.s32 $0x800, s17;
	(pc) =	sbr.rel @p1 .LBB2_3-.Ltmp3, $4  }
0x42: {  	[tilespmem:s17], [sflag:$0x1] =	stream.indirect_vreg.gather [hbm:s4], $0x80, v0, vm0, $0x38;
	[tilespmem:$0x19320] =	vst v63  }
0x43: {  	s19 =	sadd.s32 s19, s16;
	s20 =	sadd.s32 $0x400, s17  }
0x44: {  	[tilespmem:s20], [sflag:$0x1] =	stream.indirect_vreg.gather [hbm:s4], $0x80, v0, vm1, $0x38;
	[tilespmem:$0x19320] =	vst v63  }
0x45: {  	s18 =	sadd.s32 $0x40, s18;
	v0 =	vld.msk [tilespmem:s19+$0x0 ss:$0x1], $0xffff  }
0x46: {  	_ =	sdelay $0x3  }
0x47: {  	vm2 =	vgt.s32 v0, $0x0  }
0x48: {  	v0 =	vnsel vm2, $0x0, v0  }
0x49: {  	v0 =	vmin.u32 v0, $0xC34F  }
0x4a: {  	v0 =	vshll.u32 v0, $0x4;
	_ =	sdelay $0x3  }
0x4b: {  	s16 =	sadd.s32 $0x800, s17  }
0x4c: {  	[tilespmem:s16], [sflag:$0x1] =	stream.indirect_vreg.gather [hbm:s4], $0x80, v0, vm0, $0x38;
	[tilespmem:$0x19320] =	vst v63  }
0x4d: {  	s16 =	sadd.s32 $0x400, s16  }
0x4e: {  	[tilespmem:s16], [sflag:$0x1] =	stream.indirect_vreg.gather [hbm:s4], $0x80, v0, vm1, $0x38;
	[tilespmem:$0x19320] =	vst v63  }
0x4f: {  	s13 =	sshll.u32 s13, $0x4;
	_ =	swait.ge [sflag:s6], $0xC800  }
0x50: {  	s13 =	sadd.s32 s13, s9;
	[sflag:s6] =	ssyncset.done $0x0  }
0x51: {  	s17 =	sadd.s32 $0x0, s13;
	s16 =	simm.s32 $0x80;
	[sflag:s6] =	ssyncadd.s32 $0xFFFF3800  }
.LBB2_5:
0x52: {  	[hbm:s17] =	stream.linear.scatter [tilespmem:s14], [sflag:$0x3], $0x400, $0x38;
	[tilespmem:$0x19320] =	vst v63  }
0x53: {  	s17 =	smov.u32 s16;
	s14 =	smov.u32 s15;
	p1 =	sne.s32 s16, $0x1880  }
.Ltmp4:
0x54: {  	s16 =	sadd.s32 $0x80, s16;
	(pc) =	sbr.rel @p1 .LBB2_5-.Ltmp4, $2  }
0x55: {  	_ =	sdelay $0x2  }
0x56: {  	s15 =	sadd.s32 $0x400, s15;
	s17 =	sadd.s32 s17, s13  }
.Ltmp5:
0x57: {  	_ = 	snop;
	(pc) =	sbr.rel .LBB2_6-.Ltmp5, $1  }
0x58: {  	_ =	sdelay $0x3  }
.LBB2_8:
0x59: {  	_ =	sfence.sel $0x180000  }
0x5a: {  	s1 =	simm.s32 $0x2;
	[bflag:$0x0] =	sbarrier.arrive $0xFFFF  }
0x5b: {  	s30 =	simm.s32 $0x3;
	[sflag:s1] =	ssyncpa.u1 $0x1  }
0x5c: {  	s31 =	simm.s32 $0x1;
	[sflag:s30] =	ssyncpa.u1 $0x1  }
0x5d: {  	[sflag:s31] =	ssyncpa.u1 $0x1  }
0x5e: {  	p0 =	sne.s32 s0, $0x0;
	_ =	strace $0x90000047  }
0x5f: {  	s0 =	sadd.s32 @!p0 $0x100000, s2;
	[bflag:$0x2] =	sbarrier.arrive $0xFFFF  }
0x60: {  	[sflag:s0] =	ssyncadd.tile.s32 @!p0 $0x1;
	_ =	shalt  }
.Lfunc_end2:
_tile_overlayer_lowered:
.L_overlay_start_2:
0x61: {  	(tag) =	ssettag $0x2  }
0x62: {  	s0 =	rddreg [dreg:$0x0];
	s2 =	stileid.u32  }
0x63: {  	s1 =	rddreg [dreg:$0x1];
	p0 =	sne.s32 s2, $0x0  }
0x64: {  	s3 =	rddreg [dreg:$0x2];
	[bflag:$0x3] =	sbarrier.arrive $0xFFFF;
	s2 =	simm.s32 @!p0 $0x1C01  }
0x65: {  	[timem:s3], [sflag:s2] =	dma.local @!p0 [hbm:s0], s1  }
0x66: {  	s0 =	simm.s32 @!p0 $0x1  }
0x67: {  	_ =	swait.ge @!p0 [sflag:s0], s1  }
0x68: {  	s1 =	ssub.s32 @!p0 $0x0, s1;
	[sflag:s0] =	ssyncset.done @!p0 $0x0  }
0x69: {  	[sflag:s0] =	ssyncadd.s32 @!p0 s1  }
0x6a: {  	[bflag:$0x3] =	sbarrier.arrive $0xFFFF  }
0x6b: {  	_ =	shalt  }

// kernel: kernel.4.cloned.1.call-start
scs
__scs_entry_jumppad:
0x0: {  	(pc) =	sbr.rel $0x88, $3  }
0x1: {  	(tag) =	ssettag $0x0;
	lr =	simm.s32 $0x1  }
0x2: {  	[smem:$0x3F9B] =	sst lr;
	_ =	strace $0xD0000000  }
0x3: {  	_ = 	snop  }
0x4: {  	_ = 	snop  }
0x5: {  	_ = 	snop  }
0x6: {  	_ = 	snop  }
0x7: {  	_ = 	snop  }
__scs_overlays_trampoline_lowered:
0x8: {  	[smem:$0x3FAA] =	sst s0  }
0x9: {  	[smem:$0x3FAB] =	sst s1  }
0xa: {  	[smem:$0x3FAC] =	sst s2  }
0xb: {  	[smem:$0x3FAD] =	sst s3  }
0xc: {  	[smem:$0x3FAE] =	sst s4  }
0xd: {  	[smem:$0x3FAF] =	sst s5  }
0xe: {  	[smem:$0x3FB0] =	sst s6  }
0xf: {  	[smem:$0x3FB1] =	sst s7  }
0x10: {  	[smem:$0x3FB2] =	sst s8  }
0x11: {  	[smem:$0x3FB3] =	sst s9;
	s0 =	simm.s32 @!p0 $0x0  }
0x12: {  	s1 =	sld [smem:$0x3F99];
	s0 =	simm.s32 @p0 $0x1  }
0x13: {  	[smem:$0x3FB4] =	sst s0;
	s0 =	simm.s32 @!p1 $0x0  }
0x14: {  	s2 =	sld [smem:$0x3F98];
	s0 =	simm.s32 @p1 $0x1  }
0x15: {  	[smem:$0x3FB5] =	sst s0;
	s0 =	simm.s32 @!p2 $0x0  }
0x16: {  	s3 =	sld [smem:$0x3FDB];
	s0 =	simm.s32 @p2 $0x1  }
0x17: {  	s4 =	simm.s32 $0x1BF5;
	[smem:$0x3FB7] =	sst s0  }
0x18: {  	s0 =	sld [smem:$0x3F9A];
	_ =	swait.ge [sflag:s4], $0x0  }
0x19: {  	s7 =	sld [smem:$0x3F9B]  }
0x1a: {  	s8 =	sadd.s32 $0xFFFFE003, lr  }
0x1b: {  	s9 =	sadd.s32 $0xFFFFFEF7, lr;
	s5 =	simm.s32 $0xFFFFFFFF;
	p2 =	slt.u32 s8, $0xFFFFF086  }
0x1c: {  	p1 =	slt.u32 s9, $0xF7A;
	s5 =	simm.s32 @!p2 $0x0  }
0x1d: {  	s5 =	simm.s32 @p1 $0x1;
	p0 =	seq.s32 s7, s2  }
0x1e: {  	s7 =	smul.u32 @!p0 $0xF7A, s2;
	p2 =	seq.s32 @!p0 s5, $0x0  }
0x1f: {  	s9 =	smul.u32 $0xF7A, s1;
	s8 =	simm.s32 @!p0 $0x1BF5;
	p2 =	por !p2, p0  }
0x20: {  	[sflag:s8] =	ssyncset.s32 @!p0 $0xFFFFF086;
	s6 =	sadd.s32 @!p0 s3, s7;
	s7 =	simm.s32 @!p0 $0x108  }
0x21: {  	s3 =	sadd.s32 s3, s9;
	s6 =	sadd.s32 @!p0 $0x88, s6;
	s7 =	simm.s32 @p2 $0x1082  }
0x22: {  	[simem:s7], [sflag:s8] =	dma.local @!p0 [hbm:s6], $0xF7A  }
0x23: {  	s9 =	sor.u32 $0xD0000000, s2;
	s6 =	simm.s32 $0x108;
	_ =	swait.ge @!p0 [sflag:s8], $0x0  }
0x24: {  	s3 =	sadd.s32 $0x88, s3;
	s6 =	simm.s32 @!p1 $0x1082;
	[sflag:s4] =	ssyncset.s32 $0xFFFFF086  }
0x25: {  	[simem:s6], [sflag:s4] =	dma.local [hbm:s3], $0xF7A  }
0x26: {  	[smem:$0x3F9B] =	sst s1;
	(tag) =	ssettag s2;
	_ =	strace s9  }
0x27: {  	s1 =	sld [smem:$0x3FAB]  }
0x28: {  	s2 =	sld [smem:$0x3FAC]  }
0x29: {  	s4 =	sld [smem:$0x3FAE]  }
0x2a: {  	p0 =	seq.s32 s5, $0x0;
	s5 =	sld [smem:$0x3FAF]  }
0x2b: {  	s6 =	sld [smem:$0x3FB0]  }
0x2c: {  	s7 =	sld [smem:$0x3FB1]  }
0x2d: {  	s3 =	simm.s32 $0x108;
	s8 =	sld [smem:$0x3FB2]  }
0x2e: {  	s3 =	simm.s32 @!p0 $0x1082;
	s9 =	sld [smem:$0x3FB3]  }
0x2f: {  	lr =	sadd.s32 s0, s3;
	s0 =	sld [smem:$0x3FAA]  }
0x30: {  	s3 =	sld [smem:$0x3FAD]  }
0x31: {  	[smem:$0x3FB6] =	sst s10  }
0x32: {  	s10 =	sld [smem:$0x3FB4];
	_ =	sdelay $0x3  }
0x33: {  	p0 =	seq.s32 s10, $0x1;
	s10 =	sld [smem:$0x3FB6];
	_ =	sdelay $0x3  }
0x34: {  	[smem:$0x3FB6] =	sst s10  }
0x35: {  	s10 =	sld [smem:$0x3FB5];
	_ =	sdelay $0x3  }
0x36: {  	p1 =	seq.s32 s10, $0x1;
	s10 =	sld [smem:$0x3FB6];
	_ =	sdelay $0x3  }
0x37: {  	[smem:$0x3FB6] =	sst s10  }
0x38: {  	s10 =	sld [smem:$0x3FB7]  }
0x39: {  	_ = 	snop;
	(pc) =	sbr.ind lr, $3  }
0x3a: {  	_ = 	snop  }
0x3b: {  	_ = 	snop  }
0x3c: {  	p2 =	seq.s32 s10, $0x1;
	s10 =	sld [smem:$0x3FB6]  }
0x3d: {  	_ =	shalt  }
0x3e: {  	_ =	shalt  }
0x3f: {  	_ =	shalt  }
0x40: {  	_ =	shalt  }
0x41: {  	_ =	shalt  }
0x42: {  	_ =	shalt  }
0x43: {  	_ =	shalt  }
0x44: {  	_ =	shalt  }
0x45: {  	_ =	shalt  }
0x46: {  	_ =	shalt  }
0x47: {  	_ =	shalt  }
0x48: {  	_ =	shalt  }
0x49: {  	_ =	shalt  }
0x4a: {  	_ =	shalt  }
0x4b: {  	_ =	shalt  }
0x4c: {  	_ =	shalt  }
0x4d: {  	_ =	shalt  }
0x4e: {  	_ =	shalt  }
0x4f: {  	_ =	shalt  }
0x50: {  	_ =	shalt  }
0x51: {  	_ =	shalt  }
0x52: {  	_ =	shalt  }
0x53: {  	_ =	shalt  }
0x54: {  	_ =	shalt  }
0x55: {  	_ =	shalt  }
0x56: {  	_ =	shalt  }
0x57: {  	_ =	shalt  }
0x58: {  	_ =	shalt  }
0x59: {  	_ =	shalt  }
0x5a: {  	_ =	shalt  }
0x5b: {  	_ =	shalt  }
0x5c: {  	_ =	shalt  }
0x5d: {  	_ =	shalt  }
0x5e: {  	_ =	shalt  }
0x5f: {  	_ =	shalt  }
0x60: {  	_ =	shalt  }
0x61: {  	_ =	shalt  }
0x62: {  	_ =	shalt  }
0x63: {  	_ =	shalt  }
0x64: {  	_ =	shalt  }
0x65: {  	_ =	shalt  }
0x66: {  	_ =	shalt  }
0x67: {  	_ =	shalt  }
0x68: {  	_ =	shalt  }
0x69: {  	_ =	shalt  }
0x6a: {  	_ =	shalt  }
0x6b: {  	_ =	shalt  }
0x6c: {  	_ =	shalt  }
0x6d: {  	_ =	shalt  }
0x6e: {  	_ =	shalt  }
0x6f: {  	_ =	shalt  }
0x70: {  	_ =	shalt  }
0x71: {  	_ =	shalt  }
0x72: {  	_ =	shalt  }
0x73: {  	_ =	shalt  }
0x74: {  	_ =	shalt  }
0x75: {  	_ =	shalt  }
0x76: {  	_ =	shalt  }
0x77: {  	_ =	shalt  }
0x78: {  	_ =	shalt  }
0x79: {  	_ =	shalt  }
0x7a: {  	_ =	shalt  }
0x7b: {  	_ =	shalt  }
0x7c: {  	_ =	shalt  }
0x7d: {  	_ =	shalt  }
0x7e: {  	_ =	shalt  }
0x7f: {  	_ =	shalt  }
0x80: {  	_ =	shalt  }
0x81: {  	_ =	shalt  }
0x82: {  	_ =	shalt  }
0x83: {  	_ =	shalt  }
0x84: {  	_ =	shalt  }
0x85: {  	_ =	shalt  }
0x86: {  	_ =	shalt  }
0x87: {  	_ =	shalt  }
.Lfunc_end0:
.L_simem_size_0:
called_computation.5_lowered:
.L_overlay_start_0:
0x88: {  	s2 =	sld [smem:$0x3FD9]  }
0x89: {  	s3 =	sld [smem:$0x3FFE];
	_ =	sdelay $0x1  }
0x8a: {  	s1 =	srdreg.scid  }
0x8b: {  	s0 =	sand.u32 $0x1, s1  }
0x8c: {  	s16 =	sshll.u32 s0, $0xA;
	s2 =	sadd.s32 s3, s2  }
0x8d: {  	s2 =	sadd.s32 s2, s16  }
0x8e: {  	[smem:$0x3FC2] =	sst s2  }
0x8f: {  	_ = 	snop  }
0x90: {  	(tm) =	ssettm $0x1  }
0x91: {  	s17 =	sld [smem:$0x3FFB];
	_ =	sdelay $0x3  }
0x92: {  	_ =	strace s17  }
0x93: {  	s2 =	sld [smem:$0x3FFC];
	_ =	sdelay $0x3  }
0x94: {  	_ =	strace s2  }
0x95: {  	s2 =	sld [smem:$0x3FFD];
	_ =	sdelay $0x3  }
0x96: {  	_ =	strace s2  }
0x97: {  	_ =	strace $0x8FFFFFFF  }
0x98: {  	s18 =	sld [smem:$0x3FDB];
	_ =	sdelay $0x1  }
0x99: {  	s19 =	simm.s32 $_scs_section_size  }
0x9a: {  	s4 =	simm.s32 $_size__tile_overlayer_lowered;
	s5 =	simm.s32 $_tile_overlayer_lowered  }
0x9b: {  	s22 =	simm.s32 $0x1BFF;
	s21 =	sshll.u32 s5, $0x1;
	s2 =	sadd.s32 s19, s18  }
0x9c: {  	s6 =	simm.s32 $0x0;
	s20 =	sshll.u32 s4, $0x1;
	s4 =	sadd.s32 s21, s2  }
0x9d: {  	[timem:s6], [sflag:s22] =	dma.local [hbm:s4], s20  }
0x9e: {  	_ =	swait.ge [sflag:s22], s20  }
0x9f: {  	s3 =	ssub.s32 $0x0, s20;
	[sflag:s22] =	ssyncset.done $0x0  }
0xa0: {  	[sflag:s22] =	ssyncadd.s32 s3;
	_ =	sdelay $0x1  }
0xa1: {  	s23 =	simm.s32 $0x1B8B  }
0xa2: {  	_ =	swait.ge [sflag:s23], $0x1  }
0xa3: {  	[sflag:s23] =	ssyncset.done $0x0  }
0xa4: {  	s25 =	simm.s32 $0x1B8E;
	s24 =	sld [smem:$0x3FFE];
	[sflag:s23] =	ssyncadd.s32 $0xFFFFFFFF  }
0xa5: {  	s26 =	simm.s32 $execute0_lowered;
	[smem:$0x3FD2] =	sst s25  }
0xa6: {  	s4 =	sshll.u32 s26, $0x1;
	_ =	strace $0x8000004C;
	[dreg:$0x1] =	wrdreg $0xFFFFFFFF  }
0xa7: {  	s28 =	simm.s32 $_size_execute0_lowered;
	s2 =	sadd.s32 s2, s4;
	[dreg:$0x0] =	wrdreg $0x0  }
0xa8: {  	s4 =	sshll.u32 s28, $0x1;
	[dreg:$0x2] =	wrdreg s2  }
0xa9: {  	[dreg:$0x3] =	wrdreg s4  }
0xaa: {  	[dreg:$0x4] =	wrdreg $0xC0  }
0xab: {  	_ =	task [dreg:s6], $0x5FFFF  }
0xac: {  	[dreg:$0x1] =	wrdreg $0xFFFFFFFF  }
0xad: {  	[dreg:$0x0] =	wrdreg $0x60  }
0xae: {  	[dreg:$0x2] =	wrdreg s24  }
0xaf: {  	[dreg:$0x3] =	wrdreg $0x9  }
0xb0: {  	_ =	task.clear_ibuf [dreg:s6], $0x4FFFF;
	_ =	strace $0x9000004C  }
0xb1: {  	s29 =	simm.s32 $0x9;
	_ =	strace $0x8000004E  }
0xb2: {  	_ =	swait.ge [sflag:s29], $0x1  }
0xb3: {  	[sflag:s29] =	ssyncadd.s32 $0xFFFFFFFF  }
0xb4: {  	_ =	strace $0x9000004E  }
0xb5: {  	_ =	sfence  }
0xb6: {  	s30 =	sld [smem:$0x0];
	_ =	sdelay $0x2  }
0xb7: {  	s31 =	sshll.u32 s1, $0xD;
	s1 =	sshrl.u32 s1, $0x2  }
0xb8: {  	s3 =	sand.u32 $0x4000, s31;
	s1 =	sadd.s32 s1, s30  }
0xb9: {  	s0 =	sor.u32 s3, s0;
	s1 =	sshll.u32 s1, $0x11  }
0xba: {  	s0 =	sor.u32 s1, s0  }
0xbb: {  	s0 =	sadd.s32 $0x8F2B, s0  }
0xbc: {  	[sflag:s0] =	ssyncadd.remote.s32 $0x1  }
0xbd: {  	_ =	sfence.sel $0xFFFF  }
0xbe: {  	[dreg:$0x0] =	wrdreg $0xFFFFFFFF;
	(pc) =	sbr.abs _section_cstart, $3  }
0xbf: {  	[dreg:$0x1] =	wrdreg $0xFFFFFFFF  }
0xc0: {  	_ =	task.clear_ibuf [dreg:s6], $0x2FFFF;
	_ =	strace $0x9FFFFFFF  }
0xc1: {  	(tm) =	ssettm $0x7FFFFFFF  }
tec
execute0_lowered:
.L_overlay_start_1:
0x0: {  	(tag) =	ssettag $0x1  }
0x1: {  	s6 =	rddreg [dreg:$0x0]  }
0x2: {  	s0 =	rddreg [dreg:$0x1];
	s1 =	stileid.u32  }
0x3: {  	s2 =	simm.s32 $0x0;
	s3 =	srdreg.scid;
	s4 =	smul.u32 $0x93000, s1  }
0x4: {  	[smem:$0x7FF] =	sst s2;
	s5 =	sand.u32 $0x1, s3;
	s7 =	smul.u32 $0x6200, s1  }
0x5: {  	s3 =	sadd.s32 $0xC400, s6;
	s8 =	ssub.s32 $0x2, s5;
	s9 =	smul.u32 $0x3100, s5  }
0x6: {  	_ =	strace $0x8000004D;
	s5 =	smul.u32 $0x49800, s5;
	s10 =	sshrl.u32 s8, $0x1  }
0x7: {  	s11 =	sadd.s32 s4, s6;
	s31 =	ssub.s32 s8, s10;
	s7 =	sadd.s32 s9, s7  }
0x8: {  	s5 =	sadd.s32 s5, s11;
	s8 =	simm.s32 $0x80;
	s9 =	simm.s32 $0x1  }
0x9: {  	s10 =	simm.s32 $0x0;
	s4 =	smax.u32 s31, $0x1;
	s7 =	sshrl.u32 s7, $0x3  }
0xa: {  	s5 =	sadd.s32 $0x131400, s5;
	s6 =	sadd.s32 s7, s6;
	s7 =	simm.s32 $0x2  }
.LBB2_1:
0xb: {  	s11 =	sadd.s32 $0x0, s6  }
0xc: {  	[tilespmem:s2], [sflag:$0x2] =	stream.linear.gather [hbm4b:s11+s2], $0x80, $0x38;
	[tilespmem:$0x6080] =	vst v63  }
0xd: {  	_ =	swait.ge [sflag:s7], $0x80  }
0xe: {  	[sflag:s7] =	ssyncset.done $0x0  }
0xf: {  	[sflag:s7] =	ssyncadd.s32 $0xFFFFFF80  }
0x10: {  	[tilespmem:s8], [sflag:$0x1] =	stream.indirect.gather [hbm4b:s3+s8], $0xC0, s2, s8, $0xb8;
	[tilespmem:$0x6080] =	vst v63  }
0x11: {  	_ =	swait.ge [sflag:s9], $0x6000  }
0x12: {  	[sflag:s9] =	ssyncset.done $0x0  }
0x13: {  	[sflag:s9] =	ssyncadd.s32 $0xFFFFA000  }
0x14: {  	[hbm4b:s5+s2] =	stream.linear.scatter [tilespmem:s8], [sflag:$0x2], $0x6000, $0x38;
	[tilespmem:$0x6080] =	vst v63  }
0x15: {  	s12 =	simm.s32 $0x10;
	_ =	swait.ge [sflag:s7], $0x6000  }
0x16: {  	s13 =	simm.s32 $0x20;
	s11 =	sadd.s32 $0xC00, s5;
	[sflag:s7] =	ssyncset.done $0x0  }
.LBB2_2:
0x17: {  	s14 =	sadd.s32 s12, s6  }
0x18: {  	[sflag:s7] =	ssyncadd.s32 $0xFFFFA000;
	s12 =	smov.u32 s13;
	s15 =	sadd.s32 $0x10, s13  }
0x19: {  	[tilespmem:s2], [sflag:$0x2] =	stream.linear.gather [hbm4b:s14+s2], $0x80, $0x38;
	[tilespmem:$0x6080] =	vst v63  }
0x1a: {  	p0 =	sne.s32 s13, $0x610;
	_ =	swait.ge [sflag:s7], $0x80  }
0x1b: {  	[sflag:s7] =	ssyncset.done $0x0  }
0x1c: {  	[sflag:s7] =	ssyncadd.s32 $0xFFFFFF80  }
0x1d: {  	[tilespmem:s8], [sflag:$0x1] =	stream.indirect.gather [hbm4b:s3+s8], $0xC0, s2, s8, $0xb8;
	[tilespmem:$0x6080] =	vst v63  }
0x1e: {  	_ =	swait.ge [sflag:s9], $0x6000  }
.Ltmp0:
0x1f: {  	[sflag:s9] =	ssyncset.done $0x0;
	(pc) =	sbr.rel @p0 .LBB2_2-.Ltmp0, $4  }
0x20: {  	[sflag:s9] =	ssyncadd.s32 $0xFFFFA000  }
0x21: {  	[hbm4b:s11+s2] =	stream.linear.scatter [tilespmem:s8], [sflag:$0x2], $0x6000, $0x38;
	[tilespmem:$0x6080] =	vst v63  }
0x22: {  	_ =	swait.ge [sflag:s7], $0x6000  }
0x23: {  	s13 =	smov.u32 s15;
	s11 =	sadd.s32 $0xC00, s11;
	[sflag:s7] =	ssyncset.done $0x0  }
0x24: {  	s12 =	sadd.s32 s12, s6;
	[sflag:s7] =	ssyncadd.s32 $0xFFFFA000  }
0x25: {  	[tilespmem:s2], [sflag:$0x2] =	stream.linear.gather [hbm4b:s12+s2], $0x80, $0x38;
	[tilespmem:$0x6080] =	vst v63  }
0x26: {  	_ =	swait.ge [sflag:s7], $0x80  }
0x27: {  	[sflag:s7] =	ssyncset.done $0x0  }
0x28: {  	[sflag:s7] =	ssyncadd.s32 $0xFFFFFF80  }
0x29: {  	[tilespmem:s8], [sflag:$0x1] =	stream.indirect.gather [hbm4b:s3+s8], $0xC0, s2, s8, $0xb8;
	[tilespmem:$0x6080] =	vst v63  }
0x2a: {  	s10 =	sadd.s32 $0x1, s10;
	_ =	swait.ge [sflag:s9], $0x6000  }
0x2b: {  	p0 =	sne.s32 s10, s4;
	[sflag:s9] =	ssyncset.done $0x0  }
.Ltmp1:
0x2c: {  	[sflag:s9] =	ssyncadd.s32 $0xFFFFA000;
	(pc) =	sbr.rel @p0 .LBB2_1-.Ltmp1, $4  }
0x2d: {  	[hbm4b:s11+s2] =	stream.linear.scatter [tilespmem:s8], [sflag:$0x2], $0x6000, $0x38;
	[tilespmem:$0x6080] =	vst v63  }
0x2e: {  	_ =	swait.ge [sflag:s7], $0x6000  }
0x2f: {  	[sflag:s7] =	ssyncset.done $0x0  }
0x30: {  	[sflag:s7] =	ssyncadd.s32 $0xFFFFA000  }
0x31: {  	_ =	sfence.sel $0x180000  }
0x32: {  	[bflag:$0x0] =	sbarrier.arrive $0xFFFF  }
0x33: {  	p0 =	sne.s32 s1, $0x0;
	_ =	strace $0x9000004D  }
0x34: {  	s0 =	sadd.s32 @!p0 $0x100000, s0;
	[bflag:$0x2] =	sbarrier.arrive $0xFFFF  }
0x35: {  	[sflag:s0] =	ssyncadd.tile.s32 @!p0 $0x1;
	_ =	shalt  }
.Lfunc_end2:
_tile_overlayer_lowered:
.L_overlay_start_2:
0x36: {  	(tag) =	ssettag $0x2  }
0x37: {  	s0 =	rddreg [dreg:$0x0];
	s2 =	stileid.u32  }
0x38: {  	s1 =	rddreg [dreg:$0x1];
	p0 =	sne.s32 s2, $0x0  }
0x39: {  	s3 =	rddreg [dreg:$0x2];
	[bflag:$0x3] =	sbarrier.arrive $0xFFFF;
	s2 =	simm.s32 @!p0 $0x1C02  }
0x3a: {  	[timem:s3], [sflag:s2] =	dma.local @!p0 [hbm:s0], s1  }
0x3b: {  	s0 =	simm.s32 @!p0 $0x2  }
0x3c: {  	_ =	swait.ge @!p0 [sflag:s0], s1  }
0x3d: {  	s1 =	ssub.s32 @!p0 $0x0, s1;
	[sflag:s0] =	ssyncset.done @!p0 $0x0  }
0x3e: {  	[sflag:s0] =	ssyncadd.s32 @!p0 s1  }
0x3f: {  	[bflag:$0x3] =	sbarrier.arrive $0xFFFF  }
0x40: {  	_ =	shalt  }

// kernel: scatter_offload_async_start.1
scs
__scs_entry_jumppad:
0x0: {  	(pc) =	sbr.rel $0x88, $3  }
0x1: {  	(tag) =	ssettag $0x0;
	lr =	simm.s32 $0x1  }
0x2: {  	[smem:$0x3F9B] =	sst lr;
	_ =	strace $0xD0000000  }
0x3: {  	_ = 	snop  }
0x4: {  	_ = 	snop  }
0x5: {  	_ = 	snop  }
0x6: {  	_ = 	snop  }
0x7: {  	_ = 	snop  }
__scs_overlays_trampoline_lowered:
0x8: {  	[smem:$0x3FAA] =	sst s0  }
0x9: {  	[smem:$0x3FAB] =	sst s1  }
0xa: {  	[smem:$0x3FAC] =	sst s2  }
0xb: {  	[smem:$0x3FAD] =	sst s3  }
0xc: {  	[smem:$0x3FAE] =	sst s4  }
0xd: {  	[smem:$0x3FAF] =	sst s5  }
0xe: {  	[smem:$0x3FB0] =	sst s6  }
0xf: {  	[smem:$0x3FB1] =	sst s7  }
0x10: {  	[smem:$0x3FB2] =	sst s8  }
0x11: {  	[smem:$0x3FB3] =	sst s9;
	s0 =	simm.s32 @!p0 $0x0  }
0x12: {  	s1 =	sld [smem:$0x3F99];
	s0 =	simm.s32 @p0 $0x1  }
0x13: {  	[smem:$0x3FB4] =	sst s0;
	s0 =	simm.s32 @!p1 $0x0  }
0x14: {  	s2 =	sld [smem:$0x3F98];
	s0 =	simm.s32 @p1 $0x1  }
0x15: {  	[smem:$0x3FB5] =	sst s0;
	s0 =	simm.s32 @!p2 $0x0  }
0x16: {  	s3 =	sld [smem:$0x3FDB];
	s0 =	simm.s32 @p2 $0x1  }
0x17: {  	s4 =	simm.s32 $0x1BF5;
	[smem:$0x3FB7] =	sst s0  }
0x18: {  	s0 =	sld [smem:$0x3F9A];
	_ =	swait.ge [sflag:s4], $0x0  }
0x19: {  	s7 =	sld [smem:$0x3F9B]  }
0x1a: {  	s8 =	sadd.s32 $0xFFFFE003, lr  }
0x1b: {  	s9 =	sadd.s32 $0xFFFFFEF7, lr;
	s5 =	simm.s32 $0xFFFFFFFF;
	p2 =	slt.u32 s8, $0xFFFFF086  }
0x1c: {  	p1 =	slt.u32 s9, $0xF7A;
	s5 =	simm.s32 @!p2 $0x0  }
0x1d: {  	s5 =	simm.s32 @p1 $0x1;
	p0 =	seq.s32 s7, s2  }
0x1e: {  	s7 =	smul.u32 @!p0 $0xF7A, s2;
	p2 =	seq.s32 @!p0 s5, $0x0  }
0x1f: {  	s9 =	smul.u32 $0xF7A, s1;
	s8 =	simm.s32 @!p0 $0x1BF5;
	p2 =	por !p2, p0  }
0x20: {  	[sflag:s8] =	ssyncset.s32 @!p0 $0xFFFFF086;
	s6 =	sadd.s32 @!p0 s3, s7;
	s7 =	simm.s32 @!p0 $0x108  }
0x21: {  	s3 =	sadd.s32 s3, s9;
	s6 =	sadd.s32 @!p0 $0x88, s6;
	s7 =	simm.s32 @p2 $0x1082  }
0x22: {  	[simem:s7], [sflag:s8] =	dma.local @!p0 [hbm:s6], $0xF7A  }
0x23: {  	s9 =	sor.u32 $0xD0000000, s2;
	s6 =	simm.s32 $0x108;
	_ =	swait.ge @!p0 [sflag:s8], $0x0  }
0x24: {  	s3 =	sadd.s32 $0x88, s3;
	s6 =	simm.s32 @!p1 $0x1082;
	[sflag:s4] =	ssyncset.s32 $0xFFFFF086  }
0x25: {  	[simem:s6], [sflag:s4] =	dma.local [hbm:s3], $0xF7A  }
0x26: {  	[smem:$0x3F9B] =	sst s1;
	(tag) =	ssettag s2;
	_ =	strace s9  }
0x27: {  	s1 =	sld [smem:$0x3FAB]  }
0x28: {  	s2 =	sld [smem:$0x3FAC]  }
0x29: {  	s4 =	sld [smem:$0x3FAE]  }
0x2a: {  	p0 =	seq.s32 s5, $0x0;
	s5 =	sld [smem:$0x3FAF]  }
0x2b: {  	s6 =	sld [smem:$0x3FB0]  }
0x2c: {  	s7 =	sld [smem:$0x3FB1]  }
0x2d: {  	s3 =	simm.s32 $0x108;
	s8 =	sld [smem:$0x3FB2]  }
0x2e: {  	s3 =	simm.s32 @!p0 $0x1082;
	s9 =	sld [smem:$0x3FB3]  }
0x2f: {  	lr =	sadd.s32 s0, s3;
	s0 =	sld [smem:$0x3FAA]  }
0x30: {  	s3 =	sld [smem:$0x3FAD]  }
0x31: {  	[smem:$0x3FB6] =	sst s10  }
0x32: {  	s10 =	sld [smem:$0x3FB4];
	_ =	sdelay $0x3  }
0x33: {  	p0 =	seq.s32 s10, $0x1;
	s10 =	sld [smem:$0x3FB6];
	_ =	sdelay $0x3  }
0x34: {  	[smem:$0x3FB6] =	sst s10  }
0x35: {  	s10 =	sld [smem:$0x3FB5];
	_ =	sdelay $0x3  }
0x36: {  	p1 =	seq.s32 s10, $0x1;
	s10 =	sld [smem:$0x3FB6];
	_ =	sdelay $0x3  }
0x37: {  	[smem:$0x3FB6] =	sst s10  }
0x38: {  	s10 =	sld [smem:$0x3FB7]  }
0x39: {  	_ = 	snop;
	(pc) =	sbr.ind lr, $3  }
0x3a: {  	_ = 	snop  }
0x3b: {  	_ = 	snop  }
0x3c: {  	p2 =	seq.s32 s10, $0x1;
	s10 =	sld [smem:$0x3FB6]  }
0x3d: {  	_ =	shalt  }
0x3e: {  	_ =	shalt  }
0x3f: {  	_ =	shalt  }
0x40: {  	_ =	shalt  }
0x41: {  	_ =	shalt  }
0x42: {  	_ =	shalt  }
0x43: {  	_ =	shalt  }
0x44: {  	_ =	shalt  }
0x45: {  	_ =	shalt  }
0x46: {  	_ =	shalt  }
0x47: {  	_ =	shalt  }
0x48: {  	_ =	shalt  }
0x49: {  	_ =	shalt  }
0x4a: {  	_ =	shalt  }
0x4b: {  	_ =	shalt  }
0x4c: {  	_ =	shalt  }
0x4d: {  	_ =	shalt  }
0x4e: {  	_ =	shalt  }
0x4f: {  	_ =	shalt  }
0x50: {  	_ =	shalt  }
0x51: {  	_ =	shalt  }
0x52: {  	_ =	shalt  }
0x53: {  	_ =	shalt  }
0x54: {  	_ =	shalt  }
0x55: {  	_ =	shalt  }
0x56: {  	_ =	shalt  }
0x57: {  	_ =	shalt  }
0x58: {  	_ =	shalt  }
0x59: {  	_ =	shalt  }
0x5a: {  	_ =	shalt  }
0x5b: {  	_ =	shalt  }
0x5c: {  	_ =	shalt  }
0x5d: {  	_ =	shalt  }
0x5e: {  	_ =	shalt  }
0x5f: {  	_ =	shalt  }
0x60: {  	_ =	shalt  }
0x61: {  	_ =	shalt  }
0x62: {  	_ =	shalt  }
0x63: {  	_ =	shalt  }
0x64: {  	_ =	shalt  }
0x65: {  	_ =	shalt  }
0x66: {  	_ =	shalt  }
0x67: {  	_ =	shalt  }
0x68: {  	_ =	shalt  }
0x69: {  	_ =	shalt  }
0x6a: {  	_ =	shalt  }
0x6b: {  	_ =	shalt  }
0x6c: {  	_ =	shalt  }
0x6d: {  	_ =	shalt  }
0x6e: {  	_ =	shalt  }
0x6f: {  	_ =	shalt  }
0x70: {  	_ =	shalt  }
0x71: {  	_ =	shalt  }
0x72: {  	_ =	shalt  }
0x73: {  	_ =	shalt  }
0x74: {  	_ =	shalt  }
0x75: {  	_ =	shalt  }
0x76: {  	_ =	shalt  }
0x77: {  	_ =	shalt  }
0x78: {  	_ =	shalt  }
0x79: {  	_ =	shalt  }
0x7a: {  	_ =	shalt  }
0x7b: {  	_ =	shalt  }
0x7c: {  	_ =	shalt  }
0x7d: {  	_ =	shalt  }
0x7e: {  	_ =	shalt  }
0x7f: {  	_ =	shalt  }
0x80: {  	_ =	shalt  }
0x81: {  	_ =	shalt  }
0x82: {  	_ =	shalt  }
0x83: {  	_ =	shalt  }
0x84: {  	_ =	shalt  }
0x85: {  	_ =	shalt  }
0x86: {  	_ =	shalt  }
0x87: {  	_ =	shalt  }
.Lfunc_end0:
.L_simem_size_0:
called_computation.1_lowered:
.L_overlay_start_0:
0x88: {  	s0 =	sld [smem:$0x3FD9]  }
0x89: {  	s1 =	sld [smem:$0x3FFE];
	_ =	sdelay $0x3  }
0x8a: {  	s0 =	sadd.s32 s1, s0  }
0x8b: {  	[smem:$0x3FC2] =	sst s0  }
0x8c: {  	_ = 	snop  }
0x8d: {  	s0 =	sld [smem:$0x3FD0];
	(tm) =	ssettm $0x1  }
0x8e: {  	s16 =	sld [smem:$0x3FFB];
	_ =	sdelay $0x3  }
0x8f: {  	_ =	strace s16  }
0x90: {  	s1 =	sld [smem:$0x3FFC];
	_ =	sdelay $0x3  }
0x91: {  	_ =	strace s1  }
0x92: {  	s1 =	sld [smem:$0x3FFD];
	_ =	sdelay $0x3  }
0x93: {  	_ =	strace s1  }
0x94: {  	_ =	strace $0x8FFFFFFF  }
0x95: {  	s17 =	sld [smem:$0x3FDB];
	_ =	sdelay $0x1  }
0x96: {  	s2 =	simm.s32 $_scs_section_size  }
0x97: {  	s3 =	simm.s32 $_size__tile_overlayer_lowered;
	s4 =	simm.s32 $_tile_overlayer_lowered  }
0x98: {  	s20 =	simm.s32 $0x1BFF;
	s19 =	sshll.u32 s4, $0x1;
	s1 =	sadd.s32 s2, s17  }
0x99: {  	s5 =	simm.s32 $0x0;
	s18 =	sshll.u32 s3, $0x1;
	s3 =	sadd.s32 s19, s1  }
0x9a: {  	[timem:s5], [sflag:s20] =	dma.local [hbm:s3], s18  }
0x9b: {  	_ =	swait.ge [sflag:s20], s18  }
0x9c: {  	s2 =	ssub.s32 $0x0, s18;
	[sflag:s20] =	ssyncset.done $0x0  }
0x9d: {  	[sflag:s20] =	ssyncadd.s32 s2;
	_ =	sdelay $0x1  }
0x9e: {  	s21 =	simm.s32 $0x1B8B  }
0x9f: {  	_ =	swait.ge [sflag:s21], $0x1  }
0xa0: {  	[sflag:s21] =	ssyncset.done $0x0  }
0xa1: {  	s23 =	simm.s32 $0x1B8E;
	s22 =	sld [smem:$0x3FFE];
	[sflag:s21] =	ssyncadd.s32 $0xFFFFFFFF  }
0xa2: {  	s24 =	simm.s32 $execute0_lowered;
	[smem:$0x3FD2] =	sst s23  }
0xa3: {  	s3 =	sshll.u32 s24, $0x1;
	_ =	strace $0x8000004F;
	[dreg:$0x1] =	wrdreg $0xFFFFFFFF  }
0xa4: {  	s25 =	simm.s32 $_size_execute0_lowered;
	s1 =	sadd.s32 s1, s3;
	[dreg:$0x0] =	wrdreg $0x0  }
0xa5: {  	s3 =	sshll.u32 s25, $0x1;
	[dreg:$0x2] =	wrdreg s1  }
0xa6: {  	[dreg:$0x3] =	wrdreg s3  }
0xa7: {  	[dreg:$0x4] =	wrdreg $0xC0  }
0xa8: {  	_ =	task [dreg:s5], $0x5FFFF  }
0xa9: {  	[dreg:$0x1] =	wrdreg $0xFFFFFFFF  }
0xaa: {  	[dreg:$0x0] =	wrdreg $0x60  }
0xab: {  	[dreg:$0x2] =	wrdreg s22  }
0xac: {  	[dreg:$0x3] =	wrdreg s0  }
0xad: {  	[dreg:$0x4] =	wrdreg $0xA  }
0xae: {  	_ =	task.clear_ibuf [dreg:s5], $0x5FFFF;
	_ =	strace $0x9000004F  }
0xaf: {  	s26 =	simm.s32 $0xA;
	_ =	strace $0x80000051  }
0xb0: {  	_ =	swait.ge [sflag:s26], $0x1  }
0xb1: {  	[sflag:s26] =	ssyncadd.s32 $0xFFFFFFFF  }
0xb2: {  	_ =	strace $0x90000051  }
0xb3: {  	_ =	sfence  }
0xb4: {  	s28 =	sld [smem:$0x0];
	_ =	sdelay $0x1  }
0xb5: {  	s29 =	srdreg.scid  }
0xb6: {  	s30 =	sshll.u32 s29, $0xD;
	s31 =	sshrl.u32 s29, $0x2  }
0xb7: {  	s2 =	sand.u32 $0x4000, s30;
	s1 =	sand.u32 $0x1, s29;
	s0 =	sadd.s32 s31, s28  }
0xb8: {  	s1 =	sor.u32 s2, s1;
	s0 =	sshll.u32 s0, $0x11  }
0xb9: {  	s0 =	sor.u32 s0, s1  }
0xba: {  	s0 =	sadd.s32 $0x8F2B, s0  }
0xbb: {  	[sflag:s0] =	ssyncadd.remote.s32 $0x1  }
0xbc: {  	_ =	sfence.sel $0xFFFF  }
0xbd: {  	[dreg:$0x0] =	wrdreg $0xFFFFFFFF;
	(pc) =	sbr.abs _section_cstart, $3  }
0xbe: {  	[dreg:$0x1] =	wrdreg $0xFFFFFFFF  }
0xbf: {  	_ =	task.clear_ibuf [dreg:s5], $0x2FFFF;
	_ =	strace $0x9FFFFFFF  }
0xc0: {  	(tm) =	ssettm $0x7FFFFFFF  }
0xc1: {  	_ =	shalt  }
tec
execute0_lowered:
.L_overlay_start_1:
0x0: {  	(tag) =	ssettag $0x1  }
0x1: {  	s1 =	rddreg [dreg:$0x0]  }
0x2: {  	s3 =	rddreg [dreg:$0x1]  }
0x3: {  	s14 =	stileid.u32;
	_ =	strace $0x80000050;
	s2 =	simm.s32 $0x1  }
0x4: {  	v1 =	vimm.s32 $0xFFFFFFFF;
	s0 =	smul.u32 $0x3, s14;
	[sflag:s2] =	ssyncpa.u1 $0x0  }
0x5: {  	s4 =	smin.u32 s14, $0x2;
	[tilespmem:$0x10] =	vst v1  }
0x6: {  	v0 =	vimm.f32 $0.0e+00;
	[tilespmem:$0x20] =	vst v1;
	s0 =	sadd.s32 s4, s0  }
0x7: {  	p0 =	slt.u32 s14, $0x2;
	[tilespmem:$0x30] =	vst v0;
	s4 =	smul.u32 $0x1F40, s0;
	s0 =	simm.s32 $0x7D00  }
0x8: {  	[tilespmem:$0x40] =	vst v0;
	s0 =	simm.s32 @!p0 $0x5DC0  }
0x9: {  	[tilespmem:$0x50] =	vst v0;
	s0 =	sadd.s32 s0, s4  }
0xa: {  	[tilespmem:$0x60] =	vst v1;
	s5 =	smin.u32 s0, $0x61A80  }
0xb: {  	s7 =	simm.s32 $0x2;
	[tilespmem:$0x70] =	vst v1;
	s0 =	ssub.s32 s5, s4  }
0xc: {  	s8 =	simm.s32 $0x8;
	s31 =	simm.s32 $0x9;
	[tilespmem:$0x80] =	vst v1;
	p0 =	sgt.s32 s0, $0x0  }
0xd: {  	s16 =	simm.s32 $0x0;
	s17 =	simm.s32 $0xF0;
	v1 =	vimm.s32 $0x0;
	[tilespmem:$0xB0] =	vst v0;
	s0 =	simm.s32 @!p0 $0x0  }
0xe: {  	s18 =	simm.s32 $0xFFFFFFFF;
	s19 =	simm.s32 $0xFFFFC280;
	[tilespmem:$0x90] =	vst v1;
	s6 =	smulhi.u32 $0x10624DD3, s0  }
0xf: {  	s20 =	simm.s32 $0xFFFFFFFE;
	[tilespmem:$0xA0] =	vst v1;
	[sflag:s7] =	ssyncpa.u1 $0x0;
	s7 =	simm.s32 $0x7  }
0x10: {  	s21 =	simm.s32 $0xF;
	[sflag:s7] =	ssyncpa.u1 $0x0;
	s9 =	sshrl.u32 s6, $0x9  }
0x11: {  	s25 =	simm.s32 $0x0;
	[sflag:s8] =	ssyncpa.u1 $0x0;
	s10 =	smul.u32 $0x1F40, s9  }
.Ltmp0:
0x12: {  	s24 =	simm.s32 $0x0;
	[sflag:s31] =	ssyncpa.u1 $0x0;
	(pc) =	sbr.rel .LBB2_1-.Ltmp0, $4  }
0x13: {  	s23 =	smov.u32 s4;
	s6 =	sadd.s32 $0xA79C00, s1;
	p0 =	sne.s32 s0, s10  }
0x14: {  	s10 =	sshll.u32 s14, $0x1;
	s14 =	sshllo.u32 s14, $0x1;
	s2 =	simm.s32 @!p0 $0x0  }
0x15: {  	vm0 =	vmmov $0xffff;
	v2 =	vlaneseq.u32;
	s13 =	sor.u32 $0x81, s10;
	s15 =	sor.u32 $0x80, s10;
	s9 =	sadd.s32 s2, s9  }
0x16: {  	vm1 =	vmxor vm1, vm1;
	vm2 =	vmmov $0x1;
	vm3 =	vcmask $0x3F3C;
	p0 =	por $0x0, $0x0;
	s11 =	sadd.s32 $0x1, s9;
	s12 =	sadd.s32 $0x2, s9  }
.LBB2_9:
0x17: {  	p1 =	slt.u32 s24, $0x3  }
0x18: {  	s0 =	simm.s32 @!p1 $0x2  }
0x19: {  	_ =	swait.ge @!p1 [sflag:s0], $0x1F40  }
0x1a: {  	[sflag:s0] =	ssyncset.done @!p1 $0x0  }
0x1b: {  	[sflag:s0] =	ssyncadd.s32 @!p1 $0xFFFFE0C0;
	s0 =	simm.s32 @!p1 $0x9  }
0x1c: {  	_ =	swait.ge @!p1 [sflag:s0], $0x10  }
0x1d: {  	[sflag:s0] =	ssyncset.done @!p1 $0x0  }
0x1e: {  	[sflag:s0] =	ssyncadd.s32 @!p1 $0xFFFFFFF0;
	p1 =	sne.s32 s24, s12  }
.Ltmp1:
0x1f: {  	s2 =	sadd.s32 $0x1F40, s23;
	(pc) =	sbr.rel @!p1 .LBB2_10-.Ltmp1, $4  }
0x20: {  	s22 =	smov.u32 s4;
	s31 =	sadd.s32 $0x1, s24;
	s17 =	sadd.s32 $0x1F40, s17  }
0x21: {  	s18 =	sadd.s32 $0x1, s18;
	s25 =	smov.u32 s23;
	p2 =	slt.s32 s2, s5  }
0x22: {  	p0 =	por !p0, !p0;
	s19 =	sadd.s32 $0x1F40, s19;
	s22 =	smov.u32 @p2 s2  }
0x23: {  	s20 =	sadd.s32 $0x1, s20;
	s23 =	smov.u32 s22;
	s24 =	smov.u32 s31  }
.LBB2_1:
0x24: {  	p1 =	sge.u32 s24, s9  }
0x25: {  	s0 =	smulhi.u32 @!p1 $0xAAAAAAAB, s24;
	_ =	sdelay $0x1  }
0x26: {  	s0 =	sshrl.u32 @!p1 s0, $0x1  }
0x27: {  	s0 =	smul.u32 @!p1 $0x3, s0;
	_ =	sdelay $0x1  }
0x28: {  	s0 =	ssub.s32 @!p1 s24, s0  }
0x29: {  	s0 =	smul.u32 @!p1 $0x7D00, s0;
	_ =	sdelay $0x1  }
0x2a: {  	s2 =	sshrl.u32 @!p1 s23, $0x3;
	s0 =	sshrl.u32 @!p1 s0, $0x2  }
0x2b: {  	s22 =	sand.u32 @!p1 $0x7, s23;
	s2 =	sadd.s32 @!p1 s3, s2;
	s0 =	sadd.s32 @!p1 $0x100, s0  }
0x2c: {  	[tilespmem:s0], [sflag:$0x7] =	stream.linear.gather @!p1 [hbm4b:s2+s22], $0x1F40, $0x38;
	[tilespmem:$0x11A60] =	vst v63  }
0x2d: {  	s0 =	sadd.s32 $0xFFFFFFFF, s24  }
0x2e: {  	p1 =	sge.u32 s0, s9  }
.Ltmp2:
0x2f: {  	_ = 	snop;
	(pc) =	sbr.rel @p1 .LBB2_5-.Ltmp2, $1  }
0x30: {  	_ =	sdelay $0x3  }
0x31: {  	s2 =	smulhi.u32 $0xAAAAAAAB, s0;
	_ =	sdelay $0x1  }
0x32: {  	s2 =	sshrl.u32 s2, $0x1  }
0x33: {  	s2 =	smul.u32 $0x3, s2;
	_ =	sdelay $0x1  }
0x34: {  	s2 =	ssub.s32 s0, s2  }
0x35: {  	s2 =	smul.u32 $0x7D00, s2  }
0x36: {  	_ =	swait.ge [sflag:s7], $0x1F40  }
0x37: {  	[sflag:s7] =	ssyncset.done $0x0;
	s2 =	sshrl.u32 s2, $0x2  }
0x38: {  	[sflag:s7] =	ssyncadd.s32 $0xFFFFE0C0;
	(ifvalue) =	ssetifvalue $0xFFFFFFFF;
	v3 =	vld.msk [tilespmem:s2+$0x100 ss:$0x1], $0xffff;
	_ =	sdelay $0x2  }
0x39: {  	s30 =	smulhi.u32 $0xAAAAAAAB, s18;
	p1 =	sne.s32 s24, $0x1  }
0x3a: {  	v4 =	vimm.s32 @!p1 $0x0  }
0x3b: {  	s2 =	sshrl.u32 s30, $0x1;
	v4 =	vperm.xlane @!p1 v3, v4  }
0x3c: {  	s22 =	sshll.u32 s24, $0x4;
	s2 =	smul.u32 $0xFFFE8900, s2;
	vm4 =	vlt.u32 v3, $0x18800  }
0x3d: {  	s22 =	sand.u32 $0x10, s22;
	v3 =	vnsel vm4, $0xFFFFFFFE, v3;
	vm4 =	vlt.u32 @!p1 v4, $0x18800  }
0x3e: {  	s2 =	sshra.s32 s2, $0x2;
	[tilespmem:s22+$0x60] =	vst v3;
	v3 =	vnsel @!p1 vm4, $0xFFFFFFFE, v4  }
0x3f: {  	s28 =	sadd.s32 s2, s17;
	[tilespmem:$0x80] =	vst @!p1 v3  }
0x40: {  	v3 =	vld.msk [tilespmem:s28+$0x0 ss:$0x1], $0xffff;
	_ =	sdelay $0x4  }
0x41: {  	(xrf1) =	vunique.msk.u32 $0xffff, v3;
	_ =	sdelay $0xd  }
0x42: {  	v4 =	vimm.s32 $0xFFFFFFFF;
	v5, _, _ =	vpop (xrf1)  }
0x43: {  	vm5 =	vne.s32 v3, v4;
	vm4 =	veq.s32 v5, v2  }
0x44: {  	vm6 =	vlt.u32 v3, $0x18800;
	vm4 =	vmand vm5, vm4  }
0x45: {  	vm4 =	vmand vm6, vm4  }
0x46: {  	v4 =	vnsel vm4, $0xFFFFFFFF, v3  }
0x47: {  	s31 =	sand.u32 $0x1, s0  }
0x48: {  	s0 =	simm.s32 $0x1F40;
	p1 =	seq.s32 s31, $0x1  }
0x49: {  	s0 =	simm.s32 @!p1 $0x0  }
0x4a: {  	s26 =	sadd.s32 $0x7DF0, s0;
	(ifvalue) =	ssetifvalue $0xFFFFFFFF  }
0x4b: {  	v3 =	vperm.xlane v3, v1;
	[tilespmem:s26], [sflag:$0x8] =	stream.indirect_vreg.gather [hbm4b:s1+s16], $0x1, v4, vm0, $0x4038;
	v4 =	vnsel vm6, $0xFFFFFFFE, v4;
	[tilespmem:$0x11A60] =	vst v63  }
0x4c: {  	s2 =	simm.s32 $0x0;
	s22 =	sadd.s32 $0xFFFFFFF0, s28;
	[tilespmem:s28+$0x0] =	vst v4  }
.LBB2_3:
0x4d: {  	v4 =	vld.msk [tilespmem:s22+$0x0 ss:$0x1], $0xffff;
	s2 =	sadd.s32 $0x10, s2;
	v5 =	vmov v3;
	s28 =	smov.u32 s22  }
0x4e: {  	p1 =	slt.u32 s2, $0x1F30;
	_ =	sdelay $0x4  }
0x4f: {  	v3 =	vperm.xlane v4, v1;
	(xrf1) =	vunique.msk.u32 $0xffff, v4;
	_ =	sdelay $0xd  }
0x50: {  	v6, _, _ =	vpop (xrf1)  }
0x51: {  	vm5 =	vne.s32 v4, v5;
	vm4 =	veq.s32 v6, v2  }
0x52: {  	vm6 =	vlt.u32 v4, $0x18800;
	vm4 =	vmand vm5, vm4  }
0x53: {  	vm4 =	vmand vm6, vm4  }
0x54: {  	v4 =	vnsel vm4, $0xFFFFFFFF, v4  }
.Ltmp3:
0x55: {  	v5 =	vnsel vm6, $0xFFFFFFFE, v4;
	(pc) =	sbr.rel @p1 .LBB2_3-.Ltmp3, $3  }
0x56: {  	_ =	sdelay $0x1  }
0x57: {  	s22 =	sadd.s32 $0xFFFFFFF0, s22;
	s26 =	sadd.s32 $0xFFFFFFF0, s26;
	(ifvalue) =	ssetifvalue $0xFFFFFFFF  }
0x58: {  	[tilespmem:s26], [sflag:$0x8] =	stream.indirect_vreg.gather [hbm4b:s1+s16], $0x1, v4, vm0, $0x4038;
	[tilespmem:s28+$0x0] =	vst v5  }
0x59: {  	s2 =	sshrl.u32 s25, $0x3  }
0x5a: {  	s0 =	sadd.s32 $0x9D40, s0;
	s2 =	sadd.s32 s6, s2  }
0x5b: {  	[tilespmem:s0], [sflag:$0x8] =	stream.linear.gather [hbm:s2], $0x1F40, $0x38;
	[tilespmem:$0x11A60] =	vst v63  }
.LBB2_5:
0x5c: {  	p1 =	slt.u32 s24, $0x2  }
0x5d: {  	p2 =	sge.u32 @!p1 s24, s12  }
0x5e: {  	p1 =	por p1, p2  }
.Ltmp4:
0x5f: {  	_ = 	snop;
	(pc) =	sbr.rel @p1 .LBB2_9-.Ltmp4, $1  }
0x60: {  	_ =	sdelay $0x3  }
0x61: {  	s0 =	sadd.s32 $0xFFFFFFFE, s24  }
0x62: {  	s2 =	smulhi.u32 $0xAAAAAAAB, s0;
	_ =	sdelay $0x1  }
0x63: {  	s2 =	sshrl.u32 s2, $0x1  }
0x64: {  	s2 =	smul.u32 $0x3, s2;
	_ =	sdelay $0x1  }
0x65: {  	s0 =	ssub.s32 s0, s2  }
0x66: {  	_ =	swait.ge [sflag:s8], $0x3E80;
	s0 =	smul.u32 $0x1F40, s0  }
0x67: {  	p1 =	sne.s32 s24, s11;
	[sflag:s8] =	ssyncset.done $0x0  }
0x68: {  	[sflag:s8] =	ssyncadd.s32 $0xFFFFC180;
	s2 =	sadd.s32 @!p1 $0x203F, s0  }
0x69: {  	[spmem:s13] =	stream.linear.scatter @!p1 [tilespmem:s2], [sflag:$0x1], $0x1, $0x38;
	[tilespmem:$0x11A60] =	vst v63  }
0x6a: {  	s2 =	simm.s32 @!p1 $0x1  }
0x6b: {  	_ =	swait.ge @!p1 [sflag:s2], $0x1  }
0x6c: {  	s22 =	sshll.u32 s24, $0x4;
	[sflag:s2] =	ssyncset.done @!p1 $0x0  }
0x6d: {  	s25 =	sand.u32 $0x10, s22;
	[sflag:s2] =	ssyncadd.s32 @!p1 $0xFFFFFFFF  }
0x6e: {  	s2 =	sxor.u32 $0x10, s25;
	v4 =	vld [tilespmem:s25+$0x10]  }
0x6f: {  	v5 =	vld [tilespmem:s2+$0x60]  }
0x70: {  	v3 =	vld [tilespmem:$0x80];
	_ =	sdelay $0x2  }
0x71: {  	(v2sf) =	vpush v4, $0x0  }
0x72: {  	(v2sf) =	vpush v5, $0x0  }
0x73: {  	(v2sf) =	vpush v3, $0x0;
	_ =	sdelay $0xc  }
0x74: {  	s22 =	spop (v2sf)  }
0x75: {  	s26 =	spop (v2sf)  }
0x76: {  	s28 =	spop (v2sf)  }
0x77: {  	p2 =	seq.s32 s22, s26;
	p3 =	seq.s32 s28, s22  }
0x78: {  	p3 =	por p2, p3  }
0x79: {  	s26 =	sand.u32 $0x1, s24;
	v4 =	vpsel p3, $0xFFFFFFFF, v4  }
0x7a: {  	s29 =	smul.u32 $0x1F40, s26;
	[tilespmem:s25+$0x10] =	vst.msk $0x1, v4  }
0x7b: {  	v4 =	vld [tilespmem:$0x30]  }
0x7c: {  	v5 =	vld [tilespmem:s29+$0x9D40]  }
0x7d: {  	v6 =	vld [tilespmem:s25+$0x40];
	_ =	sdelay $0x3  }
0x7e: {  	vm4 =	vmmov vm1;
	v5 =	vadd.f32 v5, v4  }
0x7f: {  	vm5 =	vmmov vm2;
	vm4 =	vmmov @p2 vm2;
	s22 =	sshll.u32 s26, $0x4;
	v4 =	vadd.f32 v6, v4  }
0x80: {  	s26 =	sor.u32 $0x11A40, s22;
	vm5 =	vmmov @p3 vm1;
	[tilespmem:s29+$0x9D40] =	vst.msk vm4, v5  }
0x81: {  	[tilespmem:s26+$0x0] =	vst.msk vm5, v4  }
0x82: {  	v4 =	vld [tilespmem:s29+$0x7DF0];
	_ =	sdelay $0x3  }
0x83: {  	v5 =	vimm.f32 $0.0e+00  }
0x84: {  	v4 =	vshift.insert v4, v5, s21  }
0x85: {  	s22 =	sor.u32 $0x40, s2  }
0x86: {  	[tilespmem:s22+$0x0] =	vst.msk $0x1, v4  }
0x87: {  	[tilespmem:s29+$0x7DFF] =	vst.msk $0x1, v5  }
0x88: {  	v4 =	vld [tilespmem:s0+$0x2030];
	_ =	sdelay $0x1  }
0x89: {  	s22 =	smulhi.u32 $0xAAAAAAAB, s20;
	s0 =	simm.s32 $0x1  }
0x8a: {  	s0 =	simm.s32 @!p0 $0x0  }
0x8b: {  	s22 =	sshrl.u32 s22, $0x1;
	s0 =	smul.u32 $0x7D00, s0  }
0x8c: {  	s22 =	smul.u32 $0xFFFE8900, s22;
	v4 =	vshift.insert v4, v1, s21  }
0x8d: {  	s0 =	sshrl.u32 s0, $0x2  }
0x8e: {  	s22 =	sshra.s32 s22, $0x2;
	s30 =	sadd.s32 $0x9D40, s0;
	[tilespmem:s2+$0x10] =	vst.msk $0x1, v4  }
0x8f: {  	s22 =	sadd.s32 s22, s19;
	v6 =	vld [tilespmem:s30+$0x0]  }
0x90: {  	v7 =	vld [tilespmem:s22+$0x0];
	_ =	sdelay $0x3  }
0x91: {  	v5 =	vadd.f32 v6, v5  }
0x92: {  	vm4 =	vne.s32 v7, $0xFFFFFFFF  }
0x93: {  	(xrf2) =	vadd.seg.scan.f32 vm4, v5;
	_ =	sdelay $0x3  }
0x94: {  	s31 =	sadd.s32 $0x5EC0, s0;
	v5 =	vperm.xlane v4, v1  }
0x95: {  	v6 =	vld [tilespmem:s31+$0x0]  }
0x96: {  	vm5 =	veq.s32 v7, v3;
	vm6 =	veq.s32 v7, v5  }
0x97: {  	vm7 =	vgt.u32 v7, $0xFFFFFFFD;
	vm6 =	vmor vm6, vm5  }
0x98: {  	vm6 =	vmor vm6, vm7  }
0x99: {  	v9 =	vld [tilespmem:$0xA0];
	v7 =	vsel vm6, $0xFFFFFFFF, v7  }
0x9a: {  	v10 =	vld [tilespmem:$0x90];
	v6 =	vsel vm5, $0x0, v6;
	v8, _, _ =	vpop (xrf2)  }
0x9b: {  	v6 =	vadd.f32 v8, v6  }
0x9c: {  	s0 =	sadd.s32 $0xDBC0, s0  }
0x9d: {  	vm4 =	vmand vm4, vm3;
	[tilespmem:s0+$0x0] =	vst v6;
	(ifvalue) =	ssetifvalue $0xFFFFFFFF  }
0x9e: {  	vm6 =	veq.s32 v9, $0x1;
	[hbm4b:s1+s16] =	stream.indirect_vreg.scatter [tilespmem:s0], [sflag:$0x2], $0x1, v7, vm0, $0x4038;
	v7 =	vsel vm4, $0x0, v8;
	[tilespmem:$0x11A60] =	vst v63  }
0x9f: {  	s2 =	simm.s32 $0x0;
	s22 =	sadd.s32 $0x10, s22;
	vm4 =	vmor vm6, vm5;
	v6 =	vsel vm5, v8, v10;
	v7 =	vshift.insert v7, v0, s21  }
.LBB2_7:
0xa0: {  	v8 =	vld [tilespmem:s22+$0x0];
	s30 =	sadd.s32 $0x10, s30  }
0xa1: {  	s31 =	sadd.s32 $0x10, s31;
	v9 =	vld [tilespmem:s30+$0x0]  }
0xa2: {  	s2 =	sadd.s32 $0x10, s2;
	v10 =	vld [tilespmem:s31+$0x0]  }
0xa3: {  	p2 =	slt.u32 s2, $0x1F30;
	_ =	sdelay $0x2  }
0xa4: {  	v7 =	vadd.f32 v9, v7  }
0xa5: {  	vm5 =	vne.s32 v8, $0xFFFFFFFF  }
0xa6: {  	vm6 =	vmand vm5, vm3;
	(xrf2) =	vadd.seg.scan.f32 vm5, v7;
	_ =	sdelay $0x5  }
0xa7: {  	vm7 =	veq.s32 v8, v5;
	vm5 =	veq.s32 v8, v3  }
0xa8: {  	vm8 =	vgt.u32 v8, $0xFFFFFFFD;
	vm4 =	vmor vm4, vm5;
	vm7 =	vmor vm7, vm5  }
0xa9: {  	vm7 =	vmor vm7, vm8  }
0xaa: {  	v8 =	vsel vm7, $0xFFFFFFFF, v8  }
.Ltmp5:
0xab: {  	v7 =	vsel vm5, $0x0, v10;
	v9, _, _ =	vpop (xrf2);
	(pc) =	sbr.rel @p2 .LBB2_7-.Ltmp5, $4  }
0xac: {  	v6 =	vsel vm5, v9, v6;
	v10 =	vadd.f32 v9, v7;
	v7 =	vsel vm6, $0x0, v9  }
0xad: {  	s0 =	sadd.s32 $0x10, s0;
	v7 =	vshift.insert v7, v0, s21  }
0xae: {  	s22 =	sadd.s32 $0x10, s22;
	[tilespmem:s0+$0x0] =	vst v10;
	(ifvalue) =	ssetifvalue $0xFFFFFFFF  }
0xaf: {  	[hbm4b:s1+s16] =	stream.indirect_vreg.scatter [tilespmem:s0], [sflag:$0x2], $0x1, v8, vm0, $0x4038;
	[tilespmem:$0x11A60] =	vst v63  }
0xb0: {  	v3 =	vld [tilespmem:s29+$0xFAF0];
	_ =	sdelay $0x4  }
0xb1: {  	v3 =	vshift.insert v3, v0, s21  }
0xb2: {  	s0 =	simm.s32 $0x30  }
0xb3: {  	[tilespmem:s0+$0x0] =	vst.msk $0x1, v3  }
0xb4: {  	v3 =	vsel vm4, $0x1, v1;
	[tilespmem:$0x90] =	vst v6  }
0xb5: {  	s0 =	sadd.s32 @!p1 $0xFAFF, s29;
	[tilespmem:$0xA0] =	vst v3  }
0xb6: {  	[spmem:s14] =	stream.linear.scatter @!p1 [tilespmem:s0], [sflag:$0x1], $0x1, $0x38;
	[tilespmem:$0x11A60] =	vst v63  }
0xb7: {  	s0 =	simm.s32 @!p1 $0x1  }
0xb8: {  	v3 =	vmctz.xlane @!p1 vm4;
	_ =	swait.ge @!p1 [sflag:s0], $0x1  }
0xb9: {  	(v2sf) =	vpush @!p1 v4, $0x0  }
0xba: {  	(v2sf) =	vpush @!p1 v3, $0x0;
	_ =	sdelay $0xd  }
0xbb: {  	s2 =	spop @!p1 (v2sf)  }
0xbc: {  	s22 =	spop @!p1 (v2sf)  }
0xbd: {  	p2 =	sne.s32 @!p1 s28, s2;
	p3 =	slt.s32 @!p1 s22, $0xF  }
0xbe: {  	[sflag:s0] =	ssyncset.done @!p1 $0x0;
	p2 =	por p2, p1;
	p3 =	por !p3, p1  }
0xbf: {  	[sflag:s0] =	ssyncadd.s32 @!p1 $0xFFFFFFFF;
	v3 =	vimm.s32 @!p2 $0xFFFFFFFF;
	s22 =	simm.s32 @p3 $0xF  }
0xc0: {  	[tilespmem:$0x80] =	vst @!p2 v3;
	s2 =	sadd.s32 @!p1 $0x90, s22  }
0xc1: {  	[spmem:s10] =	stream.linear.scatter @!p1 [tilespmem:s2], [sflag:$0x1], $0x1, $0x38;
	[tilespmem:$0x11A60] =	vst v63  }
0xc2: {  	_ =	swait.ge @!p1 [sflag:s0], $0x1  }
0xc3: {  	[sflag:s0] =	ssyncset.done @!p1 $0x0  }
0xc4: {  	s2 =	simm.s32 @!p1 $0x80;
	[sflag:s0] =	ssyncadd.s32 @!p1 $0xFFFFFFFF  }
0xc5: {  	[spmem:s15] =	stream.linear.scatter @!p1 [tilespmem:s2], [sflag:$0x1], $0x1, $0x38;
	[tilespmem:$0x11A60] =	vst v63  }
0xc6: {  	_ =	swait.ge @!p1 [sflag:s0], $0x1  }
0xc7: {  	[sflag:s0] =	ssyncset.done @!p1 $0x0  }
0xc8: {  	[sflag:s0] =	ssyncadd.s32 @!p1 $0xFFFFFFFF;
	(ifvalue) =	ssetifvalue $0xFFFFFFFF;
	v3 =	vld [tilespmem:s25+$0x10];
	_ =	sdelay $0x3  }
.Ltmp6:
0xc9: {  	_ = 	snop;
	(pc) =	sbr.rel .LBB2_9-.Ltmp6, $3  }
0xca: {  	_ =	sdelay $0x1  }
0xcb: {  	(ifvalue) =	ssetifvalue $0xFFFFFFFF  }
0xcc: {  	[hbm4b:s1+s16] =	stream.indirect_vreg.scatter [tilespmem:s26], [sflag:$0x9], $0x1, v3, vm0, $0x4038;
	[tilespmem:$0x11A60] =	vst v63  }
.LBB2_10:
0xcd: {  	_ =	sfence.sel $0x180000  }
0xce: {  	s0 =	simm.s32 $0x7;
	[bflag:$0x0] =	sbarrier.arrive $0xFFFF  }
0xcf: {  	s26 =	simm.s32 $0x8;
	[sflag:s0] =	ssyncpa.u1 $0x1  }
0xd0: {  	s28 =	simm.s32 $0x9;
	[sflag:s26] =	ssyncpa.u1 $0x1  }
0xd1: {  	[sflag:s28] =	ssyncpa.u1 $0x1  }
0xd2: {  	_ =	sfence.stream.spmem  }
0xd3: {  	s29 =	simm.s32 $0x3;
	[bflag:$0x0] =	sbarrier.arrive $0xFFFF  }
0xd4: {  	s30 =	simm.s32 $0x4;
	[sflag:s29] =	ssyncpa.u1 $0x1  }
0xd5: {  	s31 =	simm.s32 $0x3C;
	s2 =	stileid.u32;
	[sflag:s30] =	ssyncpa.u1 $0x1  }
0xd6: {  	p0 =	sne.s32 s2, $0x0;
	[sflag:s31] =	ssyncpa.u1 $0x1  }
0xd7: {  	s0 =	simm.s32 @p0 $0x1;
	_ =	sfence @p0  }
0xd8: {  	[sflag:s0] =	ssyncpa.u1 @p0 $0x1;
	s0 =	simm.s32 @p0 $0x2  }
0xd9: {  	[sflag:s0] =	ssyncpa.u1 @p0 $0x1  }
0xda: {  	_ =	strace @p0 $0x90000050  }
0xdb: {  	[bflag:$0x2] =	sbarrier.arrive @p0 $0xFFFF  }
0xdc: {  	_ =	shalt @p0  }
.LBB2_11:
0xdd: {  	_ =	sfence.stream.spmem;
	s0 =	simm.s32 $0x5  }
0xde: {  	s2 =	simm.s32 $0x80;
	s3 =	simm.s32 $0xC0;
	[sflag:s0] =	ssyncpa.u1 $0x0  }
0xdf: {  	[tilespmem:s3], [sflag:$0x5] =	stream.linear.gather [spmem:s2], $0x20, $0x38;
	[tilespmem:$0x11A60] =	vst v63  }
0xe0: {  	s2 =	simm.s32 $0x0;
	s3 =	simm.s32 $0xE0  }
0xe1: {  	[tilespmem:s3], [sflag:$0x5] =	stream.linear.gather [spmem:s2], $0x20, $0x38;
	[tilespmem:$0x11A60] =	vst v63  }
.Ltmp7:
0xe2: {  	_ = 	snop;
	(pc) =	sbr.rel .LBB2_12-.Ltmp7, $4  }
0xe3: {  	_ =	swait.ge [sflag:s0], $0x40  }
0xe4: {  	[sflag:s0] =	ssyncset.done $0x0  }
0xe5: {  	s31 =	simm.s32 $0x6;
	[sflag:s0] =	ssyncadd.s32 $0xFFFFFFC0  }
0xe6: {  	s4 =	simm.s32 $0x0;
	[sflag:s31] =	ssyncpa.u1 $0x0  }
.LBB2_17:
0xe7: {  	p0 =	sgt.u32 s5, $0x187FF  }
0xe8: {  	s0 =	sshrl.u32 @!p0 s5, $0x3  }
0xe9: {  	s5 =	sand.u32 @!p0 $0x7, s5;
	s6 =	simm.s32 @!p0 $0xB0;
	s0 =	sadd.s32 @!p0 s1, s0  }
0xea: {  	[tilespmem:s6], [sflag:$0x6] =	stream.linear.gather @!p0 [hbm4b:s0+s5], $0x1, $0x38;
	[tilespmem:$0x11A60] =	vst v63  }
0xeb: {  	s0 =	simm.s32 @!p0 $0x6  }
0xec: {  	_ =	swait.ge @!p0 [sflag:s0], $0x1  }
0xed: {  	[sflag:s0] =	ssyncset.done @!p0 $0x0  }
0xee: {  	[sflag:s0] =	ssyncadd.s32 @!p0 $0xFFFFFFFF  }
0xef: {  	v2 =	vmov @!p0 s4;
	v1 =	vld.msk @!p0 [tilespmem:$0xB0], $0x1;
	_ =	sdelay $0x3  }
0xf0: {  	s0 =	simm.s32 @!p0 $0xE0  }
0xf1: {  	[tilespmem:v2+s0+$0x0], v1 =	vst.idx.ret.add.f32.msk @!p0 $0x1, v1  }
0xf2: {  	[tilespmem:s2+$0xC0] =	vst.msk $0x1, v0  }
0xf3: {  	v0 =	vld.msk [tilespmem:s4+$0xE0], $0x1;
	_ =	sdelay $0x4  }
0xf4: {  	[tilespmem:s2+$0xE0] =	vst.msk $0x1, v0;
	s2 =	sadd.s32 $0x1, s2  }
.LBB2_19:
0xf5: {  	s4 =	sadd.s32 $0x1, s4  }
0xf6: {  	p0 =	sne.s32 s4, $0x20  }
.Ltmp8:
0xf7: {  	_ = 	snop;
	(pc) =	sbr.rel @!p0 .LBB2_20-.Ltmp8, $1  }
0xf8: {  	_ =	sdelay $0x3  }
.LBB2_12:
0xf9: {  	v0 =	vld.msk [tilespmem:s4+$0xC0], $0x1;
	_ =	sdelay $0x4  }
0xfa: {  	(v2sf) =	vpush v0, $0x0;
	_ =	sdelay $0xe  }
0xfb: {  	s5 =	spop (v2sf)  }
0xfc: {  	p0 =	seq.s32 s5, $0xFFFFFFFF  }
.Ltmp9:
0xfd: {  	_ = 	snop;
	(pc) =	sbr.rel @p0 .LBB2_19-.Ltmp9, $1  }
0xfe: {  	_ =	sdelay $0x3  }
0xff: {  	p0 =	slt.s32 s2, $0x1  }
.Ltmp10:
0x100: {  	_ = 	snop;
	(pc) =	sbr.rel @p0 .LBB2_17-.Ltmp10, $1  }
0x101: {  	_ =	sdelay $0x3  }
0x102: {  	s0 =	simm.s32 $0xC0;
	p0 =	por $0x0, $0x0  }
0x103: {  	v1 =	vld.msk @!p0 [tilespmem:s0+$0x0], $0x1;
	_ =	sdelay $0x4  }
0x104: {  	(v2sf) =	vpush @!p0 v1, $0x0;
	_ =	sdelay $0xd  }
0x105: {  	p2 =	sne.s32 s2, $0x1  }
.Ltmp11:
0x106: {  	s6 =	spop @!p0 (v2sf);
	(pc) =	sbr.rel @!p2 .LBB2_16-.Ltmp11, $4  }
0x107: {  	p1 =	seq.s32 @!p0 s5, s6  }
0x108: {  	s6 =	simm.s32 $0x0;
	p1 =	por !p1, p0  }
0x109: {  	s8 =	simm.s32 $0xFFFFFFFF;
	s6 =	simm.s32 @p1 $0xFFFFFFFF  }
0x10a: {  	s7 =	simm.s32 $0x1;
	s6 =	smov.u32 @p0 s8  }
.LBB2_15:
0x10b: {  	s8 =	smov.u32 s6;
	p0 =	sne.s32 s6, $0xFFFFFFFF  }
0x10c: {  	s0 =	sadd.s32 $0x1, s0;
	s6 =	smov.u32 s7;
	s7 =	sadd.s32 $0x1, s7  }
0x10d: {  	p1 =	sne.s32 s2, s7;
	v1 =	vld.msk @!p0 [tilespmem:s0+$0x0], $0x1;
	_ =	sdelay $0x4  }
0x10e: {  	(v2sf) =	vpush @!p0 v1, $0x0;
	_ =	sdelay $0xe  }
.Ltmp12:
0x10f: {  	s9 =	spop @!p0 (v2sf);
	(pc) =	sbr.rel @p1 .LBB2_15-.Ltmp12, $4  }
0x110: {  	p2 =	seq.s32 @!p0 s5, s9  }
0x111: {  	p2 =	por !p2, p0  }
0x112: {  	s6 =	simm.s32 @p2 $0xFFFFFFFF  }
0x113: {  	s6 =	smov.u32 @p0 s8  }
.LBB2_16:
0x114: {  	p0 =	sne.s32 s6, $0xFFFFFFFF  }
.Ltmp13:
0x115: {  	_ = 	snop;
	(pc) =	sbr.rel @!p0 .LBB2_17-.Ltmp13, $1  }
0x116: {  	_ =	sdelay $0x3  }
0x117: {  	v0 =	vld.msk [tilespmem:s4+$0xE0], $0x1;
	v1 =	vmov s6  }
.Ltmp14:
0x118: {  	_ = 	snop;
	(pc) =	sbr.rel .LBB2_19-.Ltmp14, $2  }
0x119: {  	_ =	sdelay $0x2  }
0x11a: {  	[tilespmem:v1+s3+$0x0], v0 =	vst.idx.ret.add.f32.msk $0x1, v0  }
.LBB2_20:
0x11b: {  	p0 =	slt.s32 s2, $0x1  }
.Ltmp15:
0x11c: {  	_ = 	snop;
	(pc) =	sbr.rel @p0 .LBB2_24-.Ltmp15, $3  }
0x11d: {  	_ =	sdelay $0x1  }
0x11e: {  	s0 =	simm.s32 $0x6  }
0x11f: {  	s3 =	simm.s32 $0x0;
	[sflag:s0] =	ssyncpa.u1 $0x1  }
0x120: {  	s0 =	simm.s32 $0xC0  }
0x121: {  	v0 =	vld.msk [tilespmem:s0+$0x0], $0x1;
	_ =	sdelay $0x4  }
0x122: {  	(v2sf) =	vpush v0, $0x0;
	_ =	sdelay $0xe  }
0x123: {  	s2 =	sadd.s32 $0xFFFFFFFF, s2;
	s4 =	spop (v2sf)  }
0x124: {  	p1 =	sne.s32 s2, $0x0;
	p0 =	sgt.u32 s4, $0x187FF  }
.Ltmp16:
0x125: {  	s5 =	sshrl.u32 @!p0 s4, $0x3;
	(pc) =	sbr.rel @!p1 .LBB2_23-.Ltmp16, $4  }
0x126: {  	s0 =	simm.s32 $0xE0;
	s4 =	sand.u32 @!p0 $0x7, s4;
	s5 =	sadd.s32 @!p0 s1, s5  }
0x127: {  	[hbm4b:s5+s4] =	stream.linear.scatter @!p0 [tilespmem:s0], [sflag:$0x5], $0x1, $0x38;
	[tilespmem:$0x11A60] =	vst v63  }
0x128: {  	s5 =	simm.s32 $0x0  }
0x129: {  	s4 =	simm.s32 $0xC1;
	s5 =	simm.s32 @!p0 $0x4  }
.LBB2_22:
0x12a: {  	v0 =	vld.msk [tilespmem:s4+$0x0], $0x1;
	s2 =	sadd.s32 $0xFFFFFFFF, s2;
	s3 =	sadd.s32 s3, s5  }
0x12b: {  	p0 =	sne.s32 s2, $0x0;
	_ =	sdelay $0x3  }
0x12c: {  	(v2sf) =	vpush v0, $0x0;
	_ =	sdelay $0xe  }
.Ltmp17:
0x12d: {  	s6 =	spop (v2sf);
	(pc) =	sbr.rel @p0 .LBB2_22-.Ltmp17, $4  }
0x12e: {  	s5 =	simm.s32 $0x0;
	p1 =	sgt.u32 s6, $0x187FF  }
0x12f: {  	s0 =	sadd.s32 $0x1, s0;
	s5 =	simm.s32 @!p1 $0x4;
	s7 =	sshrl.u32 @!p1 s6, $0x3  }
0x130: {  	s4 =	sadd.s32 $0x1, s4;
	s6 =	sand.u32 @!p1 $0x7, s6;
	s7 =	sadd.s32 @!p1 s1, s7  }
0x131: {  	[hbm4b:s7+s6] =	stream.linear.scatter @!p1 [tilespmem:s0], [sflag:$0x5], $0x1, $0x38;
	[tilespmem:$0x11A60] =	vst v63  }
.LBB2_23:
0x132: {  	s0 =	sadd.s32 s3, s5  }
0x133: {  	s3 =	sshrl.u32 s0, $0x2  }
.LBB2_24:
0x134: {  	s0 =	simm.s32 $0x5  }
0x135: {  	_ =	swait.ge [sflag:s0], s3  }
0x136: {  	s1 =	ssub.s32 $0x0, s3;
	[sflag:s0] =	ssyncset.done $0x0  }
0x137: {  	[sflag:s0] =	ssyncadd.s32 s1  }
0x138: {  	[sflag:s0] =	ssyncpa.u1 $0x1  }
0x139: {  	s29 =	simm.s32 $0x1;
	_ =	sfence  }
0x13a: {  	s30 =	simm.s32 $0x2;
	[sflag:s29] =	ssyncpa.u1 $0x1  }
0x13b: {  	[sflag:s30] =	ssyncpa.u1 $0x1  }
0x13c: {  	_ =	strace $0x90000050  }
0x13d: {  	[bflag:$0x2] =	sbarrier.arrive $0xFFFF  }
0x13e: {  	s31 =	rddreg [dreg:$0x2]  }
0x13f: {  	s0 =	sadd.s32 $0x100000, s31  }
0x140: {  	[sflag:s0] =	ssyncadd.tile.s32 $0x1;
	_ =	shalt  }
.Lfunc_end2:
_tile_overlayer_lowered:
.L_overlay_start_2:
0x141: {  	(tag) =	ssettag $0x2  }
0x142: {  	s0 =	rddreg [dreg:$0x0];
	s2 =	stileid.u32  }
0x143: {  	s1 =	rddreg [dreg:$0x1];
	p0 =	sne.s32 s2, $0x0  }
0x144: {  	s3 =	rddreg [dreg:$0x2];
	[bflag:$0x3] =	sbarrier.arrive $0xFFFF;
	s2 =	simm.s32 @!p0 $0x1C01  }
0x145: {  	[timem:s3], [sflag:s2] =	dma.local @!p0 [hbm:s0], s1  }
0x146: {  	s0 =	simm.s32 @!p0 $0x1  }
0x147: {  	_ =	swait.ge @!p0 [sflag:s0], s1  }
0x148: {  	s1 =	ssub.s32 @!p0 $0x0, s1;
	[sflag:s0] =	ssyncset.done @!p0 $0x0  }
0x149: {  	[sflag:s0] =	ssyncadd.s32 @!p0 s1  }
0x14a: {  	[bflag:$0x3] =	sbarrier.arrive $0xFFFF  }
0x14b: {  	_ =	shalt  }

// kernel: scatter_offload_async_start
scs
__scs_entry_jumppad:
0x0: {  	(pc) =	sbr.rel $0x88, $3  }
0x1: {  	(tag) =	ssettag $0x0;
	lr =	simm.s32 $0x1  }
0x2: {  	[smem:$0x3F9B] =	sst lr;
	_ =	strace $0xD0000000  }
0x3: {  	_ = 	snop  }
0x4: {  	_ = 	snop  }
0x5: {  	_ = 	snop  }
0x6: {  	_ = 	snop  }
0x7: {  	_ = 	snop  }
__scs_overlays_trampoline_lowered:
0x8: {  	[smem:$0x3FAA] =	sst s0  }
0x9: {  	[smem:$0x3FAB] =	sst s1  }
0xa: {  	[smem:$0x3FAC] =	sst s2  }
0xb: {  	[smem:$0x3FAD] =	sst s3  }
0xc: {  	[smem:$0x3FAE] =	sst s4  }
0xd: {  	[smem:$0x3FAF] =	sst s5  }
0xe: {  	[smem:$0x3FB0] =	sst s6  }
0xf: {  	[smem:$0x3FB1] =	sst s7  }
0x10: {  	[smem:$0x3FB2] =	sst s8  }
0x11: {  	[smem:$0x3FB3] =	sst s9;
	s0 =	simm.s32 @!p0 $0x0  }
0x12: {  	s1 =	sld [smem:$0x3F99];
	s0 =	simm.s32 @p0 $0x1  }
0x13: {  	[smem:$0x3FB4] =	sst s0;
	s0 =	simm.s32 @!p1 $0x0  }
0x14: {  	s2 =	sld [smem:$0x3F98];
	s0 =	simm.s32 @p1 $0x1  }
0x15: {  	[smem:$0x3FB5] =	sst s0;
	s0 =	simm.s32 @!p2 $0x0  }
0x16: {  	s3 =	sld [smem:$0x3FDB];
	s0 =	simm.s32 @p2 $0x1  }
0x17: {  	s4 =	simm.s32 $0x1BF5;
	[smem:$0x3FB7] =	sst s0  }
0x18: {  	s0 =	sld [smem:$0x3F9A];
	_ =	swait.ge [sflag:s4], $0x0  }
0x19: {  	s7 =	sld [smem:$0x3F9B]  }
0x1a: {  	s8 =	sadd.s32 $0xFFFFE003, lr  }
0x1b: {  	s9 =	sadd.s32 $0xFFFFFEF7, lr;
	s5 =	simm.s32 $0xFFFFFFFF;
	p2 =	slt.u32 s8, $0xFFFFF086  }
0x1c: {  	p1 =	slt.u32 s9, $0xF7A;
	s5 =	simm.s32 @!p2 $0x0  }
0x1d: {  	s5 =	simm.s32 @p1 $0x1;
	p0 =	seq.s32 s7, s2  }
0x1e: {  	s7 =	smul.u32 @!p0 $0xF7A, s2;
	p2 =	seq.s32 @!p0 s5, $0x0  }
0x1f: {  	s9 =	smul.u32 $0xF7A, s1;
	s8 =	simm.s32 @!p0 $0x1BF5;
	p2 =	por !p2, p0  }
0x20: {  	[sflag:s8] =	ssyncset.s32 @!p0 $0xFFFFF086;
	s6 =	sadd.s32 @!p0 s3, s7;
	s7 =	simm.s32 @!p0 $0x108  }
0x21: {  	s3 =	sadd.s32 s3, s9;
	s6 =	sadd.s32 @!p0 $0x88, s6;
	s7 =	simm.s32 @p2 $0x1082  }
0x22: {  	[simem:s7], [sflag:s8] =	dma.local @!p0 [hbm:s6], $0xF7A  }
0x23: {  	s9 =	sor.u32 $0xD0000000, s2;
	s6 =	simm.s32 $0x108;
	_ =	swait.ge @!p0 [sflag:s8], $0x0  }
0x24: {  	s3 =	sadd.s32 $0x88, s3;
	s6 =	simm.s32 @!p1 $0x1082;
	[sflag:s4] =	ssyncset.s32 $0xFFFFF086  }
0x25: {  	[simem:s6], [sflag:s4] =	dma.local [hbm:s3], $0xF7A  }
0x26: {  	[smem:$0x3F9B] =	sst s1;
	(tag) =	ssettag s2;
	_ =	strace s9  }
0x27: {  	s1 =	sld [smem:$0x3FAB]  }
0x28: {  	s2 =	sld [smem:$0x3FAC]  }
0x29: {  	s4 =	sld [smem:$0x3FAE]  }
0x2a: {  	p0 =	seq.s32 s5, $0x0;
	s5 =	sld [smem:$0x3FAF]  }
0x2b: {  	s6 =	sld [smem:$0x3FB0]  }
0x2c: {  	s7 =	sld [smem:$0x3FB1]  }
0x2d: {  	s3 =	simm.s32 $0x108;
	s8 =	sld [smem:$0x3FB2]  }
0x2e: {  	s3 =	simm.s32 @!p0 $0x1082;
	s9 =	sld [smem:$0x3FB3]  }
0x2f: {  	lr =	sadd.s32 s0, s3;
	s0 =	sld [smem:$0x3FAA]  }
0x30: {  	s3 =	sld [smem:$0x3FAD]  }
0x31: {  	[smem:$0x3FB6] =	sst s10  }
0x32: {  	s10 =	sld [smem:$0x3FB4];
	_ =	sdelay $0x3  }
0x33: {  	p0 =	seq.s32 s10, $0x1;
	s10 =	sld [smem:$0x3FB6];
	_ =	sdelay $0x3  }
0x34: {  	[smem:$0x3FB6] =	sst s10  }
0x35: {  	s10 =	sld [smem:$0x3FB5];
	_ =	sdelay $0x3  }
0x36: {  	p1 =	seq.s32 s10, $0x1;
	s10 =	sld [smem:$0x3FB6];
	_ =	sdelay $0x3  }
0x37: {  	[smem:$0x3FB6] =	sst s10  }
0x38: {  	s10 =	sld [smem:$0x3FB7]  }
0x39: {  	_ = 	snop;
	(pc) =	sbr.ind lr, $3  }
0x3a: {  	_ = 	snop  }
0x3b: {  	_ = 	snop  }
0x3c: {  	p2 =	seq.s32 s10, $0x1;
	s10 =	sld [smem:$0x3FB6]  }
0x3d: {  	_ =	shalt  }
0x3e: {  	_ =	shalt  }
0x3f: {  	_ =	shalt  }
0x40: {  	_ =	shalt  }
0x41: {  	_ =	shalt  }
0x42: {  	_ =	shalt  }
0x43: {  	_ =	shalt  }
0x44: {  	_ =	shalt  }
0x45: {  	_ =	shalt  }
0x46: {  	_ =	shalt  }
0x47: {  	_ =	shalt  }
0x48: {  	_ =	shalt  }
0x49: {  	_ =	shalt  }
0x4a: {  	_ =	shalt  }
0x4b: {  	_ =	shalt  }
0x4c: {  	_ =	shalt  }
0x4d: {  	_ =	shalt  }
0x4e: {  	_ =	shalt  }
0x4f: {  	_ =	shalt  }
0x50: {  	_ =	shalt  }
0x51: {  	_ =	shalt  }
0x52: {  	_ =	shalt  }
0x53: {  	_ =	shalt  }
0x54: {  	_ =	shalt  }
0x55: {  	_ =	shalt  }
0x56: {  	_ =	shalt  }
0x57: {  	_ =	shalt  }
0x58: {  	_ =	shalt  }
0x59: {  	_ =	shalt  }
0x5a: {  	_ =	shalt  }
0x5b: {  	_ =	shalt  }
0x5c: {  	_ =	shalt  }
0x5d: {  	_ =	shalt  }
0x5e: {  	_ =	shalt  }
0x5f: {  	_ =	shalt  }
0x60: {  	_ =	shalt  }
0x61: {  	_ =	shalt  }
0x62: {  	_ =	shalt  }
0x63: {  	_ =	shalt  }
0x64: {  	_ =	shalt  }
0x65: {  	_ =	shalt  }
0x66: {  	_ =	shalt  }
0x67: {  	_ =	shalt  }
0x68: {  	_ =	shalt  }
0x69: {  	_ =	shalt  }
0x6a: {  	_ =	shalt  }
0x6b: {  	_ =	shalt  }
0x6c: {  	_ =	shalt  }
0x6d: {  	_ =	shalt  }
0x6e: {  	_ =	shalt  }
0x6f: {  	_ =	shalt  }
0x70: {  	_ =	shalt  }
0x71: {  	_ =	shalt  }
0x72: {  	_ =	shalt  }
0x73: {  	_ =	shalt  }
0x74: {  	_ =	shalt  }
0x75: {  	_ =	shalt  }
0x76: {  	_ =	shalt  }
0x77: {  	_ =	shalt  }
0x78: {  	_ =	shalt  }
0x79: {  	_ =	shalt  }
0x7a: {  	_ =	shalt  }
0x7b: {  	_ =	shalt  }
0x7c: {  	_ =	shalt  }
0x7d: {  	_ =	shalt  }
0x7e: {  	_ =	shalt  }
0x7f: {  	_ =	shalt  }
0x80: {  	_ =	shalt  }
0x81: {  	_ =	shalt  }
0x82: {  	_ =	shalt  }
0x83: {  	_ =	shalt  }
0x84: {  	_ =	shalt  }
0x85: {  	_ =	shalt  }
0x86: {  	_ =	shalt  }
0x87: {  	_ =	shalt  }
.Lfunc_end0:
.L_simem_size_0:
called_computation_lowered:
.L_overlay_start_0:
0x88: {  	s2 =	sld [smem:$0x3FD9]  }
0x89: {  	s3 =	sld [smem:$0x3FFE];
	_ =	sdelay $0x1  }
0x8a: {  	s1 =	srdreg.scid  }
0x8b: {  	s0 =	sand.u32 $0x1, s1  }
0x8c: {  	s17 =	sshll.u32 s0, $0xA;
	s2 =	sadd.s32 s3, s2  }
0x8d: {  	s2 =	sadd.s32 s2, s17  }
0x8e: {  	[smem:$0x3FC2] =	sst s2  }
0x8f: {  	_ = 	snop  }
0x90: {  	(tm) =	ssettm $0x1  }
0x91: {  	s18 =	sld [smem:$0x3FFB];
	_ =	sdelay $0x3  }
0x92: {  	_ =	strace s18  }
0x93: {  	s2 =	sld [smem:$0x3FFC];
	_ =	sdelay $0x3  }
0x94: {  	_ =	strace s2  }
0x95: {  	s2 =	sld [smem:$0x3FFD];
	_ =	sdelay $0x3  }
0x96: {  	_ =	strace s2  }
0x97: {  	_ =	strace $0x8FFFFFFF  }
0x98: {  	s19 =	sld [smem:$0x3FDB];
	_ =	sdelay $0x1  }
0x99: {  	s20 =	simm.s32 $_scs_section_size  }
0x9a: {  	s4 =	simm.s32 $_size__tile_overlayer_lowered;
	s5 =	simm.s32 $_tile_overlayer_lowered  }
0x9b: {  	s6 =	simm.s32 $0x1BFF;
	s21 =	sshll.u32 s5, $0x1;
	s3 =	sadd.s32 s20, s19  }
0x9c: {  	s22 =	simm.s32 $0x0;
	s4 =	sshll.u32 s4, $0x1;
	s5 =	sadd.s32 s21, s3  }
0x9d: {  	[timem:s22], [sflag:s6] =	dma.local [hbm:s5], s4  }
0x9e: {  	_ =	swait.ge [sflag:s6], s4  }
0x9f: {  	s4 =	ssub.s32 $0x0, s4;
	[sflag:s6] =	ssyncset.done $0x0  }
0xa0: {  	[sflag:s6] =	ssyncadd.s32 s4;
	_ =	sdelay $0x1  }
0xa1: {  	s23 =	simm.s32 $0x1B8B  }
0xa2: {  	_ =	swait.ge [sflag:s23], $0x1  }
0xa3: {  	[sflag:s23] =	ssyncset.done $0x0  }
0xa4: {  	[sflag:s23] =	ssyncadd.s32 $0xFFFFFFFF  }
0xa5: {  	s4 =	sld [smem:$0x0]  }
0xa6: {  	s5 =	sand.u32 $0xFFFFFFFE, s1  }
0xa7: {  	p0 =	sne.s32 s1, s5  }
0xa8: {  	s5 =	sshll.u32 @p0 s5, $0xE  }
0xa9: {  	s5 =	sadd.s32 @p0 $0x11B8D, s5;
	s6 =	sshll.u32 @p0 s4, $0x11  }
0xaa: {  	s5 =	sor.u32 @p0 s6, s5  }
0xab: {  	[sflag:s5] =	ssyncadd.remote.s32 @p0 $0x1;
	_ =	sdelay $0x1  }
0xac: {  	s5 =	simm.s32 @p0 $0x1B8D  }
0xad: {  	_ =	swait.eq @p0 [sflag:s5], $0x1  }
0xae: {  	[sflag:s5] =	ssyncadd.s32 @p0 $0xFFFFFFFF  }
0xaf: {  	s6 =	sshll.u32 @!p0 s1, $0xE  }
0xb0: {  	s6 =	sor.u32 @!p0 $0x4000, s6;
	s5 =	simm.s32 @!p0 $0x1B8D  }
0xb1: {  	s7 =	sshll.u32 @!p0 s4, $0x11;
	s6 =	sadd.s32 @!p0 $0x11B8D, s6;
	_ =	swait.eq @!p0 [sflag:s5], $0x1  }
0xb2: {  	[sflag:s5] =	ssyncadd.s32 @!p0 $0xFFFFFFFF;
	s5 =	sor.u32 @!p0 s7, s6  }
0xb3: {  	s25 =	simm.s32 $0x1B8E;
	s24 =	sld [smem:$0x3FFE];
	[sflag:s5] =	ssyncadd.remote.s32 @!p0 $0x1  }
0xb4: {  	s26 =	simm.s32 $execute0_lowered;
	[smem:$0x3FD2] =	sst s25  }
0xb5: {  	s6 =	sshll.u32 s26, $0x1;
	_ =	strace $0x80000052;
	[dreg:$0x1] =	wrdreg $0xFFFFFFFF  }
0xb6: {  	s28 =	simm.s32 $_size_execute0_lowered;
	s3 =	sadd.s32 s3, s6;
	[dreg:$0x0] =	wrdreg $0x0  }
0xb7: {  	s6 =	sshll.u32 s28, $0x1;
	[dreg:$0x2] =	wrdreg s3  }
0xb8: {  	[dreg:$0x3] =	wrdreg s6  }
0xb9: {  	[dreg:$0x4] =	wrdreg $0xC0  }
0xba: {  	_ =	task [dreg:s22], $0x5FFFF  }
0xbb: {  	[dreg:$0x1] =	wrdreg $0xFFFFFFFF  }
0xbc: {  	[dreg:$0x0] =	wrdreg $0x60  }
0xbd: {  	[dreg:$0x2] =	wrdreg s24  }
0xbe: {  	[dreg:$0x3] =	wrdreg s1  }
0xbf: {  	[dreg:$0x4] =	wrdreg s4  }
0xc0: {  	[dreg:$0x5] =	wrdreg $0x9  }
0xc1: {  	_ =	task.clear_ibuf [dreg:s22], $0x6FFFF;
	_ =	strace $0x90000052  }
0xc2: {  	s29 =	simm.s32 $0x9;
	_ =	strace $0x80000054  }
0xc3: {  	_ =	swait.ge [sflag:s29], $0x1  }
0xc4: {  	[sflag:s29] =	ssyncadd.s32 $0xFFFFFFFF  }
0xc5: {  	_ =	strace $0x90000054  }
0xc6: {  	_ =	sfence  }
0xc7: {  	s30 =	sld [smem:$0x0];
	_ =	sdelay $0x2  }
0xc8: {  	s31 =	sshll.u32 s1, $0xD;
	s1 =	sshrl.u32 s1, $0x2  }
0xc9: {  	s4 =	sand.u32 $0x4000, s31;
	s1 =	sadd.s32 s1, s30  }
0xca: {  	s0 =	sor.u32 s4, s0;
	s1 =	sshll.u32 s1, $0x11  }
0xcb: {  	s0 =	sor.u32 s1, s0  }
0xcc: {  	s0 =	sadd.s32 $0x8F2B, s0  }
0xcd: {  	[sflag:s0] =	ssyncadd.remote.s32 $0x1  }
0xce: {  	_ =	sfence.sel $0xFFFF  }
0xcf: {  	[dreg:$0x0] =	wrdreg $0xFFFFFFFF;
	(pc) =	sbr.abs _section_cstart, $3  }
0xd0: {  	[dreg:$0x1] =	wrdreg $0xFFFFFFFF  }
0xd1: {  	_ =	task.clear_ibuf [dreg:s22], $0x2FFFF;
	_ =	strace $0x9FFFFFFF  }
0xd2: {  	(tm) =	ssettm $0x7FFFFFFF  }
0xd3: {  	_ =	shalt  }
tec
execute0_lowered:
.L_overlay_start_1:
0x0: {  	(tag) =	ssettag $0x1  }
0x1: {  	s3 =	rddreg [dreg:$0x0]  }
0x2: {  	s5 =	rddreg [dreg:$0x1];
	_ =	strace $0x80000053;
	s0 =	simm.s32 $0x1  }
0x3: {  	s2 =	simm.s32 $0x188;
	v0 =	vimm.s32 $0x0;
	[sflag:s0] =	ssyncpa.u1 $0x0  }
0x4: {  	[tilespmem:s2+$0x30] =	vst v0  }
0x5: {  	s1 =	sadd.s32 $0x3200, s3;
	s0 =	sadd.s32 $0xA61400, s3;
	s6 =	sadd.s32 $0x16C6000, s3;
	[tilespmem:s2+$0x20] =	vst v0  }
0x6: {  	s4 =	sadd.s32 $0xA6D800, s3;
	s8 =	sand.u32 $0x1, s5;
	s3 =	simm.s32 $0x40;
	[tilespmem:s2+$0x10] =	vst v0  }
.LBB2_1:
0x7: {  	s3 =	sadd.s32 $0x40, s3  }
0x8: {  	[tilespmem:s2+$0x0] =	vst v0;
	s2 =	sadd.s32 $0x40, s2;
	p0 =	slt.u32 s3, $0x60C0  }
.Ltmp0:
0x9: {  	(pc) =	sbr.rel @p0 .LBB2_1-.Ltmp0, $4  }
0xa: {  	_ = 	snop  }
0xb: {  	[tilespmem:s2+$0x30] =	vst v0  }
0xc: {  	[tilespmem:s2+$0x20] =	vst v0  }
0xd: {  	[tilespmem:s2+$0x10] =	vst v0  }
0xe: {  	s10 =	stileid.u32  }
0xf: {  	s24 =	simm.s32 $0x2;
	s26 =	simm.s32 $0x9;
	s28 =	simm.s32 $0xA  }
0x10: {  	s11 =	simm.s32 $0xB;
	[dreg:$0x4] =	wrdreg s8;
	s3 =	smul.u32 $0x61, s10  }
0x11: {  	s30 =	smul.u32 $0x61A8, s8;
	p1 =	por $0x0, $0x0;
	s5 =	smin.u32 s10, $0xB  }
0x12: {  	p0 =	slt.u32 s10, $0xB;
	s3 =	sadd.s32 s5, s3;
	s5 =	simm.s32 $0x3100  }
0x13: {  	s17 =	simm.s32 $0x1;
	s20 =	sshll.u32 s3, $0x7;
	s5 =	simm.s32 @!p0 $0x3080  }
0x14: {  	s18 =	simm.s32 $0x80;
	s19 =	simm.s32 $0x400;
	s25 =	sadd.s32 s5, s20  }
0x15: {  	s16 =	simm.s32 $0xC;
	s21 =	simm.s32 $0x0;
	s9 =	smin.u32 s25, $0x30D40  }
0x16: {  	[tilespmem:s2+$0x0] =	vst v0;
	s23 =	simm.s32 $0x0;
	[sflag:s24] =	ssyncpa.u1 $0x0;
	s2 =	ssub.s32 s9, s20  }
0x17: {  	v0 =	vimm.s32 $0xFFFFFFFF;
	s31 =	smul.u32 $0x600, s10;
	s24 =	simm.s32 $0x0;
	p0 =	sgt.s32 s2, $0x0  }
.Ltmp1:
0x18: {  	[tilespmem:$0xC308] =	vst v0;
	[sflag:s26] =	ssyncpa.u1 $0x0;
	s2 =	simm.s32 @!p0 $0x0;
	(pc) =	sbr.rel .LBB2_3-.Ltmp1, $4  }
0x19: {  	s13 =	sadd.s32 s30, s0;
	[sflag:s28] =	ssyncpa.u1 $0x0;
	s29 =	sshrl.u32 s2, $0x6  }
0x1a: {  	s15 =	sshrl.u32 s31, $0x2;
	s2 =	sshrl.u32 s2, $0x7;
	s3 =	sand.u32 $0x1, s29  }
0x1b: {  	[sflag:s11] =	ssyncpa.u1 $0x0;
	s11 =	sadd.s32 s30, s4;
	s12 =	sadd.s32 s2, s3  }
0x1c: {  	v0 =	vlaneseq.u32;
	s22 =	smov.u32 s20;
	p0 =	por $0x1, $0x1;
	s14 =	sadd.s32 $0x1, s12  }
.LBB2_24:
0x1d: {  	s2 =	sshrl.u32 s4, $0x2  }
.LBB2_26:
0x1e: {  	_ =	swait.ge [sflag:s16], s2  }
0x1f: {  	s31 =	ssub.s32 $0x0, s2;
	v1 =	vmov s26;
	vm0 =	veq.s32 v0, $0x0;
	[sflag:s16] =	ssyncset.done $0x0  }
0x20: {  	vm15 =	veq.s32 v0, $0x2;
	v1 =	vsel vm0, s0, v1;
	[sflag:s16] =	ssyncadd.s32 s31  }
0x21: {  	v1 =	vsel vm15, s24, v1;
	[sflag:s16] =	ssyncpa.u1 $0x1  }
0x22: {  	[tilespmem:$0xC308] =	vst v1  }
.LBB2_27:
0x23: {  	s0 =	sadd.s32 $0x80, s22  }
0x24: {  	s2 =	smov.u32 s20;
	p2 =	slt.s32 s0, s9  }
0x25: {  	s2 =	smov.u32 @p2 s0;
	p2 =	sne.s32 s23, s14  }
.Ltmp2:
0x26: {  	_ = 	snop;
	(pc) =	sbr.rel @!p2 .LBB2_28-.Ltmp2, $4  }
0x27: {  	_ = 	snop  }
0x28: {  	s24 =	smov.u32 s21  }
0x29: {  	s31 =	sadd.s32 $0x1, s23;
	s21 =	smov.u32 s22;
	p0 =	por !p0, !p0  }
0x2a: {  	p1 =	por !p1, !p1;
	s23 =	smov.u32 s31;
	s22 =	smov.u32 s2  }
.LBB2_3:
0x2b: {  	p2 =	sge.u32 s23, s12  }
0x2c: {  	s0 =	smov.u32 s22;
	p3 =	sgt.s32 @!p2 s22, $0x30CC0  }
0x2d: {  	s2 =	sshra.s32 @!p2 s22, $0x1F;
	s3 =	smulhi.u32 @!p2 $0xAAAAAAAB, s23;
	p3 =	por !p3, p2  }
0x2e: {  	s2 =	sand.u32 @!p2 s2, s22;
	s0 =	simm.s32 @p3 $0x30CC0  }
0x2f: {  	s0 =	ssub.s32 @!p2 s0, s2;
	s2 =	sshrl.u32 @!p2 s3, $0x1  }
0x30: {  	s0 =	sadd.s32 @!p2 $0xFFFCF340, s0;
	s2 =	smul.u32 @!p2 $0x3, s2  }
0x31: {  	s4 =	sand.u32 @!p2 $0x7, s22;
	s3 =	sshll.u32 @!p2 s0, $0x2;
	p3 =	sgt.s32 @!p2 s0, $0x7F  }
0x32: {  	s0 =	ssub.s32 @!p2 $0x200, s3;
	s2 =	ssub.s32 @!p2 s23, s2;
	p3 =	por !p3, p2  }
0x33: {  	s3 =	sshrl.u32 @!p2 s22, $0x3;
	s0 =	sshrl.u32 @!p2 s0, $0x2;
	s2 =	sshll.u32 @!p2 s2, $0x7  }
0x34: {  	s3 =	sadd.s32 @!p2 s3, s11;
	s0 =	simm.s32 @!p3 $0x0;
	s2 =	sadd.s32 @!p2 $0xDB48, s2  }
0x35: {  	[tilespmem:s2], [sflag:$0xA] =	stream.linear.gather @!p2 [hbm4b:s3+s4], s0, $0x38;
	[tilespmem:$0x1DDC8] =	vst v63  }
0x36: {  	s2 =	sadd.s32 $0xFFFFFFFF, s23  }
0x37: {  	p2 =	sge.u32 s2, s12  }
0x38: {  	p3 =	sgt.s32 @!p2 s21, $0x30CC0  }
0x39: {  	s0 =	smov.u32 s21;
	s3 =	sshra.s32 @!p2 s21, $0x1F;
	p3 =	por !p3, p2  }
0x3a: {  	s3 =	sand.u32 @!p2 s3, s21;
	s0 =	simm.s32 @p3 $0x30CC0  }
0x3b: {  	s0 =	ssub.s32 @!p2 s0, s3  }
0x3c: {  	s0 =	sadd.s32 @!p2 $0xFFFCF340, s0  }
0x3d: {  	s3 =	sshll.u32 @!p2 s0, $0x2  }
0x3e: {  	p3 =	sgt.s32 @!p2 s0, $0x7F;
	s0 =	ssub.s32 @!p2 $0x200, s3  }
0x3f: {  	p3 =	por !p3, p2;
	s0 =	sshrl.u32 @!p2 s0, $0x2  }
0x40: {  	s3 =	simm.s32 @!p2 $0xA;
	s0 =	simm.s32 @!p3 $0x0  }
0x41: {  	_ =	swait.ge @!p2 [sflag:s3], s0  }
0x42: {  	s4 =	sand.u32 @!p2 $0x1, s2;
	s5 =	ssub.s32 @!p2 $0x0, s0;
	[sflag:s3] =	ssyncset.done @!p2 $0x0  }
0x43: {  	s4 =	sshll.u32 @!p2 s4, $0x7;
	[sflag:s3] =	ssyncadd.s32 @!p2 s5;
	s3 =	sshrl.u32 @!p2 s21, $0x3  }
0x44: {  	s4 =	sadd.s32 @!p2 $0xDCC8, s4;
	s5 =	sand.u32 @!p2 $0x7, s21;
	s3 =	sadd.s32 @!p2 s3, s13  }
0x45: {  	[tilespmem:s4], [sflag:$0xB] =	stream.linear.gather @!p2 [hbm4b:s3+s5], s0, $0x38;
	[tilespmem:$0x1DDC8] =	vst v63  }
0x46: {  	s0 =	ssub.s32 @!p2 $0x30D40, s21  }
0x47: {  	p3 =	slt.s32 @!p2 s0, $0x1  }
0x48: {  	p3 =	por p2, p3  }
.Ltmp3:
0x49: {  	_ = 	snop;
	(pc) =	sbr.rel @p3 .LBB2_9-.Ltmp3, $1  }
0x4a: {  	_ =	sdelay $0x3  }
0x4b: {  	s3 =	smulhi.u32 $0xAAAAAAAB, s2;
	_ =	sdelay $0x1  }
0x4c: {  	s3 =	sshrl.u32 s3, $0x1  }
0x4d: {  	s3 =	smul.u32 $0x3, s3  }
.Ltmp4:
0x4e: {  	_ = 	snop;
	(pc) =	sbr.rel .LBB2_6-.Ltmp4, $4  }
0x4f: {  	s4 =	simm.s32 $0x1;
	s30 =	ssub.s32 s2, s3  }
0x50: {  	p3 =	slt.s32 @!p2 s0, $0x80;
	s4 =	simm.s32 @!p0 $0x0;
	s2 =	sshll.u32 s30, $0x7  }
0x51: {  	p2 =	por !p3, p2;
	s31 =	sshll.u32 s4, $0xF;
	s5 =	sadd.s32 $0xDB48, s2  }
0x52: {  	s0 =	simm.s32 @p2 $0x80;
	s4 =	sadd.s32 $0xDDC8, s31;
	s2 =	simm.s32 $0x0;
	v1 =	vmov s5  }
.LBB2_5:
0x53: {  	p2 =	sge.s32 s2, s0  }
.Ltmp5:
0x54: {  	_ = 	snop;
	(pc) =	sbr.rel @p2 .LBB2_9-.Ltmp5, $2  }
0x55: {  	_ =	sdelay $0x2  }
0x56: {  	s4 =	sadd.s32 $0x1000, s4  }
.LBB2_6:
0x57: {  	p2 =	sle.s32 s0, s2  }
.Ltmp6:
0x58: {  	_ = 	snop;
	(pc) =	sbr.rel @p2 .LBB2_5-.Ltmp6, $2  }
0x59: {  	_ =	sdelay $0x2  }
0x5a: {  	s5 =	smov.u32 s2;
	s2 =	sadd.s32 $0x10, s2  }
0x5b: {  	s3 =	ssub.s32 s0, s5  }
0x5c: {  	p2 =	slt.s32 s3, $0x10  }
0x5d: {  	s3 =	simm.s32 @!p2 $0x10  }
0x5e: {  	v2 =	vmov s3  }
0x5f: {  	vm0 =	vgt.s32 v2, v0;
	_ =	sdelay $0x5  }
0x60: {  	v2 =	vld.idx.msk [tilespmem:v1+s5+$0x0 ss:$0x1], vm0;
	_ =	sdelay $0x2  }
0x61: {  	p2 =	slt.s32 s2, s0;
	s3 =	smov.u32 s0  }
0x62: {  	s8 =	smov.u32 s4;
	s25 =	simm.s32 $0x0;
	s3 =	smov.u32 @p2 s2  }
.LBB2_8:
0x63: {  	(v2sf) =	vpush v2, s25;
	_ =	sdelay $0xe  }
0x64: {  	s25 =	sadd.s32 $0x1, s25;
	s10 =	spop (v2sf)  }
0x65: {  	s31 =	sadd.s32 s25, s5;
	s26 =	sshll.u32 s10, $0x8;
	s10 =	sshll.u32 s10, $0x7  }
0x66: {  	p2 =	slt.s32 s31, s3;
	s26 =	sand.u32 $0xFFFFF800, s26;
	s10 =	sand.u32 $0x380, s10  }
.Ltmp7:
0x67: {  	s10 =	sor.u32 s10, s26;
	(pc) =	sbr.rel @p2 .LBB2_8-.Ltmp7, $4  }
0x68: {  	s10 =	sshrl.u32 s10, $0x3  }
0x69: {  	s10 =	sadd.s32 s6, s10  }
0x6a: {  	[tilespmem:s8], [sflag:$0x9] =	stream.strided.gather [hbm4b:s10+s18], $0x100, s19, s18, $0x38;
	[tilespmem:$0x1DDC8] =	vst v63  }
0x6b: {  	s8 =	sadd.s32 $0x100, s8  }
.Ltmp8:
0x6c: {  	_ = 	snop;
	(pc) =	sbr.rel .LBB2_5-.Ltmp8, $1  }
0x6d: {  	_ =	sdelay $0x3  }
.LBB2_9:
0x6e: {  	p2 =	slt.u32 s23, $0x2  }
.Ltmp9:
0x6f: {  	_ = 	snop;
	(pc) =	sbr.rel @p2 .LBB2_27-.Ltmp9, $1  }
0x70: {  	_ =	sdelay $0x3  }
0x71: {  	p2 =	sgt.s32 s24, $0x30CC0  }
0x72: {  	s0 =	smov.u32 s24;
	s2 =	sshra.s32 s24, $0x1F;
	s3 =	ssub.s32 $0x30D40, s24  }
0x73: {  	s0 =	simm.s32 @!p2 $0x30CC0;
	s2 =	sand.u32 s2, s24;
	p2 =	slt.s32 s3, $0x80  }
0x74: {  	s0 =	ssub.s32 s0, s2;
	s3 =	simm.s32 @!p2 $0x80  }
0x75: {  	s0 =	sadd.s32 $0xFFFCF340, s0;
	s10 =	sshll.u32 s3, $0x8  }
0x76: {  	s29 =	simm.s32 $0x9;
	s25 =	sshll.u32 s0, $0x2;
	s2 =	sand.u32 $0x3FFFFF00, s10  }
0x77: {  	p2 =	sgt.s32 s0, $0x7F;
	s26 =	ssub.s32 $0x200, s25;
	_ =	swait.ge [sflag:s29], s2  }
0x78: {  	s2 =	ssub.s32 $0x0, s2;
	[sflag:s29] =	ssyncset.done $0x0;
	s0 =	sshrl.u32 s26, $0x2  }
0x79: {  	s30 =	simm.s32 $0xB;
	[sflag:s29] =	ssyncadd.s32 s2;
	s0 =	simm.s32 @p2 $0x0  }
0x7a: {  	_ =	swait.ge [sflag:s30], s0  }
0x7b: {  	s0 =	ssub.s32 $0x0, s0;
	[sflag:s30] =	ssyncset.done $0x0  }
0x7c: {  	[sflag:s30] =	ssyncadd.s32 s0  }
0x7d: {  	v1 =	vld [tilespmem:$0xC308];
	_ =	sdelay $0x4  }
0x7e: {  	(v2sf) =	vpush v1, $0x0  }
0x7f: {  	(v2sf) =	vpush v1, $0x1  }
0x80: {  	(v2sf) =	vpush v1, $0x2;
	_ =	sdelay $0x3  }
0x81: {  	s0 =	sadd.s32 $0x80, s24  }
0x82: {  	s2 =	ssub.s32 $0x61A80, s24;
	p2 =	slt.s32 s9, s0  }
0x83: {  	s0 =	smov.u32 @p2 s9;
	p2 =	sgt.s32 s2, $0x0  }
0x84: {  	s0 =	ssub.s32 s0, s24;
	s2 =	simm.s32 @!p2 $0x0  }
0x85: {  	p2 =	slt.s32 s2, s0  }
0x86: {  	s0 =	smov.u32 @p2 s2  }
0x87: {  	p2 =	slt.s32 s0, $0x1  }
.Ltmp10:
0x88: {  	_ = 	snop;
	(pc) =	sbr.rel @p2 .LBB2_14-.Ltmp10, $4  }
0x89: {  	s4 =	simm.s32 $0x1  }
0x8a: {  	s4 =	simm.s32 @!p1 $0x0;
	s28 =	spop (v2sf)  }
0x8b: {  	s31 =	sshll.u32 s4, $0x7;
	s5 =	spop (v2sf)  }
0x8c: {  	s25 =	sadd.s32 $0xDCC8, s31;
	s24 =	spop (v2sf)  }
0x8d: {  	s2 =	smin.u32 s0, $0x10  }
0x8e: {  	v1 =	vmov s2  }
0x8f: {  	vm1 =	vgt.u32 v1, v0  }
0x90: {  	p3 =	sgt.s32 s0, $0x10  }
.Ltmp11:
0x91: {  	_ = 	snop;
	(pc) =	sbr.rel @!p3 .LBB2_13-.Ltmp11, $2  }
0x92: {  	_ =	sdelay $0x2  }
0x93: {  	s26 =	simm.s32 $0x10;
	s29 =	sadd.s32 $0xFFFFFFF0, s0;
	s2 =	smov.u32 s25;
	vm0 =	vmmov vm1;
	v1 =	vld.msk [tilespmem:s25+$0x0 ss:$0x1], vm1  }
.LBB2_12:
0x94: {  	s3 =	smin.u32 s29, $0x10;
	s26 =	sadd.s32 $0x10, s26  }
0x95: {  	v2 =	vmov s3;
	p3 =	slt.s32 s26, s0  }
0x96: {  	vm1 =	vgt.u32 v2, v0;
	_ =	sdelay $0x1  }
0x97: {  	v2 =	vshll.u32 v1, $0x5;
	v1 =	vshll.u32 v1, $0x4  }
.Ltmp12:
0x98: {  	v2 =	vand.u32 $0xFFFFFF00, v2;
	v1 =	vand.u32 $0x70, v1;
	(pc) =	sbr.rel @p3 .LBB2_12-.Ltmp12, $4  }
0x99: {  	v1 =	vor.u32 v1, v2  }
0x9a: {  	[tilespmem:s2+$0x0] =	vst.msk vm0, v1;
	s2 =	sadd.s32 $0x10, s2;
	vm0 =	vmmov vm1  }
0x9b: {  	v1 =	vld.msk [tilespmem:s2+$0x0 ss:$0x1], vm1  }
0x9c: {  	s29 =	sadd.s32 $0xFFFFFFF0, s29  }
.LBB2_13:
0x9d: {  	_ =	sdelay $0x3  }
0x9e: {  	v2 =	vshll.u32 v1, $0x5;
	v1 =	vshll.u32 v1, $0x4  }
0x9f: {  	v2 =	vand.u32 $0xFFFFFF00, v2;
	v1 =	vand.u32 $0x70, v1  }
0xa0: {  	v1 =	vor.u32 v1, v2  }
0xa1: {  	[tilespmem:s2+$0x0] =	vst.msk vm0, v1  }
.LBB2_14:
0xa2: {  	s2 =	sand.u32 $0x1, s23  }
0xa3: {  	p3 =	sne.s32 s5, $0xFFFFFFFF;
	s2 =	sshll.u32 s2, $0x7  }
0xa4: {  	v1 =	vld.msk @!p3 [tilespmem:s2+$0xDCC8], $0x1;
	_ =	sdelay $0x4  }
0xa5: {  	(v2sf) =	vpush @!p3 v1, $0x0;
	_ =	sdelay $0xc  }
.Ltmp13:
0xa6: {  	_ = 	snop;
	(pc) =	sbr.rel @p2 .LBB2_25-.Ltmp13, $4  }
0xa7: {  	_ = 	snop  }
0xa8: {  	s31 =	spop @!p3 (v2sf)  }
0xa9: {  	s24 =	simm.s32 @!p3 $0x0;
	s26 =	smov.u32 s31  }
0xaa: {  	[sflag:s16] =	ssyncpa.u1 $0x0;
	s31 =	smov.u32 @p3 s28;
	s26 =	smov.u32 @p3 s5  }
0xab: {  	v1 =	vld.msk [tilespmem:s25+$0x0], $0x1;
	_ =	sdelay $0x4  }
0xac: {  	(v2sf) =	vpush v1, $0x0;
	_ =	sdelay $0xe  }
0xad: {  	s7 =	smov.u32 s14;
	s14 =	smov.u32 s11;
	s5 =	spop (v2sf)  }
0xae: {  	s28 =	simm.s32 $0x0;
	s2 =	sshll.u32 s4, $0xF;
	p2 =	seq.s32 s31, s5  }
0xaf: {  	s4 =	smov.u32 s31;
	s30 =	ssub.s32 $0x0, s0;
	p3 =	sgt.s32 @!p2 s31, $0x0  }
0xb0: {  	s29 =	sadd.s32 $0xDE28, s2;
	s3 =	smul.u32 @!p2 $0x300, s28;
	p3 =	por !p3, p2  }
0xb1: {  	s0 =	sadd.s32 $0x1, s30;
	s2 =	simm.s32 @!p2 $0x1;
	s4 =	simm.s32 @p3 $0x0  }
0xb2: {  	s8 =	sshra.s32 @!p2 s3, $0x2;
	p3 =	seq.s32 s0, $0x0;
	s3 =	smin.u32 @!p2 s4, $0x30D378  }
.Ltmp14:
0xb3: {  	s4 =	sadd.s32 @!p2 $0x6248, s8;
	s10 =	sand.u32 @!p2 $0x3FFFF8, s3;
	(pc) =	sbr.rel @p3 .LBB2_17-.Ltmp14, $4  }
0xb4: {  	s11 =	sadd.s32 @!p2 $0x80, s3;
	s3 =	sand.u32 @!p2 $0x7, s3;
	s10 =	sadd.s32 @!p2 s1, s10  }
0xb5: {  	[tilespmem:s4], [sflag:$0x2] =	stream.linear.gather @!p2 [hbm4b:s10+s3], $0x80, $0x38;
	[tilespmem:$0x1DDC8] =	vst v63  }
0xb6: {  	s16 =	smov.u32 s13;
	s2 =	smov.u32 @p2 s28;
	s4 =	sand.u32 @!p2 $0x7FFFF8, s11  }
0xb7: {  	s8 =	sadd.s32 @!p2 $0x62C8, s8;
	s10 =	sadd.s32 @!p2 s1, s4;
	s4 =	sadd.s32 $0x1, s25  }
.LBB2_16:
0xb8: {  	s11 =	smov.u32 s2  }
0xb9: {  	[tilespmem:s8], [sflag:$0x2] =	stream.linear.gather @!p2 [hbm4b:s10+s3], $0x40, $0x38;
	[tilespmem:$0x1DDC8] =	vst v63  }
0xba: {  	s0 =	sadd.s32 $0x1, s0;
	s3 =	smov.u32 s5;
	v1 =	vld.msk [tilespmem:s4+$0x0], $0x1  }
0xbb: {  	p3 =	seq.s32 s0, $0x0;
	_ =	sdelay $0x3  }
0xbc: {  	(v2sf) =	vpush v1, $0x0;
	_ =	sdelay $0xe  }
0xbd: {  	s5 =	spop (v2sf)  }
0xbe: {  	p2 =	seq.s32 s3, s5  }
0xbf: {  	p4 =	sgt.s32 @!p2 s3, $0x0;
	s8 =	smul.u32 @!p2 $0x300, s2;
	s2 =	sadd.s32 @!p2 $0x1, s2  }
0xc0: {  	p4 =	por !p4, p2;
	s2 =	smov.u32 @p2 s11  }
0xc1: {  	s3 =	simm.s32 @p4 $0x0;
	s8 =	sshra.s32 @!p2 s8, $0x2  }
.Ltmp15:
0xc2: {  	s3 =	smin.u32 @!p2 s3, $0x30D378;
	s10 =	sadd.s32 @!p2 $0x6248, s8;
	(pc) =	sbr.rel @!p3 .LBB2_16-.Ltmp15, $4  }
0xc3: {  	s8 =	sadd.s32 @!p2 $0x62C8, s8;
	s11 =	sand.u32 @!p2 $0x3FFFF8, s3;
	s13 =	sadd.s32 @!p2 $0x80, s3  }
0xc4: {  	s3 =	sand.u32 @!p2 $0x7, s3;
	s11 =	sadd.s32 @!p2 s1, s11;
	s13 =	sand.u32 @!p2 $0x7FFFF8, s13  }
0xc5: {  	[tilespmem:s10], [sflag:$0x2] =	stream.linear.gather @!p2 [hbm4b:s11+s3], $0x80, $0x38;
	[tilespmem:$0x1DDC8] =	vst v63  }
0xc6: {  	s4 =	sadd.s32 $0x1, s4;
	s10 =	sadd.s32 @!p2 s1, s13  }
.LBB2_17:
0xc7: {  	s0 =	smul.u32 $0x300, s2  }
0xc8: {  	[tilespmem:s8], [sflag:$0x2] =	stream.linear.gather @!p2 [hbm4b:s10+s3], $0x40, $0x38;
	[tilespmem:$0x1DDC8] =	vst v63  }
.Ltmp16:
0xc9: {  	_ = 	snop;
	(pc) =	sbr.rel .LBB2_18-.Ltmp16, $4  }
0xca: {  	s13 =	simm.s32 $0x2;
	s0 =	sshrl.u32 s0, $0x2  }
0xcb: {  	s4 =	simm.s32 $0x0;
	s11 =	smov.u32 s14;
	_ =	swait.ge [sflag:s13], s0  }
0xcc: {  	s14 =	smov.u32 s7;
	s0 =	ssub.s32 $0x0, s0;
	[sflag:s13] =	ssyncset.done $0x0  }
0xcd: {  	[sflag:s13] =	ssyncadd.s32 s0;
	s13 =	smov.u32 s16;
	s16 =	simm.s32 $0xC  }
.LBB2_19:
0xce: {  	v1 =	vld [tilespmem:s29+$0xFFFFFFA0];
	_ =	sdelay $0x4  }
0xcf: {  	[tilespmem:s5+$0x188] =	vst.add.f32.msk $0xffff, v1  }
0xd0: {  	v1 =	vld [tilespmem:s29+$0xFFFFFFB0];
	_ =	sdelay $0x4  }
0xd1: {  	[tilespmem:s5+$0x198] =	vst.add.f32.msk $0xffff, v1  }
0xd2: {  	v1 =	vld [tilespmem:s29+$0xFFFFFFC0];
	_ =	sdelay $0x4  }
0xd3: {  	[tilespmem:s5+$0x1A8] =	vst.add.f32.msk $0xffff, v1  }
0xd4: {  	v1 =	vld [tilespmem:s29+$0xFFFFFFD0];
	_ =	sdelay $0x4  }
0xd5: {  	[tilespmem:s5+$0x1B8] =	vst.add.f32.msk $0xffff, v1  }
0xd6: {  	v1 =	vld [tilespmem:s29+$0xFFFFFFE0];
	_ =	sdelay $0x4  }
0xd7: {  	[tilespmem:s5+$0x1C8] =	vst.add.f32.msk $0xffff, v1  }
0xd8: {  	v1 =	vld [tilespmem:s29+$0xFFFFFFF0];
	_ =	sdelay $0x4  }
0xd9: {  	[tilespmem:s5+$0x1D8] =	vst.add.f32.msk $0xffff, v1  }
0xda: {  	v1 =	vld [tilespmem:s29+$0x0];
	_ =	sdelay $0x4  }
0xdb: {  	[tilespmem:s5+$0x1E8] =	vst.add.f32.msk $0xffff, v1  }
0xdc: {  	v1 =	vld [tilespmem:s29+$0x10];
	_ =	sdelay $0x4  }
0xdd: {  	[tilespmem:s5+$0x1F8] =	vst.add.f32.msk $0xffff, v1  }
0xde: {  	v1 =	vld [tilespmem:s29+$0x20];
	_ =	sdelay $0x4  }
0xdf: {  	[tilespmem:s5+$0x208] =	vst.add.f32.msk $0xffff, v1  }
0xe0: {  	v1 =	vld [tilespmem:s29+$0x30];
	_ =	sdelay $0x4  }
0xe1: {  	[tilespmem:s5+$0x218] =	vst.add.f32.msk $0xffff, v1  }
0xe2: {  	v1 =	vld [tilespmem:s29+$0x40];
	_ =	sdelay $0x4  }
0xe3: {  	[tilespmem:s5+$0x228] =	vst.add.f32.msk $0xffff, v1  }
0xe4: {  	v1 =	vld [tilespmem:s29+$0x50];
	_ =	sdelay $0x4  }
0xe5: {  	[tilespmem:s5+$0x238] =	vst.add.f32.msk $0xffff, v1  }
.LBB2_23:
0xe6: {  	s30 =	sadd.s32 $0x1, s30  }
0xe7: {  	p2 =	seq.s32 s30, $0x0  }
.Ltmp17:
0xe8: {  	_ = 	snop;
	(pc) =	sbr.rel @p2 .LBB2_24-.Ltmp17, $2  }
0xe9: {  	_ =	sdelay $0x2  }
0xea: {  	s25 =	sadd.s32 $0x1, s25;
	s29 =	sadd.s32 $0x100, s29;
	s31 =	smov.u32 s0  }
.LBB2_18:
0xeb: {  	v1 =	vld.msk [tilespmem:s25+$0x0], $0x1;
	_ =	sdelay $0x4  }
0xec: {  	(v2sf) =	vpush v1, $0x0;
	_ =	sdelay $0xe  }
0xed: {  	s0 =	spop (v2sf)  }
0xee: {  	p2 =	sne.s32 s31, s0  }
.Ltmp18:
0xef: {  	_ = 	snop;
	(pc) =	sbr.rel @!p2 .LBB2_19-.Ltmp18, $3  }
0xf0: {  	_ = 	snop  }
0xf1: {  	s2 =	smul.u32 $0x300, s24;
	_ =	sdelay $0x1  }
0xf2: {  	s5 =	sshra.s32 s2, $0x2  }
0xf3: {  	p2 =	seq.s32 s31, s26  }
.Ltmp19:
0xf4: {  	_ = 	snop;
	(pc) =	sbr.rel @!p2 .LBB2_21-.Ltmp19, $1  }
0xf5: {  	_ =	sdelay $0x3  }
.Ltmp20:
0xf6: {  	s2 =	sadd.s32 $0x188, s5;
	(pc) =	sbr.rel .LBB2_22-.Ltmp20, $4  }
0xf7: {  	[spmem:s15] =	stream.linear.scatter [tilespmem:s2], [sflag:$0x1], $0xC0, $0x38;
	[tilespmem:$0x1DDC8] =	vst v63  }
0xf8: {  	_ =	swait.ge [sflag:s17], $0xC0  }
0xf9: {  	[sflag:s17] =	ssyncset.done $0x0  }
0xfa: {  	[sflag:s17] =	ssyncadd.s32 $0xFFFFFF40  }
.LBB2_21:
0xfb: {  	s2 =	smul.u32 $0x300, s28;
	_ =	sdelay $0x1  }
0xfc: {  	s2 =	sshra.s32 s2, $0x2  }
0xfd: {  	v1 =	vld [tilespmem:s2+$0x6248];
	_ =	sdelay $0x4  }
0xfe: {  	[tilespmem:s5+$0x188] =	vst.add.f32.msk $0xffff, v1  }
0xff: {  	v1 =	vld [tilespmem:s2+$0x6258];
	_ =	sdelay $0x4  }
0x100: {  	[tilespmem:s5+$0x198] =	vst.add.f32.msk $0xffff, v1  }
0x101: {  	v1 =	vld [tilespmem:s2+$0x6268];
	_ =	sdelay $0x4  }
0x102: {  	[tilespmem:s5+$0x1A8] =	vst.add.f32.msk $0xffff, v1  }
0x103: {  	v1 =	vld [tilespmem:s2+$0x6278];
	_ =	sdelay $0x4  }
0x104: {  	[tilespmem:s5+$0x1B8] =	vst.add.f32.msk $0xffff, v1  }
0x105: {  	v1 =	vld [tilespmem:s2+$0x6288];
	_ =	sdelay $0x4  }
0x106: {  	[tilespmem:s5+$0x1C8] =	vst.add.f32.msk $0xffff, v1  }
0x107: {  	v1 =	vld [tilespmem:s2+$0x6298];
	_ =	sdelay $0x4  }
0x108: {  	[tilespmem:s5+$0x1D8] =	vst.add.f32.msk $0xffff, v1  }
0x109: {  	v1 =	vld [tilespmem:s2+$0x62A8];
	_ =	sdelay $0x4  }
0x10a: {  	[tilespmem:s5+$0x1E8] =	vst.add.f32.msk $0xffff, v1  }
0x10b: {  	v1 =	vld [tilespmem:s2+$0x62B8];
	_ =	sdelay $0x4  }
0x10c: {  	[tilespmem:s5+$0x1F8] =	vst.add.f32.msk $0xffff, v1  }
0x10d: {  	v1 =	vld [tilespmem:s2+$0x62C8];
	_ =	sdelay $0x4  }
0x10e: {  	[tilespmem:s5+$0x208] =	vst.add.f32.msk $0xffff, v1  }
0x10f: {  	v1 =	vld [tilespmem:s2+$0x62D8];
	_ =	sdelay $0x4  }
0x110: {  	[tilespmem:s5+$0x218] =	vst.add.f32.msk $0xffff, v1  }
0x111: {  	v1 =	vld [tilespmem:s2+$0x62E8];
	_ =	sdelay $0x4  }
0x112: {  	[tilespmem:s5+$0x228] =	vst.add.f32.msk $0xffff, v1  }
0x113: {  	v1 =	vld [tilespmem:s2+$0x62F8];
	_ =	sdelay $0x2  }
0x114: {  	p2 =	sgt.u32 s31, $0x30D378  }
0x115: {  	s2 =	sand.u32 @!p2 $0x3FFFF8, s31  }
0x116: {  	s3 =	sadd.s32 $0x188, s5;
	s8 =	sand.u32 @!p2 $0x7, s31;
	s2 =	sadd.s32 @!p2 s1, s2;
	[tilespmem:s5+$0x238] =	vst.add.f32.msk $0xffff, v1  }
0x117: {  	[hbm4b:s2+s8] =	stream.linear.scatter @!p2 [tilespmem:s3], [sflag:$0xC], $0x80, $0x38;
	[tilespmem:$0x1DDC8] =	vst v63  }
0x118: {  	s2 =	sadd.s32 @!p2 $0x80, s31  }
0x119: {  	s2 =	sand.u32 @!p2 $0x7FFFF8, s2  }
0x11a: {  	s3 =	sadd.s32 $0x208, s5;
	s2 =	sadd.s32 @!p2 s1, s2  }
0x11b: {  	[hbm4b:s2+s8] =	stream.linear.scatter @!p2 [tilespmem:s3], [sflag:$0xC], $0x40, $0x38;
	[tilespmem:$0x1DDC8] =	vst v63  }
0x11c: {  	s2 =	simm.s32 $0x0  }
0x11d: {  	s2 =	simm.s32 @!p2 $0x300  }
0x11e: {  	s4 =	sadd.s32 s2, s4  }
.LBB2_22:
0x11f: {  	s2 =	sadd.s32 $0x1, s24;
	v1 =	vld [tilespmem:s29+$0xFFFFFFA0]  }
0x120: {  	s24 =	sand.u32 $0x7F, s2  }
0x121: {  	s2 =	smul.u32 $0x300, s24;
	_ =	sdelay $0x1  }
0x122: {  	s2 =	sshrl.u32 s2, $0x2  }
0x123: {  	[tilespmem:s2+$0x188] =	vst v1  }
0x124: {  	v1 =	vld [tilespmem:s29+$0xFFFFFFB0];
	_ =	sdelay $0x4  }
0x125: {  	[tilespmem:s2+$0x198] =	vst v1  }
0x126: {  	v1 =	vld [tilespmem:s29+$0xFFFFFFC0];
	_ =	sdelay $0x4  }
0x127: {  	[tilespmem:s2+$0x1A8] =	vst v1  }
0x128: {  	v1 =	vld [tilespmem:s29+$0xFFFFFFD0];
	_ =	sdelay $0x4  }
0x129: {  	[tilespmem:s2+$0x1B8] =	vst v1  }
0x12a: {  	v1 =	vld [tilespmem:s29+$0xFFFFFFE0];
	_ =	sdelay $0x4  }
0x12b: {  	[tilespmem:s2+$0x1C8] =	vst v1  }
0x12c: {  	v1 =	vld [tilespmem:s29+$0xFFFFFFF0];
	_ =	sdelay $0x4  }
0x12d: {  	[tilespmem:s2+$0x1D8] =	vst v1  }
0x12e: {  	v1 =	vld [tilespmem:s29+$0x0];
	_ =	sdelay $0x4  }
0x12f: {  	[tilespmem:s2+$0x1E8] =	vst v1  }
0x130: {  	v1 =	vld [tilespmem:s29+$0x10];
	_ =	sdelay $0x4  }
0x131: {  	[tilespmem:s2+$0x1F8] =	vst v1  }
0x132: {  	v1 =	vld [tilespmem:s29+$0x20];
	_ =	sdelay $0x4  }
0x133: {  	[tilespmem:s2+$0x208] =	vst v1  }
0x134: {  	v1 =	vld [tilespmem:s29+$0x30];
	_ =	sdelay $0x4  }
0x135: {  	[tilespmem:s2+$0x218] =	vst v1  }
0x136: {  	v1 =	vld [tilespmem:s29+$0x40];
	_ =	sdelay $0x4  }
0x137: {  	[tilespmem:s2+$0x228] =	vst v1  }
0x138: {  	v1 =	vld [tilespmem:s29+$0x50]  }
.Ltmp21:
0x139: {  	_ = 	snop;
	(pc) =	sbr.rel .LBB2_23-.Ltmp21, $2  }
0x13a: {  	_ =	sdelay $0x2  }
0x13b: {  	s28 =	sadd.s32 $0x1, s28;
	[tilespmem:s2+$0x238] =	vst v1  }
.LBB2_25:
.Ltmp22:
0x13c: {  	(pc) =	sbr.rel .LBB2_26-.Ltmp22, $4  }
0x13d: {  	_ = 	snop  }
0x13e: {  	s0 =	simm.s32 $0x2  }
0x13f: {  	_ =	swait.ge [sflag:s0], $0x0  }
0x140: {  	s2 =	simm.s32 $0x0;
	[sflag:s0] =	ssyncset.done $0x0;
	s0 =	smov.u32 s31  }
.LBB2_28:
0x141: {  	_ =	sfence.sel $0x180000  }
0x142: {  	s0 =	simm.s32 $0x9;
	[bflag:$0x0] =	sbarrier.arrive $0xFFFF  }
0x143: {  	s24 =	simm.s32 $0xA;
	[sflag:s0] =	ssyncpa.u1 $0x1  }
0x144: {  	s25 =	simm.s32 $0xB;
	[sflag:s24] =	ssyncpa.u1 $0x1  }
0x145: {  	s26 =	simm.s32 $0x2;
	[sflag:s25] =	ssyncpa.u1 $0x1  }
0x146: {  	[sflag:s26] =	ssyncpa.u1 $0x1  }
0x147: {  	v0 =	vld [tilespmem:$0xC308];
	_ =	sdelay $0x4  }
0x148: {  	(v2sf) =	vpush v0, $0x0  }
0x149: {  	(v2sf) =	vpush v0, $0x1  }
0x14a: {  	(v2sf) =	vpush v0, $0x2;
	_ =	sdelay $0xc  }
0x14b: {  	s0 =	spop (v2sf)  }
0x14c: {  	s2 =	spop (v2sf)  }
0x14d: {  	s3 =	smov.u32 s0;
	p0 =	sne.s32 s0, s2;
	s4 =	spop (v2sf)  }
0x14e: {  	s3 =	simm.s32 @!p0 $0xFFFFFFFF;
	p0 =	seq.s32 s4, $0xFFFFFFFF  }
0x14f: {  	v2 =	vimm.s32 $0x1;
	v3 =	vlaneseq.u32;
	v1 =	vmov s3;
	p1 =	sne.s32 @!p0 s0, s2  }
0x150: {  	s15 =	stileid.u32;
	v0 =	vperm.xlane v0, v2;
	s0 =	simm.s32 @!p0 $0x1;
	v1 =	vperm.xlane v1, v3;
	p1 =	por !p1, p0  }
0x151: {  	vm0 =	vcmask $0x3F04;
	s3 =	sshll.u32 s15, $0x1;
	s2 =	smul.u32 @!p0 $0x300, s4;
	s0 =	simm.s32 @p1 $0x0  }
0x152: {  	s6 =	simm.s32 $0xC308;
	v0 =	vsel vm0, v1, v0;
	s0 =	sor.u32 @!p0 s0, s3  }
0x153: {  	s5 =	sor.u32 $0x1800, s3;
	s2 =	sshra.s32 @!p0 s2, $0x2;
	[tilespmem:$0xC308] =	vst v0;
	s0 =	smul.u32 @!p0 $0x300, s0  }
0x154: {  	[spmem:s5] =	stream.linear.scatter [tilespmem:s6], [sflag:$0x1], $0x2, $0x38;
	[tilespmem:$0x1DDC8] =	vst v63  }
0x155: {  	s2 =	sadd.s32 @!p0 $0x188, s2;
	s0 =	sshrl.u32 @!p0 s0, $0x2  }
0x156: {  	[spmem:s0] =	stream.linear.scatter @!p0 [tilespmem:s2], [sflag:$0x1], $0xC0, $0x38;
	[tilespmem:$0x1DDC8] =	vst v63  }
0x157: {  	s0 =	simm.s32 @!p0 $0xC2  }
0x158: {  	s28 =	simm.s32 $0x1;
	s0 =	simm.s32 @p0 $0x2  }
0x159: {  	_ =	swait.ge [sflag:s28], s0  }
0x15a: {  	s0 =	ssub.s32 $0x0, s0;
	[sflag:s28] =	ssyncset.done $0x0  }
0x15b: {  	p0 =	sne.s32 s15, $0x0;
	[sflag:s28] =	ssyncadd.s32 s0  }
.Ltmp23:
0x15c: {  	_ =	sfence.stream.spmem;
	(pc) =	sbr.rel @p0 .LBB2_45-.Ltmp23, $4  }
0x15d: {  	s29 =	simm.s32 $0x3;
	[bflag:$0x0] =	sbarrier.arrive $0xFFFF  }
0x15e: {  	s30 =	simm.s32 $0x4;
	[sflag:s29] =	ssyncpa.u1 $0x1  }
0x15f: {  	s31 =	simm.s32 $0x3C;
	[sflag:s30] =	ssyncpa.u1 $0x1  }
0x160: {  	s14 =	rddreg [dreg:$0x4];
	[sflag:s31] =	ssyncpa.u1 $0x1  }
0x161: {  	_ =	sfence.stream.spmem;
	s0 =	simm.s32 $0x5  }
0x162: {  	s2 =	simm.s32 $0x1800;
	s3 =	simm.s32 $0xC318;
	[sflag:s0] =	ssyncpa.u1 $0x0  }
0x163: {  	[tilespmem:s3], [sflag:$0x5] =	stream.linear.gather [spmem:s2], $0x20, $0x38;
	[tilespmem:$0x1DDC8] =	vst v63  }
0x164: {  	s26 =	simm.s32 $0x0;
	s28 =	simm.s32 $0xC338  }
0x165: {  	[tilespmem:s28], [sflag:$0x5] =	stream.linear.gather [spmem:s26], $0x1800, $0x38;
	[tilespmem:$0x1DDC8] =	vst v63  }
0x166: {  	_ =	swait.ge [sflag:s0], $0x1820  }
0x167: {  	[sflag:s0] =	ssyncset.done $0x0  }
0x168: {  	s29 =	simm.s32 $0x0;
	[sflag:s0] =	ssyncadd.s32 $0xFFFFE7E0  }
0x169: {  	v0 =	vld.msk [tilespmem:s29+$0xC318], $0x1;
	_ =	sdelay $0x1  }
0x16a: {  	s30 =	simm.s32 $0x1  }
0x16b: {  	v1 =	vld.msk [tilespmem:s30+$0xC318], $0x1;
	_ =	sdelay $0x1  }
0x16c: {  	(v2sf) =	vpush v0, $0x0;
	_ =	sdelay $0x2  }
0x16d: {  	(v2sf) =	vpush v1, $0x0;
	_ =	sdelay $0x2  }
0x16e: {  	s31 =	simm.s32 $0x2  }
0x16f: {  	v0 =	vld.msk [tilespmem:s31+$0xC318], $0x1;
	_ =	sdelay $0x2  }
0x170: {  	s2 =	simm.s32 $0xFFFFFFFF;
	s3 =	simm.s32 $0xFFFFFFFF;
	s0 =	simm.s32 $0xC  }
.LBB2_30:
0x171: {  	s4 =	smov.u32 s3;
	s5 =	smov.u32 s2  }
0x172: {  	s2 =	sshra.s32 s0, $0x2;
	p1 =	sne.s32 s0, $0x7C;
	s0 =	sadd.s32 $0x4, s0;
	(v2sf) =	vpush v0, $0x0  }
0x173: {  	v0 =	vld.msk [tilespmem:s2+$0xC318], $0x1  }
.Ltmp24:
0x174: {  	(pc) =	sbr.rel @p1 .LBB2_30-.Ltmp24, $4  }
0x175: {  	s3 =	spop (v2sf)  }
0x176: {  	p2 =	sne.s32 s5, $0xFFFFFFFF;
	s2 =	smov.u32 s3  }
0x177: {  	p3 =	seq.s32 s3, $0xFFFFFFFF;
	s2 =	smov.u32 @p2 s5  }
0x178: {  	s3 =	smov.u32 @p3 s4;
	s2 =	smov.u32 @p3 s5  }
0x179: {  	(v2sf) =	vpush v0, $0x0;
	_ =	sdelay $0x8  }
0x17a: {  	s0 =	spop (v2sf)  }
0x17b: {  	p1 =	sne.s32 s2, $0xFFFFFFFF;
	s9 =	simm.s32 $0x6;
	s4 =	smov.u32 s0  }
0x17c: {  	s6 =	simm.s32 $0x0;
	p2 =	seq.s32 s0, $0xFFFFFFFF;
	s4 =	smov.u32 @p1 s2  }
0x17d: {  	s10 =	simm.s32 $0xC248;
	s4 =	smov.u32 @p2 s2;
	s2 =	spop (v2sf)  }
0x17e: {  	s0 =	smov.u32 @p2 s3;
	p1 =	sne.s32 s4, $0xFFFFFFFF;
	s5 =	smov.u32 s2  }
.Ltmp25:
0x17f: {  	p2 =	seq.s32 s2, $0xFFFFFFFF;
	s5 =	smov.u32 @p1 s4;
	(pc) =	sbr.rel .LBB2_32-.Ltmp25, $4  }
0x180: {  	s11 =	simm.s32 $0xC2C8;
	s5 =	smov.u32 @p2 s4;
	s7 =	spop (v2sf)  }
0x181: {  	s12 =	simm.s32 $0x0;
	p1 =	sne.s32 s5, $0xFFFFFFFF;
	s8 =	smov.u32 s7  }
0x182: {  	s2 =	smov.u32 @p2 s0;
	p2 =	seq.s32 s7, $0xFFFFFFFF;
	s8 =	smov.u32 @p1 s5  }
0x183: {  	[sflag:s9] =	ssyncpa.u1 $0x0;
	s7 =	smov.u32 @p2 s2;
	s8 =	smov.u32 @p2 s5  }
.LBB2_38:
0x184: {  	p1 =	sgt.u32 s0, $0x30D378  }
0x185: {  	p2 =	seq.s32 @!p1 s0, s8  }
0x186: {  	p1 =	por p1, p2  }
0x187: {  	p2 =	sne.s32 @!p1 s0, s7  }
0x188: {  	p1 =	por p1, !p2  }
0x189: {  	s0 =	smul.u32 @p1 $0x300, s12;
	_ =	sdelay $0x1  }
0x18a: {  	s2 =	sand.u32 @!p1 $0x3FFFF8, s0;
	s3 =	sand.u32 @!p1 $0x7, s0;
	s0 =	sadd.s32 @!p1 $0x80, s0  }
0x18b: {  	s2 =	sadd.s32 @!p1 s1, s2;
	s0 =	sand.u32 @!p1 $0x7FFFF8, s0  }
0x18c: {  	[tilespmem:s10], [sflag:$0x6] =	stream.linear.gather @!p1 [hbm4b:s2+s3], $0x80, $0x38;
	[tilespmem:$0x1DDC8] =	vst v63  }
0x18d: {  	s0 =	sadd.s32 @!p1 s1, s0  }
0x18e: {  	[tilespmem:s11], [sflag:$0x6] =	stream.linear.gather @!p1 [hbm4b:s0+s3], $0x40, $0x38;
	[tilespmem:$0x1DDC8] =	vst v63  }
0x18f: {  	_ =	swait.ge @!p1 [sflag:s9], $0xC0  }
0x190: {  	[sflag:s9] =	ssyncset.done @!p1 $0x0  }
0x191: {  	[sflag:s9] =	ssyncadd.s32 @!p1 $0xFFFFFF40  }
0x192: {  	v1 =	vld @!p1 [tilespmem:$0xC248];
	_ =	sdelay $0x1  }
0x193: {  	s0 =	smul.u32 @!p1 $0x300, s12;
	_ =	sdelay $0x1  }
0x194: {  	s2 =	sshra.s32 @!p1 s0, $0x2  }
0x195: {  	[tilespmem:s2+$0xC338] =	vst.add.f32.msk @!p1 $0xffff, v1  }
0x196: {  	v1 =	vld @!p1 [tilespmem:$0xC258];
	_ =	sdelay $0x4  }
0x197: {  	[tilespmem:s2+$0xC348] =	vst.add.f32.msk @!p1 $0xffff, v1  }
0x198: {  	v1 =	vld @!p1 [tilespmem:$0xC268];
	_ =	sdelay $0x4  }
0x199: {  	[tilespmem:s2+$0xC358] =	vst.add.f32.msk @!p1 $0xffff, v1  }
0x19a: {  	v1 =	vld @!p1 [tilespmem:$0xC278];
	_ =	sdelay $0x4  }
0x19b: {  	[tilespmem:s2+$0xC368] =	vst.add.f32.msk @!p1 $0xffff, v1  }
0x19c: {  	v1 =	vld @!p1 [tilespmem:$0xC288];
	_ =	sdelay $0x4  }
0x19d: {  	[tilespmem:s2+$0xC378] =	vst.add.f32.msk @!p1 $0xffff, v1  }
0x19e: {  	v1 =	vld @!p1 [tilespmem:$0xC298];
	_ =	sdelay $0x4  }
0x19f: {  	[tilespmem:s2+$0xC388] =	vst.add.f32.msk @!p1 $0xffff, v1  }
0x1a0: {  	v1 =	vld @!p1 [tilespmem:$0xC2A8];
	_ =	sdelay $0x4  }
0x1a1: {  	[tilespmem:s2+$0xC398] =	vst.add.f32.msk @!p1 $0xffff, v1  }
0x1a2: {  	v1 =	vld @!p1 [tilespmem:$0xC2B8];
	_ =	sdelay $0x4  }
0x1a3: {  	[tilespmem:s2+$0xC3A8] =	vst.add.f32.msk @!p1 $0xffff, v1  }
0x1a4: {  	v1 =	vld @!p1 [tilespmem:$0xC2C8];
	_ =	sdelay $0x4  }
0x1a5: {  	[tilespmem:s2+$0xC3B8] =	vst.add.f32.msk @!p1 $0xffff, v1  }
0x1a6: {  	v1 =	vld @!p1 [tilespmem:$0xC2D8];
	_ =	sdelay $0x4  }
0x1a7: {  	[tilespmem:s2+$0xC3C8] =	vst.add.f32.msk @!p1 $0xffff, v1  }
0x1a8: {  	v1 =	vld @!p1 [tilespmem:$0xC2E8];
	_ =	sdelay $0x4  }
0x1a9: {  	[tilespmem:s2+$0xC3D8] =	vst.add.f32.msk @!p1 $0xffff, v1  }
0x1aa: {  	v1 =	vld @!p1 [tilespmem:$0xC2F8];
	_ =	sdelay $0x4  }
0x1ab: {  	[tilespmem:s2+$0xC3E8] =	vst.add.f32.msk @!p1 $0xffff, v1  }
0x1ac: {  	s0 =	sshra.s32 s0, $0x2;
	[tilespmem:s6+$0xC318] =	vst.msk $0x1, v0  }
0x1ad: {  	v0 =	vld [tilespmem:s0+$0xC338];
	_ =	sdelay $0x1  }
0x1ae: {  	s31 =	smul.u32 $0x300, s6;
	_ =	sdelay $0x1  }
0x1af: {  	s2 =	sshra.s32 s31, $0x2  }
0x1b0: {  	[tilespmem:s2+$0xC338] =	vst v0  }
0x1b1: {  	v0 =	vld [tilespmem:s0+$0xC348];
	_ =	sdelay $0x4  }
0x1b2: {  	[tilespmem:s2+$0xC348] =	vst v0  }
0x1b3: {  	v0 =	vld [tilespmem:s0+$0xC358];
	_ =	sdelay $0x4  }
0x1b4: {  	[tilespmem:s2+$0xC358] =	vst v0  }
0x1b5: {  	v0 =	vld [tilespmem:s0+$0xC368];
	_ =	sdelay $0x4  }
0x1b6: {  	[tilespmem:s2+$0xC368] =	vst v0  }
0x1b7: {  	v0 =	vld [tilespmem:s0+$0xC378];
	_ =	sdelay $0x4  }
0x1b8: {  	[tilespmem:s2+$0xC378] =	vst v0  }
0x1b9: {  	v0 =	vld [tilespmem:s0+$0xC388];
	_ =	sdelay $0x4  }
0x1ba: {  	[tilespmem:s2+$0xC388] =	vst v0  }
0x1bb: {  	v0 =	vld [tilespmem:s0+$0xC398];
	_ =	sdelay $0x4  }
0x1bc: {  	[tilespmem:s2+$0xC398] =	vst v0  }
0x1bd: {  	v0 =	vld [tilespmem:s0+$0xC3A8];
	_ =	sdelay $0x4  }
0x1be: {  	[tilespmem:s2+$0xC3A8] =	vst v0  }
0x1bf: {  	v0 =	vld [tilespmem:s0+$0xC3B8];
	_ =	sdelay $0x4  }
0x1c0: {  	[tilespmem:s2+$0xC3B8] =	vst v0  }
0x1c1: {  	v0 =	vld [tilespmem:s0+$0xC3C8];
	_ =	sdelay $0x4  }
0x1c2: {  	[tilespmem:s2+$0xC3C8] =	vst v0  }
0x1c3: {  	v0 =	vld [tilespmem:s0+$0xC3D8];
	_ =	sdelay $0x4  }
0x1c4: {  	[tilespmem:s2+$0xC3D8] =	vst v0  }
0x1c5: {  	v0 =	vld [tilespmem:s0+$0xC3E8];
	_ =	sdelay $0x4  }
0x1c6: {  	s6 =	sadd.s32 $0x1, s6;
	[tilespmem:s2+$0xC3E8] =	vst v0  }
.LBB2_39:
0x1c7: {  	s12 =	sadd.s32 $0x1, s12  }
0x1c8: {  	p1 =	sne.s32 s12, $0x20  }
.Ltmp26:
0x1c9: {  	_ = 	snop;
	(pc) =	sbr.rel @!p1 .LBB2_40-.Ltmp26, $1  }
0x1ca: {  	_ =	sdelay $0x3  }
.LBB2_32:
0x1cb: {  	v0 =	vld.msk [tilespmem:s12+$0xC318], $0x1;
	_ =	sdelay $0x4  }
0x1cc: {  	(v2sf) =	vpush v0, $0x0;
	_ =	sdelay $0xe  }
0x1cd: {  	s0 =	spop (v2sf)  }
0x1ce: {  	p1 =	seq.s32 s0, $0xFFFFFFFF  }
.Ltmp27:
0x1cf: {  	_ = 	snop;
	(pc) =	sbr.rel @p1 .LBB2_39-.Ltmp27, $1  }
0x1d0: {  	_ =	sdelay $0x3  }
0x1d1: {  	p1 =	slt.s32 s6, $0x1  }
.Ltmp28:
0x1d2: {  	_ = 	snop;
	(pc) =	sbr.rel @p1 .LBB2_38-.Ltmp28, $1  }
0x1d3: {  	_ =	sdelay $0x3  }
0x1d4: {  	s4 =	simm.s32 $0xC318;
	p1 =	por $0x0, $0x0  }
0x1d5: {  	v1 =	vld.msk @!p1 [tilespmem:s4+$0x0], $0x1;
	_ =	sdelay $0x4  }
0x1d6: {  	(v2sf) =	vpush @!p1 v1, $0x0;
	_ =	sdelay $0xd  }
0x1d7: {  	p3 =	sne.s32 s6, $0x1  }
.Ltmp29:
0x1d8: {  	s2 =	spop @!p1 (v2sf);
	(pc) =	sbr.rel @!p3 .LBB2_36-.Ltmp29, $4  }
0x1d9: {  	p2 =	seq.s32 @!p1 s0, s2  }
0x1da: {  	s5 =	simm.s32 $0x0;
	p2 =	por !p2, p1  }
0x1db: {  	s2 =	simm.s32 $0xFFFFFFFF;
	s5 =	simm.s32 @p2 $0xFFFFFFFF  }
0x1dc: {  	s13 =	simm.s32 $0x1;
	s5 =	smov.u32 @p1 s2  }
.LBB2_35:
0x1dd: {  	s2 =	smov.u32 s5;
	p1 =	sne.s32 s5, $0xFFFFFFFF  }
0x1de: {  	s4 =	sadd.s32 $0x1, s4;
	s5 =	smov.u32 s13;
	s13 =	sadd.s32 $0x1, s13  }
0x1df: {  	p2 =	sne.s32 s6, s13;
	v1 =	vld.msk @!p1 [tilespmem:s4+$0x0], $0x1;
	_ =	sdelay $0x4  }
0x1e0: {  	(v2sf) =	vpush @!p1 v1, $0x0;
	_ =	sdelay $0xe  }
.Ltmp30:
0x1e1: {  	s3 =	spop @!p1 (v2sf);
	(pc) =	sbr.rel @p2 .LBB2_35-.Ltmp30, $4  }
0x1e2: {  	p3 =	seq.s32 @!p1 s0, s3  }
0x1e3: {  	p3 =	por !p3, p1  }
0x1e4: {  	s5 =	simm.s32 @p3 $0xFFFFFFFF  }
0x1e5: {  	s5 =	smov.u32 @p1 s2  }
.LBB2_36:
0x1e6: {  	p1 =	seq.s32 s5, $0xFFFFFFFF  }
.Ltmp31:
0x1e7: {  	_ = 	snop;
	(pc) =	sbr.rel @p1 .LBB2_38-.Ltmp31, $1  }
0x1e8: {  	_ =	sdelay $0x3  }
0x1e9: {  	s0 =	smul.u32 $0x300, s12;
	_ =	sdelay $0x1  }
0x1ea: {  	s0 =	sshra.s32 s0, $0x2  }
0x1eb: {  	v0 =	vld [tilespmem:s0+$0xC338];
	_ =	sdelay $0x1  }
0x1ec: {  	s2 =	smul.u32 $0x300, s5;
	_ =	sdelay $0x1  }
0x1ed: {  	s2 =	sshra.s32 s2, $0x2  }
0x1ee: {  	[tilespmem:s2+$0xC338] =	vst.add.f32.msk $0xffff, v0  }
0x1ef: {  	v0 =	vld [tilespmem:s0+$0xC348];
	_ =	sdelay $0x4  }
0x1f0: {  	[tilespmem:s2+$0xC348] =	vst.add.f32.msk $0xffff, v0  }
0x1f1: {  	v0 =	vld [tilespmem:s0+$0xC358];
	_ =	sdelay $0x4  }
0x1f2: {  	[tilespmem:s2+$0xC358] =	vst.add.f32.msk $0xffff, v0  }
0x1f3: {  	v0 =	vld [tilespmem:s0+$0xC368];
	_ =	sdelay $0x4  }
0x1f4: {  	[tilespmem:s2+$0xC368] =	vst.add.f32.msk $0xffff, v0  }
0x1f5: {  	v0 =	vld [tilespmem:s0+$0xC378];
	_ =	sdelay $0x4  }
0x1f6: {  	[tilespmem:s2+$0xC378] =	vst.add.f32.msk $0xffff, v0  }
0x1f7: {  	v0 =	vld [tilespmem:s0+$0xC388];
	_ =	sdelay $0x4  }
0x1f8: {  	[tilespmem:s2+$0xC388] =	vst.add.f32.msk $0xffff, v0  }
0x1f9: {  	v0 =	vld [tilespmem:s0+$0xC398];
	_ =	sdelay $0x4  }
0x1fa: {  	[tilespmem:s2+$0xC398] =	vst.add.f32.msk $0xffff, v0  }
0x1fb: {  	v0 =	vld [tilespmem:s0+$0xC3A8];
	_ =	sdelay $0x4  }
0x1fc: {  	[tilespmem:s2+$0xC3A8] =	vst.add.f32.msk $0xffff, v0  }
0x1fd: {  	v0 =	vld [tilespmem:s0+$0xC3B8];
	_ =	sdelay $0x4  }
0x1fe: {  	[tilespmem:s2+$0xC3B8] =	vst.add.f32.msk $0xffff, v0  }
0x1ff: {  	v0 =	vld [tilespmem:s0+$0xC3C8];
	_ =	sdelay $0x4  }
0x200: {  	[tilespmem:s2+$0xC3C8] =	vst.add.f32.msk $0xffff, v0  }
0x201: {  	v0 =	vld [tilespmem:s0+$0xC3D8];
	_ =	sdelay $0x4  }
0x202: {  	[tilespmem:s2+$0xC3D8] =	vst.add.f32.msk $0xffff, v0  }
0x203: {  	v0 =	vld [tilespmem:s0+$0xC3E8]  }
.Ltmp32:
0x204: {  	_ = 	snop;
	(pc) =	sbr.rel .LBB2_39-.Ltmp32, $2  }
0x205: {  	_ =	sdelay $0x2  }
0x206: {  	[tilespmem:s2+$0xC3E8] =	vst.add.f32.msk $0xffff, v0  }
.LBB2_40:
0x207: {  	s0 =	simm.s32 $0x6;
	p1 =	seq.s32 s6, $0x0  }
0x208: {  	[sflag:s0] =	ssyncpa.u1 $0x1;
	v0 =	vimm.s32 @p1 $0xFFFFFFFF  }
0x209: {  	s0 =	sadd.s32 $0xFFFFFFFF, s6;
	[tilespmem:$0xDB38] =	vst @p1 v0  }
0x20a: {  	v0 =	vld.msk @!p1 [tilespmem:s0+$0xC318], $0x1;
	_ =	sdelay $0x1  }
0x20b: {  	v1 =	vld.msk @!p1 [tilespmem:$0xC318], $0x1;
	_ =	sdelay $0x2  }
0x20c: {  	p2 =	seq.s32 @!p1 s0, $0x0;
	v0 =	vbroadcast @!p1 v0, $0x0  }
0x20d: {  	vm0 =	vmmov @!p1 $0x1;
	p3 =	por !p2, p1  }
0x20e: {  	p2 =	sne.s32 @!p1 s8, s7;
	v1 =	vnsel @!p1 vm0, $0xFFFFFFFF, v1;
	vm0 =	vcmask @!p1 $0x308;
	v0 =	vpsel !p3, $0xFFFFFFFF, v0  }
0x20f: {  	p3 =	por !p2, p1;
	v0 =	vsel @!p1 vm0, v1, v0  }
0x210: {  	s2 =	simm.s32 @!p1 $0xC338;
	s3 =	simm.s32 @!p1 $0x0;
	s4 =	smul.u32 @!p3 $0x300, s0;
	[tilespmem:$0xDB38] =	vst @!p1 v0  }
0x211: {  	[spmem:s3] =	stream.linear.scatter @!p1 [tilespmem:s2], [sflag:$0x1], $0xC0, $0x38;
	[tilespmem:$0x1DDC8] =	vst v63  }
0x212: {  	s2 =	sshra.s32 @!p3 s4, $0x2  }
0x213: {  	s3 =	simm.s32 @!p3 $0xC0;
	s2 =	sadd.s32 @!p3 $0xC338, s2  }
0x214: {  	[spmem:s3] =	stream.linear.scatter @!p3 [tilespmem:s2], [sflag:$0x1], $0xC0, $0x38;
	[tilespmem:$0x1DDC8] =	vst v63  }
0x215: {  	s2 =	simm.s32 @!p3 $0x1  }
0x216: {  	_ =	swait.ge @!p3 [sflag:s2], $0x180  }
0x217: {  	p1 =	por p2, p1;
	[sflag:s2] =	ssyncset.done @!p3 $0x0  }
0x218: {  	[sflag:s2] =	ssyncadd.s32 @!p3 $0xFFFFFE80;
	s2 =	simm.s32 @!p1 $0x1  }
0x219: {  	_ =	swait.ge @!p1 [sflag:s2], $0xC0  }
0x21a: {  	s29 =	simm.s32 $0xDB38;
	[sflag:s2] =	ssyncset.done @!p1 $0x0  }
0x21b: {  	s30 =	simm.s32 $0x1800;
	s31 =	simm.s32 $0x1;
	[sflag:s2] =	ssyncadd.s32 @!p1 $0xFFFFFF40  }
0x21c: {  	[spmem:s30] =	stream.linear.scatter [tilespmem:s29], [sflag:$0x1], $0x10, $0x38;
	[tilespmem:$0x1DDC8] =	vst v63  }
0x21d: {  	_ =	swait.ge [sflag:s31], $0x10  }
0x21e: {  	[sflag:s31] =	ssyncset.done $0x0  }
0x21f: {  	p1 =	seq.s32 s14, $0x0;
	s9 =	rddreg [dreg:$0x1];
	[sflag:s31] =	ssyncadd.s32 $0xFFFFFFF0  }
0x220: {  	s3 =	sshll.u32 @p1 s9, $0xE;
	s8 =	rddreg [dreg:$0x2]  }
0x221: {  	s2 =	sadd.s32 @p1 $0x15C3C, s3;
	s3 =	sshll.u32 @p1 s8, $0x11  }
0x222: {  	_ =	sfence.stream.spmem;
	s2 =	sor.u32 @p1 s3, s2  }
0x223: {  	[sflag:s2] =	ssyncadd.remote.s32 @p1 $0x1;
	s2 =	simm.s32 @p1 $0x4  }
0x224: {  	s4 =	simm.s32 @!p1 $0x3C;
	s3 =	sand.u32 $0xFFFFFFFE, s9;
	_ =	swait.ge @p1 [sflag:s2], $0x32  }
0x225: {  	s5 =	simm.s32 @!p1 $0x0;
	s3 =	sadd.s32 @!p1 $0x4, s3;
	[sflag:s2] =	ssyncset.done @p1 $0x0  }
0x226: {  	s7 =	simm.s32 @!p1 $0x180;
	[sflag:s2] =	ssyncadd.s32 @p1 $0xFFFFFFCE;
	s2 =	sshll.u32 @!p1 s3, $0x1A  }
0x227: {  	s3 =	sshll.u32 @!p1 s3, $0xD;
	s2 =	sor.u32 @!p1 s2, s8;
	_ =	swait.eq @!p1 [sflag:s4], $0x1  }
0x228: {  	s3 =	sor.u32 @!p1 $0x1C04, s3;
	s4 =	simm.s32 @!p1 $0x1C03;
	s2 =	sor.u32 @!p1 $0x80004000, s2  }
0x229: {  	[spmem:s7], [sflag:s3] =	dma.general @!p1 [spmem:s5], [sflag:s4], length:$0x30, [dreg:$0x0], stride_count:$0x0, ici_dest:s2, dma_misc:DstOpCode:WRITE  }
0x22a: {  	p2 =	slt.s32 s0, $0x2;
	s5 =	simm.s32 @!p1 $0x300;
	s7 =	simm.s32 @!p1 $0x302  }
0x22b: {  	[spmem:s7], [sflag:s3] =	dma.general @!p1 [spmem:s5], [sflag:s4], length:$0x2, [dreg:$0x0], stride_count:$0x0, ici_dest:s2, dma_misc:DstOpCode:WRITE  }
.Ltmp33:
0x22c: {  	s2 =	simm.s32 @!p1 $0x3;
	(pc) =	sbr.rel @p2 .LBB2_44-.Ltmp33, $4  }
0x22d: {  	s3 =	sshll.u32 @!p1 s9, $0xE;
	_ =	swait.ge @!p1 [sflag:s2], $0x32  }
0x22e: {  	s4 =	sshll.u32 @!p1 s8, $0x11;
	s3 =	sadd.s32 @!p1 $0x11C3C, s3;
	[sflag:s2] =	ssyncset.done @!p1 $0x0  }
0x22f: {  	[sflag:s2] =	ssyncadd.s32 @!p1 $0xFFFFFFCE;
	s2 =	sor.u32 @!p1 s4, s3  }
0x230: {  	s0 =	simm.s32 $0x0;
	[sflag:s2] =	ssyncadd.remote.s32 @!p1 $0xFFFFFFFF  }
0x231: {  	s0 =	simm.s32 $0xC319  }
0x232: {  	v0 =	vld.msk [tilespmem:s0+$0x0], $0x1;
	_ =	sdelay $0x4  }
0x233: {  	(v2sf) =	vpush v0, $0x0;
	_ =	sdelay $0xd  }
0x234: {  	s31 =	sadd.s32 $0xFFFFFFFE, s6  }
0x235: {  	s6 =	simm.s32 $0x0;
	s0 =	sadd.s32 $0xFFFFFFFF, s31;
	s2 =	spop (v2sf)  }
0x236: {  	s3 =	simm.s32 $0xC3F8;
	p1 =	sne.s32 s0, $0x0;
	p2 =	sgt.u32 s2, $0x30D378  }
.Ltmp34:
0x237: {  	s4 =	simm.s32 $0xC4B8;
	s5 =	sand.u32 @!p2 $0x3FFFF8, s2;
	(pc) =	sbr.rel @!p1 .LBB2_43-.Ltmp34, $4  }
0x238: {  	s7 =	sadd.s32 @!p2 $0x80, s2;
	s2 =	sand.u32 @!p2 $0x7, s2;
	s6 =	simm.s32 @!p2 $0x300  }
0x239: {  	s5 =	sadd.s32 @!p2 s1, s5;
	s7 =	sand.u32 @!p2 $0x7FFFF8, s7;
	s6 =	sadd.s32 $0x0, s6  }
0x23a: {  	[hbm4b:s5+s2] =	stream.linear.scatter @!p2 [tilespmem:s3], [sflag:$0x5], $0x80, $0x38;
	[tilespmem:$0x1DDC8] =	vst v63  }
0x23b: {  	s5 =	simm.s32 $0xC31A;
	s3 =	simm.s32 @!p2 $0xC478;
	s7 =	sadd.s32 @!p2 s1, s7  }
.LBB2_42:
0x23c: {  	[hbm4b:s7+s2] =	stream.linear.scatter @!p2 [tilespmem:s3], [sflag:$0x5], $0x40, $0x38;
	[tilespmem:$0x1DDC8] =	vst v63  }
0x23d: {  	s0 =	sadd.s32 $0xFFFFFFFF, s0;
	s3 =	smov.u32 s4;
	v0 =	vld.msk [tilespmem:s5+$0x0], $0x1  }
0x23e: {  	p1 =	sne.s32 s0, $0x0;
	_ =	sdelay $0x3  }
0x23f: {  	(v2sf) =	vpush v0, $0x0;
	_ =	sdelay $0xe  }
0x240: {  	s4 =	sadd.s32 $0xC0, s4;
	s8 =	simm.s32 $0x0;
	s2 =	spop (v2sf)  }
.Ltmp35:
0x241: {  	s5 =	sadd.s32 $0x1, s5;
	p2 =	sgt.u32 s2, $0x30D378;
	(pc) =	sbr.rel @p1 .LBB2_42-.Ltmp35, $4  }
0x242: {  	s8 =	simm.s32 @!p2 $0x300;
	s7 =	sand.u32 @!p2 $0x3FFFF8, s2;
	s9 =	sadd.s32 @!p2 $0x80, s2  }
0x243: {  	s2 =	sand.u32 @!p2 $0x7, s2;
	s7 =	sadd.s32 @!p2 s1, s7;
	s9 =	sand.u32 @!p2 $0x7FFFF8, s9  }
0x244: {  	[hbm4b:s7+s2] =	stream.linear.scatter @!p2 [tilespmem:s3], [sflag:$0x5], $0x80, $0x38;
	[tilespmem:$0x1DDC8] =	vst v63  }
0x245: {  	s6 =	sadd.s32 s6, s8;
	s3 =	sadd.s32 @!p2 $0x80, s3;
	s7 =	sadd.s32 @!p2 s1, s9  }
.LBB2_43:
0x246: {  	[hbm4b:s7+s2] =	stream.linear.scatter @!p2 [tilespmem:s3], [sflag:$0x5], $0x40, $0x38;
	[tilespmem:$0x1DDC8] =	vst v63  }
0x247: {  	s0 =	sshrl.u32 s6, $0x2  }
.LBB2_44:
0x248: {  	s2 =	simm.s32 $0x5  }
0x249: {  	_ =	swait.ge [sflag:s2], s0  }
0x24a: {  	s31 =	ssub.s32 $0x0, s0;
	[sflag:s2] =	ssyncset.done $0x0  }
0x24b: {  	[sflag:s2] =	ssyncadd.s32 s31  }
0x24c: {  	[sflag:s2] =	ssyncpa.u1 $0x1  }
.LBB2_45:
0x24d: {  	s0 =	sor.u32 s14, s15  }
0x24e: {  	p1 =	sne.s32 s0, $0x0  }
.Ltmp36:
0x24f: {  	_ = 	snop;
	(pc) =	sbr.rel @p1 .LBB2_60-.Ltmp36, $3  }
0x250: {  	_ =	sdelay $0x1  }
0x251: {  	[bflag:$0x0] =	sbarrier.arrive $0xFFFF  }
0x252: {  	_ =	sfence  }
0x253: {  	s0 =	simm.s32 $0x7  }
0x254: {  	s2 =	simm.s32 $0x1800;
	s3 =	simm.s32 $0xC318;
	[sflag:s0] =	ssyncpa.u1 $0x0  }
0x255: {  	[tilespmem:s3], [sflag:$0x7] =	stream.linear.gather [spmem:s2], $0x20, $0x38;
	[tilespmem:$0x1DDC8] =	vst v63  }
0x256: {  	s30 =	simm.s32 $0xC338;
	s2 =	simm.s32 $0x0  }
0x257: {  	[tilespmem:s30], [sflag:$0x7] =	stream.linear.gather [spmem:s2], $0x1800, $0x38;
	[tilespmem:$0x1DDC8] =	vst v63  }
.Ltmp37:
0x258: {  	_ = 	snop;
	(pc) =	sbr.rel .LBB2_47-.Ltmp37, $4  }
0x259: {  	_ =	swait.ge [sflag:s0], $0x1820  }
0x25a: {  	[sflag:s0] =	ssyncset.done $0x0  }
0x25b: {  	s31 =	simm.s32 $0x8;
	[sflag:s0] =	ssyncadd.s32 $0xFFFFE7E0  }
0x25c: {  	s3 =	simm.s32 $0x0;
	[sflag:s31] =	ssyncpa.u1 $0x0  }
.LBB2_53:
0x25d: {  	p1 =	slt.u32 s0, $0x30D379  }
0x25e: {  	s4 =	sand.u32 @p1 $0x3FFFF8, s0;
	s5 =	sand.u32 @p1 $0x7, s0;
	s0 =	sadd.s32 @p1 $0x80, s0  }
0x25f: {  	s6 =	simm.s32 @p1 $0xC248;
	s4 =	sadd.s32 @p1 s1, s4;
	s0 =	sand.u32 @p1 $0x7FFFF8, s0  }
0x260: {  	[tilespmem:s6], [sflag:$0x8] =	stream.linear.gather @p1 [hbm4b:s4+s5], $0x80, $0x38;
	[tilespmem:$0x1DDC8] =	vst v63  }
0x261: {  	s0 =	sadd.s32 @p1 s1, s0;
	s4 =	simm.s32 @p1 $0xC2C8  }
0x262: {  	[tilespmem:s4], [sflag:$0x8] =	stream.linear.gather @p1 [hbm4b:s0+s5], $0x40, $0x38;
	[tilespmem:$0x1DDC8] =	vst v63  }
0x263: {  	s0 =	simm.s32 @p1 $0x8  }
0x264: {  	_ =	swait.ge @p1 [sflag:s0], $0xC0  }
0x265: {  	[sflag:s0] =	ssyncset.done @p1 $0x0  }
0x266: {  	[sflag:s0] =	ssyncadd.s32 @p1 $0xFFFFFF40  }
0x267: {  	v1 =	vld @p1 [tilespmem:$0xC248];
	_ =	sdelay $0x1  }
0x268: {  	s0 =	smul.u32 @p1 $0x300, s3;
	_ =	sdelay $0x1  }
0x269: {  	s4 =	sshra.s32 @p1 s0, $0x2  }
0x26a: {  	[tilespmem:s4+$0xC338] =	vst.add.f32.msk @p1 $0xffff, v1  }
0x26b: {  	v1 =	vld @p1 [tilespmem:$0xC258];
	_ =	sdelay $0x4  }
0x26c: {  	[tilespmem:s4+$0xC348] =	vst.add.f32.msk @p1 $0xffff, v1  }
0x26d: {  	v1 =	vld @p1 [tilespmem:$0xC268];
	_ =	sdelay $0x4  }
0x26e: {  	[tilespmem:s4+$0xC358] =	vst.add.f32.msk @p1 $0xffff, v1  }
0x26f: {  	v1 =	vld @p1 [tilespmem:$0xC278];
	_ =	sdelay $0x4  }
0x270: {  	[tilespmem:s4+$0xC368] =	vst.add.f32.msk @p1 $0xffff, v1  }
0x271: {  	v1 =	vld @p1 [tilespmem:$0xC288];
	_ =	sdelay $0x4  }
0x272: {  	[tilespmem:s4+$0xC378] =	vst.add.f32.msk @p1 $0xffff, v1  }
0x273: {  	v1 =	vld @p1 [tilespmem:$0xC298];
	_ =	sdelay $0x4  }
0x274: {  	[tilespmem:s4+$0xC388] =	vst.add.f32.msk @p1 $0xffff, v1  }
0x275: {  	v1 =	vld @p1 [tilespmem:$0xC2A8];
	_ =	sdelay $0x4  }
0x276: {  	[tilespmem:s4+$0xC398] =	vst.add.f32.msk @p1 $0xffff, v1  }
0x277: {  	v1 =	vld @p1 [tilespmem:$0xC2B8];
	_ =	sdelay $0x4  }
0x278: {  	[tilespmem:s4+$0xC3A8] =	vst.add.f32.msk @p1 $0xffff, v1  }
0x279: {  	v1 =	vld @p1 [tilespmem:$0xC2C8];
	_ =	sdelay $0x4  }
0x27a: {  	[tilespmem:s4+$0xC3B8] =	vst.add.f32.msk @p1 $0xffff, v1  }
0x27b: {  	v1 =	vld @p1 [tilespmem:$0xC2D8];
	_ =	sdelay $0x4  }
0x27c: {  	[tilespmem:s4+$0xC3C8] =	vst.add.f32.msk @p1 $0xffff, v1  }
0x27d: {  	v1 =	vld @p1 [tilespmem:$0xC2E8];
	_ =	sdelay $0x4  }
0x27e: {  	[tilespmem:s4+$0xC3D8] =	vst.add.f32.msk @p1 $0xffff, v1  }
0x27f: {  	v1 =	vld @p1 [tilespmem:$0xC2F8];
	_ =	sdelay $0x2  }
0x280: {  	s5 =	smul.u32 @!p1 $0x300, s3;
	_ =	sdelay $0x1  }
0x281: {  	s5 =	smov.u32 @p1 s0;
	[tilespmem:s4+$0xC3E8] =	vst.add.f32.msk @p1 $0xffff, v1  }
0x282: {  	s0 =	sshra.s32 s5, $0x2;
	[tilespmem:s2+$0xC318] =	vst.msk $0x1, v0  }
0x283: {  	v0 =	vld [tilespmem:s0+$0xC338];
	_ =	sdelay $0x1  }
0x284: {  	s31 =	smul.u32 $0x300, s2;
	_ =	sdelay $0x1  }
0x285: {  	s4 =	sshra.s32 s31, $0x2  }
0x286: {  	[tilespmem:s4+$0xC338] =	vst v0  }
0x287: {  	v0 =	vld [tilespmem:s0+$0xC348];
	_ =	sdelay $0x4  }
0x288: {  	[tilespmem:s4+$0xC348] =	vst v0  }
0x289: {  	v0 =	vld [tilespmem:s0+$0xC358];
	_ =	sdelay $0x4  }
0x28a: {  	[tilespmem:s4+$0xC358] =	vst v0  }
0x28b: {  	v0 =	vld [tilespmem:s0+$0xC368];
	_ =	sdelay $0x4  }
0x28c: {  	[tilespmem:s4+$0xC368] =	vst v0  }
0x28d: {  	v0 =	vld [tilespmem:s0+$0xC378];
	_ =	sdelay $0x4  }
0x28e: {  	[tilespmem:s4+$0xC378] =	vst v0  }
0x28f: {  	v0 =	vld [tilespmem:s0+$0xC388];
	_ =	sdelay $0x4  }
0x290: {  	[tilespmem:s4+$0xC388] =	vst v0  }
0x291: {  	v0 =	vld [tilespmem:s0+$0xC398];
	_ =	sdelay $0x4  }
0x292: {  	[tilespmem:s4+$0xC398] =	vst v0  }
0x293: {  	v0 =	vld [tilespmem:s0+$0xC3A8];
	_ =	sdelay $0x4  }
0x294: {  	[tilespmem:s4+$0xC3A8] =	vst v0  }
0x295: {  	v0 =	vld [tilespmem:s0+$0xC3B8];
	_ =	sdelay $0x4  }
0x296: {  	[tilespmem:s4+$0xC3B8] =	vst v0  }
0x297: {  	v0 =	vld [tilespmem:s0+$0xC3C8];
	_ =	sdelay $0x4  }
0x298: {  	[tilespmem:s4+$0xC3C8] =	vst v0  }
0x299: {  	v0 =	vld [tilespmem:s0+$0xC3D8];
	_ =	sdelay $0x4  }
0x29a: {  	[tilespmem:s4+$0xC3D8] =	vst v0  }
0x29b: {  	v0 =	vld [tilespmem:s0+$0xC3E8];
	_ =	sdelay $0x4  }
0x29c: {  	s2 =	sadd.s32 $0x1, s2;
	[tilespmem:s4+$0xC3E8] =	vst v0  }
.LBB2_54:
0x29d: {  	s3 =	sadd.s32 $0x1, s3  }
0x29e: {  	p1 =	sne.s32 s3, $0x20  }
.Ltmp38:
0x29f: {  	_ = 	snop;
	(pc) =	sbr.rel @!p1 .LBB2_55-.Ltmp38, $1  }
0x2a0: {  	_ =	sdelay $0x3  }
.LBB2_47:
0x2a1: {  	v0 =	vld.msk [tilespmem:s3+$0xC318], $0x1;
	_ =	sdelay $0x4  }
0x2a2: {  	(v2sf) =	vpush v0, $0x0;
	_ =	sdelay $0xe  }
0x2a3: {  	s0 =	spop (v2sf)  }
0x2a4: {  	p1 =	seq.s32 s0, $0xFFFFFFFF  }
.Ltmp39:
0x2a5: {  	_ = 	snop;
	(pc) =	sbr.rel @p1 .LBB2_54-.Ltmp39, $1  }
0x2a6: {  	_ =	sdelay $0x3  }
0x2a7: {  	p1 =	slt.s32 s2, $0x1  }
.Ltmp40:
0x2a8: {  	_ = 	snop;
	(pc) =	sbr.rel @p1 .LBB2_53-.Ltmp40, $1  }
0x2a9: {  	_ =	sdelay $0x3  }
0x2aa: {  	s4 =	simm.s32 $0xC318;
	p1 =	por $0x0, $0x0  }
0x2ab: {  	v1 =	vld.msk @!p1 [tilespmem:s4+$0x0], $0x1;
	_ =	sdelay $0x4  }
0x2ac: {  	(v2sf) =	vpush @!p1 v1, $0x0;
	_ =	sdelay $0xd  }
0x2ad: {  	p3 =	sne.s32 s2, $0x1  }
.Ltmp41:
0x2ae: {  	s5 =	spop @!p1 (v2sf);
	(pc) =	sbr.rel @!p3 .LBB2_51-.Ltmp41, $4  }
0x2af: {  	p2 =	seq.s32 @!p1 s0, s5  }
0x2b0: {  	s5 =	simm.s32 $0x0;
	p2 =	por !p2, p1  }
0x2b1: {  	s7 =	simm.s32 $0xFFFFFFFF;
	s5 =	simm.s32 @p2 $0xFFFFFFFF  }
0x2b2: {  	s6 =	simm.s32 $0x1;
	s5 =	smov.u32 @p1 s7  }
.LBB2_50:
0x2b3: {  	s7 =	smov.u32 s5;
	p1 =	sne.s32 s5, $0xFFFFFFFF  }
0x2b4: {  	s4 =	sadd.s32 $0x1, s4;
	s5 =	smov.u32 s6;
	s6 =	sadd.s32 $0x1, s6  }
0x2b5: {  	p2 =	sne.s32 s2, s6;
	v1 =	vld.msk @!p1 [tilespmem:s4+$0x0], $0x1;
	_ =	sdelay $0x4  }
0x2b6: {  	(v2sf) =	vpush @!p1 v1, $0x0;
	_ =	sdelay $0xe  }
.Ltmp42:
0x2b7: {  	s8 =	spop @!p1 (v2sf);
	(pc) =	sbr.rel @p2 .LBB2_50-.Ltmp42, $4  }
0x2b8: {  	p3 =	seq.s32 @!p1 s0, s8  }
0x2b9: {  	p3 =	por !p3, p1  }
0x2ba: {  	s5 =	simm.s32 @p3 $0xFFFFFFFF  }
0x2bb: {  	s5 =	smov.u32 @p1 s7  }
.LBB2_51:
0x2bc: {  	p1 =	seq.s32 s5, $0xFFFFFFFF  }
.Ltmp43:
0x2bd: {  	_ = 	snop;
	(pc) =	sbr.rel @p1 .LBB2_53-.Ltmp43, $1  }
0x2be: {  	_ =	sdelay $0x3  }
0x2bf: {  	s0 =	smul.u32 $0x300, s3;
	_ =	sdelay $0x1  }
0x2c0: {  	s0 =	sshra.s32 s0, $0x2  }
0x2c1: {  	v0 =	vld [tilespmem:s0+$0xC338];
	_ =	sdelay $0x1  }
0x2c2: {  	s4 =	smul.u32 $0x300, s5;
	_ =	sdelay $0x1  }
0x2c3: {  	s4 =	sshra.s32 s4, $0x2  }
0x2c4: {  	[tilespmem:s4+$0xC338] =	vst.add.f32.msk $0xffff, v0  }
0x2c5: {  	v0 =	vld [tilespmem:s0+$0xC348];
	_ =	sdelay $0x4  }
0x2c6: {  	[tilespmem:s4+$0xC348] =	vst.add.f32.msk $0xffff, v0  }
0x2c7: {  	v0 =	vld [tilespmem:s0+$0xC358];
	_ =	sdelay $0x4  }
0x2c8: {  	[tilespmem:s4+$0xC358] =	vst.add.f32.msk $0xffff, v0  }
0x2c9: {  	v0 =	vld [tilespmem:s0+$0xC368];
	_ =	sdelay $0x4  }
0x2ca: {  	[tilespmem:s4+$0xC368] =	vst.add.f32.msk $0xffff, v0  }
0x2cb: {  	v0 =	vld [tilespmem:s0+$0xC378];
	_ =	sdelay $0x4  }
0x2cc: {  	[tilespmem:s4+$0xC378] =	vst.add.f32.msk $0xffff, v0  }
0x2cd: {  	v0 =	vld [tilespmem:s0+$0xC388];
	_ =	sdelay $0x4  }
0x2ce: {  	[tilespmem:s4+$0xC388] =	vst.add.f32.msk $0xffff, v0  }
0x2cf: {  	v0 =	vld [tilespmem:s0+$0xC398];
	_ =	sdelay $0x4  }
0x2d0: {  	[tilespmem:s4+$0xC398] =	vst.add.f32.msk $0xffff, v0  }
0x2d1: {  	v0 =	vld [tilespmem:s0+$0xC3A8];
	_ =	sdelay $0x4  }
0x2d2: {  	[tilespmem:s4+$0xC3A8] =	vst.add.f32.msk $0xffff, v0  }
0x2d3: {  	v0 =	vld [tilespmem:s0+$0xC3B8];
	_ =	sdelay $0x4  }
0x2d4: {  	[tilespmem:s4+$0xC3B8] =	vst.add.f32.msk $0xffff, v0  }
0x2d5: {  	v0 =	vld [tilespmem:s0+$0xC3C8];
	_ =	sdelay $0x4  }
0x2d6: {  	[tilespmem:s4+$0xC3C8] =	vst.add.f32.msk $0xffff, v0  }
0x2d7: {  	v0 =	vld [tilespmem:s0+$0xC3D8];
	_ =	sdelay $0x4  }
0x2d8: {  	[tilespmem:s4+$0xC3D8] =	vst.add.f32.msk $0xffff, v0  }
0x2d9: {  	v0 =	vld [tilespmem:s0+$0xC3E8]  }
.Ltmp44:
0x2da: {  	_ = 	snop;
	(pc) =	sbr.rel .LBB2_54-.Ltmp44, $2  }
0x2db: {  	_ =	sdelay $0x2  }
0x2dc: {  	[tilespmem:s4+$0xC3E8] =	vst.add.f32.msk $0xffff, v0  }
.LBB2_55:
0x2dd: {  	p1 =	slt.s32 s2, $0x1  }
.Ltmp45:
0x2de: {  	_ = 	snop;
	(pc) =	sbr.rel @p1 .LBB2_59-.Ltmp45, $3  }
0x2df: {  	_ =	sdelay $0x1  }
0x2e0: {  	s0 =	simm.s32 $0x8  }
0x2e1: {  	s4 =	simm.s32 $0x0;
	[sflag:s0] =	ssyncpa.u1 $0x1  }
0x2e2: {  	s0 =	simm.s32 $0xC318  }
0x2e3: {  	v0 =	vld.msk [tilespmem:s0+$0x0], $0x1;
	_ =	sdelay $0x4  }
0x2e4: {  	(v2sf) =	vpush v0, $0x0;
	_ =	sdelay $0xe  }
0x2e5: {  	s0 =	sadd.s32 $0xFFFFFFFF, s2;
	s3 =	spop (v2sf)  }
0x2e6: {  	s6 =	simm.s32 $0xC338;
	p1 =	sne.s32 s0, $0x0;
	p2 =	sgt.u32 s3, $0x30D378  }
.Ltmp46:
0x2e7: {  	s2 =	simm.s32 $0xC3F8;
	s5 =	sand.u32 @!p2 $0x3FFFF8, s3;
	(pc) =	sbr.rel @!p1 .LBB2_58-.Ltmp46, $4  }
0x2e8: {  	s7 =	sadd.s32 @!p2 $0x80, s3;
	s4 =	simm.s32 @!p2 $0x300;
	s8 =	sadd.s32 @!p2 s1, s5  }
0x2e9: {  	s5 =	sand.u32 @!p2 $0x7, s3;
	s3 =	simm.s32 $0xC319;
	s7 =	sand.u32 @!p2 $0x7FFFF8, s7  }
0x2ea: {  	[hbm4b:s8+s5] =	stream.linear.scatter @!p2 [tilespmem:s6], [sflag:$0x7], $0x80, $0x38;
	[tilespmem:$0x1DDC8] =	vst v63  }
0x2eb: {  	s4 =	sadd.s32 $0x0, s4;
	s6 =	simm.s32 @!p2 $0xC3B8;
	s7 =	sadd.s32 @!p2 s1, s7  }
.LBB2_57:
0x2ec: {  	[hbm4b:s7+s5] =	stream.linear.scatter @!p2 [tilespmem:s6], [sflag:$0x7], $0x40, $0x38;
	[tilespmem:$0x1DDC8] =	vst v63  }
0x2ed: {  	s0 =	sadd.s32 $0xFFFFFFFF, s0;
	s6 =	smov.u32 s2;
	v0 =	vld.msk [tilespmem:s3+$0x0], $0x1  }
0x2ee: {  	p1 =	sne.s32 s0, $0x0;
	_ =	sdelay $0x3  }
0x2ef: {  	(v2sf) =	vpush v0, $0x0;
	_ =	sdelay $0xe  }
0x2f0: {  	s2 =	sadd.s32 $0xC0, s2;
	s8 =	simm.s32 $0x0;
	s5 =	spop (v2sf)  }
.Ltmp47:
0x2f1: {  	s3 =	sadd.s32 $0x1, s3;
	p2 =	sgt.u32 s5, $0x30D378;
	(pc) =	sbr.rel @p1 .LBB2_57-.Ltmp47, $4  }
0x2f2: {  	s8 =	simm.s32 @!p2 $0x300;
	s7 =	sand.u32 @!p2 $0x3FFFF8, s5;
	s9 =	sadd.s32 @!p2 $0x80, s5  }
0x2f3: {  	s5 =	sand.u32 @!p2 $0x7, s5;
	s7 =	sadd.s32 @!p2 s1, s7;
	s9 =	sand.u32 @!p2 $0x7FFFF8, s9  }
0x2f4: {  	[hbm4b:s7+s5] =	stream.linear.scatter @!p2 [tilespmem:s6], [sflag:$0x7], $0x80, $0x38;
	[tilespmem:$0x1DDC8] =	vst v63  }
0x2f5: {  	s4 =	sadd.s32 s4, s8;
	s6 =	sadd.s32 @!p2 $0x80, s6;
	s7 =	sadd.s32 @!p2 s1, s9  }
.LBB2_58:
0x2f6: {  	[hbm4b:s7+s5] =	stream.linear.scatter @!p2 [tilespmem:s6], [sflag:$0x7], $0x40, $0x38;
	[tilespmem:$0x1DDC8] =	vst v63  }
0x2f7: {  	s4 =	sshrl.u32 s4, $0x2  }
.LBB2_59:
0x2f8: {  	s0 =	simm.s32 $0x7  }
0x2f9: {  	_ =	swait.ge [sflag:s0], s4  }
0x2fa: {  	s1 =	ssub.s32 $0x0, s4;
	[sflag:s0] =	ssyncset.done $0x0  }
0x2fb: {  	[sflag:s0] =	ssyncadd.s32 s1  }
0x2fc: {  	[sflag:s0] =	ssyncpa.u1 $0x1  }
.LBB2_60:
0x2fd: {  	_ =	sfence;
	s0 =	simm.s32 $0x1  }
0x2fe: {  	[sflag:s0] =	ssyncpa.u1 $0x1  }
0x2ff: {  	_ =	strace $0x90000053  }
0x300: {  	[bflag:$0x2] =	sbarrier.arrive $0xFFFF  }
0x301: {  	s0 =	rddreg [dreg:$0x3]  }
0x302: {  	s0 =	sadd.s32 @!p0 $0x100000, s0  }
0x303: {  	[sflag:s0] =	ssyncadd.tile.s32 @!p0 $0x1;
	_ =	shalt  }
.Lfunc_end2:
_tile_overlayer_lowered:
.L_overlay_start_2:
0x304: {  	(tag) =	ssettag $0x2  }
0x305: {  	s0 =	rddreg [dreg:$0x0];
	s2 =	stileid.u32  }
0x306: {  	s1 =	rddreg [dreg:$0x1];
	p0 =	sne.s32 s2, $0x0  }
0x307: {  	s3 =	rddreg [dreg:$0x2];
	[bflag:$0x3] =	sbarrier.arrive $0xFFFF;
	s2 =	simm.s32 @!p0 $0x1C01  }
0x308: {  	[timem:s3], [sflag:s2] =	dma.local @!p0 [hbm:s0], s1  }
0x309: {  	s0 =	simm.s32 @!p0 $0x1  }
0x30a: {  	_ =	swait.ge @!p0 [sflag:s0], s1  }
0x30b: {  	s1 =	ssub.s32 @!p0 $0x0, s1;
	[sflag:s0] =	ssyncset.done @!p0 $0x0  }
0x30c: {  	[sflag:s0] =	ssyncadd.s32 @!p0 s1  }
0x30d: {  	[bflag:$0x3] =	sbarrier.arrive $0xFFFF  }
0x30e: {  	_ =	shalt  }

// kernel: sparse-core-data-format-call.1.cloned.1.call-start
scs
called_computation.3_lowered:
.L_overlay_start_0:
0x0: {  	s2 =	sld [smem:$0x3FD9]  }
0x1: {  	s3 =	sld [smem:$0x3FFE];
	_ =	sdelay $0x1  }
0x2: {  	s1 =	srdreg.scid  }
0x3: {  	s0 =	sand.u32 $0x1, s1  }
0x4: {  	s18 =	sshll.u32 s0, $0xA;
	s2 =	sadd.s32 s3, s2  }
0x5: {  	s2 =	sadd.s32 s2, s18  }
0x6: {  	[smem:$0x3FC2] =	sst s2  }
0x7: {  	_ = 	snop  }
0x8: {  	s19 =	sld [smem:$0x3FD0];
	(tm) =	ssettm $0x1  }
0x9: {  	s20 =	sld [smem:$0x3FFB];
	_ =	sdelay $0x3  }
0xa: {  	_ =	strace s20  }
0xb: {  	s2 =	sld [smem:$0x3FFC];
	_ =	sdelay $0x3  }
0xc: {  	_ =	strace s2  }
0xd: {  	s2 =	sld [smem:$0x3FFD];
	_ =	sdelay $0x3  }
0xe: {  	_ =	strace s2  }
0xf: {  	_ =	strace $0x8FFFFFFF  }
0x10: {  	s21 =	sld [smem:$0x3FDB];
	_ =	sdelay $0x1  }
0x11: {  	s4 =	simm.s32 $_scs_section_size  }
0x12: {  	s5 =	simm.s32 $_size__tile_overlayer_lowered;
	s6 =	simm.s32 $_tile_overlayer_lowered  }
0x13: {  	s7 =	simm.s32 $0x1BFF;
	s22 =	sshll.u32 s6, $0x1;
	s4 =	sadd.s32 s4, s21  }
0x14: {  	s23 =	simm.s32 $0x0;
	s5 =	sshll.u32 s5, $0x1;
	s6 =	sadd.s32 s22, s4  }
0x15: {  	[timem:s23], [sflag:s7] =	dma.local [hbm:s6], s5  }
0x16: {  	_ =	swait.ge [sflag:s7], s5  }
0x17: {  	s5 =	ssub.s32 $0x0, s5;
	[sflag:s7] =	ssyncset.done $0x0  }
0x18: {  	[sflag:s7] =	ssyncadd.s32 s5;
	_ =	sdelay $0x1  }
0x19: {  	s24 =	simm.s32 $0x1B8B  }
0x1a: {  	_ =	swait.ge [sflag:s24], $0x1  }
0x1b: {  	[sflag:s24] =	ssyncset.done $0x0  }
0x1c: {  	[sflag:s24] =	ssyncadd.s32 $0xFFFFFFFF  }
0x1d: {  	s5 =	sld [smem:$0x0]  }
0x1e: {  	s6 =	sand.u32 $0xFFFFFFFE, s1  }
0x1f: {  	p0 =	sne.s32 s1, s6  }
0x20: {  	s6 =	sshll.u32 @p0 s6, $0xE  }
0x21: {  	s6 =	sadd.s32 @p0 $0x11B8D, s6;
	s7 =	sshll.u32 @p0 s5, $0x11  }
0x22: {  	s6 =	sor.u32 @p0 s7, s6  }
0x23: {  	[sflag:s6] =	ssyncadd.remote.s32 @p0 $0x1;
	_ =	sdelay $0x1  }
0x24: {  	s6 =	simm.s32 @p0 $0x1B8D  }
0x25: {  	_ =	swait.eq @p0 [sflag:s6], $0x1  }
0x26: {  	[sflag:s6] =	ssyncadd.s32 @p0 $0xFFFFFFFF  }
0x27: {  	s7 =	sshll.u32 @!p0 s1, $0xE  }
0x28: {  	s7 =	sor.u32 @!p0 $0x4000, s7;
	s6 =	simm.s32 @!p0 $0x1B8D  }
0x29: {  	s5 =	sshll.u32 @!p0 s5, $0x11;
	s7 =	sadd.s32 @!p0 $0x11B8D, s7;
	_ =	swait.eq @!p0 [sflag:s6], $0x1  }
0x2a: {  	s5 =	sor.u32 @!p0 s5, s7;
	[sflag:s6] =	ssyncadd.s32 @!p0 $0xFFFFFFFF  }
0x2b: {  	s26 =	simm.s32 $0x1B8E;
	s25 =	sld [smem:$0x3FFE];
	[sflag:s5] =	ssyncadd.remote.s32 @!p0 $0x1  }
0x2c: {  	s27 =	simm.s32 $execute0_lowered;
	[smem:$0x3FD2] =	sst s26  }
0x2d: {  	s6 =	sshll.u32 s27, $0x1;
	_ =	strace $0x80000049;
	[dreg:$0x1] =	wrdreg $0xFFFFFFFF  }
0x2e: {  	s28 =	simm.s32 $_size_execute0_lowered;
	s4 =	sadd.s32 s4, s6;
	[dreg:$0x0] =	wrdreg $0x0  }
0x2f: {  	s6 =	sshll.u32 s28, $0x1;
	[dreg:$0x2] =	wrdreg s4  }
0x30: {  	[dreg:$0x3] =	wrdreg s6  }
0x31: {  	[dreg:$0x4] =	wrdreg $0xC0  }
0x32: {  	_ =	task [dreg:s23], $0x5FFFF  }
0x33: {  	[dreg:$0x1] =	wrdreg $0xFFFFFFFF  }
0x34: {  	[dreg:$0x0] =	wrdreg $0x60  }
0x35: {  	[dreg:$0x2] =	wrdreg s25  }
0x36: {  	[dreg:$0x3] =	wrdreg s19  }
0x37: {  	[dreg:$0x4] =	wrdreg $0x9  }
0x38: {  	_ =	task.clear_ibuf [dreg:s23], $0x5FFFF;
	_ =	strace $0x90000049  }
0x39: {  	s29 =	simm.s32 $0x9;
	_ =	strace $0x8000004B  }
0x3a: {  	_ =	swait.ge [sflag:s29], $0x1  }
0x3b: {  	[sflag:s29] =	ssyncadd.s32 $0xFFFFFFFF  }
0x3c: {  	_ =	strace $0x9000004B  }
0x3d: {  	_ =	sfence  }
0x3e: {  	s30 =	sld [smem:$0x0];
	_ =	sdelay $0x2  }
0x3f: {  	s31 =	sshll.u32 s1, $0xD;
	s1 =	sshrl.u32 s1, $0x2  }
0x40: {  	s4 =	sand.u32 $0x4000, s31;
	s1 =	sadd.s32 s1, s30  }
0x41: {  	s0 =	sor.u32 s4, s0;
	s1 =	sshll.u32 s1, $0x11  }
0x42: {  	s0 =	sor.u32 s1, s0  }
0x43: {  	s0 =	sadd.s32 $0x8F2B, s0  }
0x44: {  	[sflag:s0] =	ssyncadd.remote.s32 $0x1  }
0x45: {  	_ =	sfence.sel $0xFFFF  }
0x46: {  	[dreg:$0x0] =	wrdreg $0xFFFFFFFF;
	(pc) =	sbr.abs _section_cstart, $3  }
0x47: {  	[dreg:$0x1] =	wrdreg $0xFFFFFFFF  }
0x48: {  	_ =	task.clear_ibuf [dreg:s23], $0x2FFFF;
	_ =	strace $0x9FFFFFFF  }
0x49: {  	(tm) =	ssettm $0x7FFFFFFF  }
tec
execute0_lowered:
.L_overlay_start_1:
0x0: {  	(tag) =	ssettag $0x1  }
0x1: {  	s0 =	rddreg [dreg:$0x0];
	s3 =	stileid.u32  }
0x2: {  	s1 =	srdreg.scid;
	_ =	strace $0x8000004A;
	s30 =	simm.s32 $0x1  }
0x3: {  	s31 =	simm.s32 $0x2;
	s15 =	simm.s32 $0x0;
	s10 =	simm.s32 $0x0  }
0x4: {  	s2 =	sshll.u32 s3, $0x6;
	s1 =	sshll.u32 s1, $0xA;
	s0 =	sadd.s32 $0x188600, s0  }
0x5: {  	s29 =	sshll.u32 s3, $0x7;
	s1 =	sor.u32 s2, s1;
	[dreg:$0x3] =	wrdreg s0  }
.Ltmp0:
0x6: {  	s13 =	sand.u32 $0x80, s29;
	s11 =	sand.u32 $0x780, s1;
	(pc) =	sbr.rel .LBB1_1-.Ltmp0, $4  }
0x7: {  	s9 =	simm.s32 $0x0;
	[dreg:$0x6] =	wrdreg s13;
	s1 =	ssub.s32 $0xC300, s11  }
0x8: {  	s12 =	simm.s32 $0x0;
	[dreg:$0x4] =	wrdreg s11;
	s1 =	sshrl.u32 s1, $0xB  }
0x9: {  	[sflag:s30] =	ssyncpa.u1 $0x0;
	[dreg:$0x5] =	wrdreg s1;
	s8 =	sadd.s32 $0x2, s1  }
0xa: {  	s14 =	simm.s32 $0x0;
	[sflag:s31] =	ssyncpa.u1 $0x0;
	[dreg:$0x7] =	wrdreg s8  }
.LBB1_12:
0xb: {  	s9 =	rddreg [dreg:$0x8]  }
0xc: {  	s5 =	rddreg [dreg:$0xc]  }
0xd: {  	s1 =	sshll.u32 s12, $0x3;
	s24 =	rddreg [dreg:$0xb]  }
0xe: {  	s4 =	smov.u32 s12;
	s27 =	sand.u32 $0x78, s12;
	s29 =	rddreg [dreg:$0x1]  }
0xf: {  	s28 =	sand.u32 $0x7, s12;
	s31 =	simm.s32 $0x800;
	s8 =	rddreg [dreg:$0x7]  }
0x10: {  	s10 =	rddreg [dreg:$0x9];
	s0 =	sshll.u32 s9, $0x8;
	s1 =	sand.u32 $0xFFFFFC00, s1  }
0x11: {  	s2 =	sshll.u32 s9, $0x7;
	p0 =	sgt.s32 s9, $0xC2D0;
	s0 =	sand.u32 $0xFFFFF800, s0  }
0x12: {  	s23 =	sand.u32 $0x300, s2;
	s0 =	sadd.s32 s1, s0;
	s1 =	smov.u32 s9  }
0x13: {  	s2 =	sand.u32 $0x80, s2;
	s0 =	sor.u32 s23, s0;
	s1 =	simm.s32 @!p0 $0xC2D0  }
0x14: {  	p0 =	sgt.s32 s12, $0x80;
	s0 =	sshrl.u32 s0, $0x8;
	s1 =	sadd.s32 s5, s1  }
0x15: {  	s4 =	simm.s32 @!p0 $0x80;
	s3 =	smulhi.u32 $0x14F8B59, s0;
	s25 =	sadd.s32 $0xFFFF3D30, s1  }
0x16: {  	s4 =	sadd.s32 s24, s4;
	s1 =	ssub.s32 $0xC350, s1;
	p0 =	sgt.s32 s25, $0x7F  }
0x17: {  	s26 =	sadd.s32 $0xFFFFFF80, s4;
	s4 =	ssub.s32 $0x100, s4;
	s3 =	sshrl.u32 s3, $0x8  }
0x18: {  	s1 =	simm.s32 @p0 $0x0;
	p0 =	sgt.s32 s26, $0x7F;
	s3 =	smul.u32 $0xC350, s3  }
0x19: {  	s15 =	rddreg [dreg:$0xa];
	s2 =	sor.u32 s27, s2;
	s4 =	simm.s32 @p0 $0x0  }
0x1a: {  	s2 =	sshrl.u32 s2, $0x3;
	s1 =	smul.u32 s4, s1;
	s0 =	ssub.s32 s0, s3  }
0x1b: {  	s2 =	sadd.s32 s29, s2;
	s3 =	sshll.u32 s28, $0x12;
	s0 =	sshll.u32 s0, $0x5  }
0x1c: {  	s1 =	sand.u32 $0x3FFFFFFF, s1;
	s30 =	sor.u32 $0x400, s3;
	s0 =	sadd.s32 s0, s2  }
0x1d: {  	[hbm4b:s0+s30] =	stream.strided.scatter [tilespmem:s18], [sflag:$0x2], s1, s31, s30, $0x20;
	[tilespmem:$0x10100] =	vst v63  }
.LBB1_13:
0x1e: {  	p0 =	slt.u32 s14, $0x2  }
0x1f: {  	s1 =	smov.u32 s15;
	s2 =	smov.u32 s10;
	p1 =	sgt.s32 @!p0 s15, $0xC2D0  }
0x20: {  	s0 =	sshra.s32 @!p0 s15, $0x1F;
	p2 =	sgt.s32 @!p0 s10, $0x80;
	s3 =	sshra.s32 @!p0 s10, $0x1F  }
0x21: {  	p1 =	por !p1, p0;
	s0 =	sand.u32 @!p0 s0, s15;
	p2 =	por !p2, p0  }
0x22: {  	s3 =	sand.u32 @!p0 s3, s10;
	s1 =	simm.s32 @p1 $0xC2D0;
	s2 =	simm.s32 @p2 $0x80  }
0x23: {  	s0 =	ssub.s32 @!p0 s1, s0;
	s1 =	ssub.s32 @!p0 s2, s3  }
0x24: {  	s2 =	sadd.s32 @!p0 $0xFFFF3D30, s0;
	s3 =	sadd.s32 @!p0 $0xFFFFFF80, s1  }
0x25: {  	s0 =	ssub.s32 @!p0 $0xC350, s0;
	p1 =	sgt.s32 @!p0 s2, $0x7F;
	p2 =	sgt.s32 @!p0 s3, $0x7F  }
0x26: {  	s1 =	ssub.s32 @!p0 $0x100, s1;
	p1 =	por !p1, p0;
	p2 =	por !p2, p0  }
0x27: {  	s0 =	simm.s32 @!p1 $0x0;
	s1 =	simm.s32 @!p2 $0x0  }
0x28: {  	s0 =	smul.u32 @!p0 s1, s0  }
0x29: {  	s4 =	smov.u32 s13  }
0x2a: {  	s2 =	simm.s32 @!p0 $0x2;
	s1 =	sadd.s32 $0x800, s11;
	s0 =	sand.u32 @!p0 $0x3FFFFFFF, s0  }
0x2b: {  	s3 =	sadd.s32 $0x100, s13;
	p1 =	sgt.s32 s1, $0xC34F;
	_ =	swait.ge @!p0 [sflag:s2], s0  }
0x2c: {  	s4 =	smov.u32 @p1 s3;
	s3 =	rddreg [dreg:$0x4]  }
0x2d: {  	s1 =	smov.u32 @p1 s3;
	p1 =	sgt.s32 s4, $0xBF;
	s3 =	rddreg [dreg:$0x6]  }
0x2e: {  	s4 =	smov.u32 @p1 s3;
	p1 =	sne.s32 s14, s8  }
.Ltmp1:
0x2f: {  	_ = 	snop;
	(pc) =	sbr.rel @!p1 .LBB1_14-.Ltmp1, $4  }
0x30: {  	s15 =	smov.u32 s9  }
0x31: {  	s10 =	smov.u32 s12;
	s0 =	ssub.s32 @!p0 $0x0, s0;
	[sflag:s2] =	ssyncset.done @!p0 $0x0  }
0x32: {  	s9 =	smov.u32 s11;
	s12 =	smov.u32 s13;
	[sflag:s2] =	ssyncadd.s32 @!p0 s0  }
0x33: {  	s14 =	sadd.s32 $0x1, s14;
	s11 =	smov.u32 s1;
	s13 =	smov.u32 s4  }
.LBB1_1:
0x34: {  	s0 =	rddreg [dreg:$0x5]  }
0x35: {  	s3 =	smov.u32 s13;
	s5 =	smov.u32 s11;
	p0 =	sgt.u32 s14, s0  }
0x36: {  	s0 =	sshrl.u32 @!p0 s13, $0x3;
	s1 =	sshll.u32 @!p0 s11, $0x3;
	s2 =	sshll.u32 @!p0 s13, $0x7  }
0x37: {  	p1 =	sgt.s32 @!p0 s13, $0x40;
	s4 =	sshra.s32 @!p0 s13, $0x1F;
	s6 =	sshra.s32 @!p0 s11, $0x1F  }
0x38: {  	s0 =	smul.u32 @!p0 $0x61C00, s0;
	s1 =	sand.u32 @!p0 $0xFFFFFC00, s1;
	p1 =	por !p1, p0  }
0x39: {  	s4 =	sand.u32 @!p0 s4, s13;
	s6 =	sand.u32 @!p0 s6, s11;
	s3 =	simm.s32 @p1 $0x40  }
0x3a: {  	p1 =	sgt.s32 @!p0 s11, $0xC300;
	s0 =	sadd.s32 @!p0 s0, s1;
	s1 =	sand.u32 @!p0 $0x380, s2  }
0x3b: {  	s2 =	sand.u32 @!p0 $0x7F, s11;
	p1 =	por !p1, p0;
	s0 =	sor.u32 @!p0 s1, s0  }
0x3c: {  	s3 =	ssub.s32 @!p0 s3, s4;
	s5 =	simm.s32 @p1 $0xC300;
	s1 =	sor.u32 @!p0 s2, s0  }
0x3d: {  	s0 =	smulhi.u32 @!p0 $0xA79C7B17, s0;
	s4 =	ssub.s32 @!p0 s5, s6;
	s6 =	sadd.s32 @!p0 $0xFFFFFFC0, s3  }
0x3e: {  	s3 =	ssub.s32 @!p0 $0xC0, s3;
	s2 =	smulhi.u32 @!p0 $0xA79C7B17, s1;
	s7 =	sadd.s32 @!p0 $0xFFFF3D00, s4  }
0x3f: {  	p1 =	sgt.s32 @!p0 s6, $0x7F;
	s4 =	ssub.s32 @!p0 $0xC380, s4;
	s0 =	sshrl.u32 @!p0 s0, $0xF  }
0x40: {  	p2 =	sgt.s32 @!p0 s7, $0x7F;
	s2 =	sshrl.u32 @!p0 s2, $0xF;
	s5 =	smulhi.u32 @!p0 $0x1555556, s0  }
0x41: {  	p1 =	por !p1, p0;
	p2 =	por !p2, p0;
	s2 =	smul.u32 @!p0 $0xC380, s2  }
0x42: {  	s3 =	simm.s32 @!p1 $0x0;
	s4 =	simm.s32 @!p2 $0x0  }
0x43: {  	s5 =	smul.u32 @!p0 $0xC0, s5;
	s1 =	ssub.s32 @!p0 s1, s2;
	s2 =	sxor.u32 @!p0 $0xFFFFFFFF, s14  }
0x44: {  	s3 =	smul.u32 @!p0 s3, s4;
	s2 =	sshll.u32 @!p0 s2, $0xE  }
0x45: {  	s0 =	ssub.s32 @!p0 s0, s5;
	s4 =	sshrl.u32 @!p0 s1, $0x3;
	s1 =	sand.u32 @!p0 $0x7, s1  }
0x46: {  	s3 =	sand.u32 @!p0 $0x3FFFFFFF, s3;
	s5 =	rddreg [dreg:$0x3];
	s0 =	smul.u32 @!p0 $0x1870, s0  }
0x47: {  	s2 =	sand.u32 @!p0 $0x4000, s2;
	s4 =	sadd.s32 @!p0 s5, s4;
	s1 =	sshll.u32 @!p0 s1, $0x12  }
0x48: {  	s1 =	sor.u32 @!p0 $0x400, s1;
	s0 =	sadd.s32 @!p0 s0, s4;
	s4 =	simm.s32 @!p0 $0x61C00  }
0x49: {  	[tilespmem:s2], [sflag:$0x1] =	stream.strided.gather @!p0 [hbm4b:s0+s1], s3, s4, s1, $0x38;
	[tilespmem:$0x10100] =	vst v63  }
0x4a: {  	p0 =	seq.s32 s14, $0x0  }
0x4b: {  	p1 =	sge.u32 @!p0 s14, s8  }
0x4c: {  	p0 =	por p0, p1  }
.Ltmp2:
0x4d: {  	_ = 	snop;
	(pc) =	sbr.rel @p0 .LBB1_13-.Ltmp2, $1  }
0x4e: {  	_ =	sdelay $0x3  }
0x4f: {  	s0 =	ssub.s32 $0x0, s12;
	s1 =	sshra.s32 s12, $0x1F;
	p0 =	sgt.s32 s12, $0x40  }
0x50: {  	s2 =	smov.u32 s12;
	s25 =	ssub.s32 $0x0, s9;
	s26 =	sshra.s32 s9, $0x1F  }
0x51: {  	s3 =	smov.u32 s9;
	s2 =	simm.s32 @!p0 $0x40;
	p0 =	sgt.s32 s9, $0xC300  }
0x52: {  	s4 =	sand.u32 s0, s1;
	s1 =	sand.u32 s25, s26;
	s3 =	simm.s32 @!p0 $0xC300  }
0x53: {  	s2 =	sadd.s32 s4, s2;
	[dreg:$0xc] =	wrdreg s1;
	s1 =	sadd.s32 s1, s3  }
0x54: {  	s27 =	sadd.s32 $0xFFFFFFC0, s2;
	s2 =	ssub.s32 $0xC0, s2;
	s28 =	sadd.s32 $0xFFFF3D00, s1  }
0x55: {  	p0 =	sgt.s32 s27, $0x7F;
	s0 =	ssub.s32 $0xC380, s1;
	p1 =	sgt.s32 s28, $0x7F  }
0x56: {  	s2 =	simm.s32 @p0 $0x0;
	s0 =	simm.s32 @p1 $0x0  }
0x57: {  	s29 =	smul.u32 s2, s0;
	s2 =	sadd.s32 $0x80, s12  }
0x58: {  	p0 =	slt.s32 s2, $0xC0  }
0x59: {  	s2 =	simm.s32 @!p0 $0xC0  }
0x5a: {  	[dreg:$0xa] =	wrdreg s15;
	s20 =	ssub.s32 s2, s12  }
0x5b: {  	[dreg:$0x9] =	wrdreg s10;
	p0 =	slt.s32 s20, $0x1  }
.Ltmp3:
0x5c: {  	[dreg:$0x8] =	wrdreg s9;
	s30 =	simm.s32 $0x1;
	(pc) =	sbr.rel @p0 .LBB1_12-.Ltmp3, $4  }
0x5d: {  	[dreg:$0xb] =	wrdreg s4;
	s0 =	sand.u32 $0x1, s14;
	s1 =	sand.u32 $0x3FFFFFFF, s29  }
0x5e: {  	s31 =	smul.u32 $0x4080, s0;
	_ =	swait.ge [sflag:s30], s1  }
0x5f: {  	s1 =	ssub.s32 $0x0, s1;
	[sflag:s30] =	ssyncset.done $0x0  }
0x60: {  	s18 =	sor.u32 $0x8000, s31;
	[sflag:s30] =	ssyncadd.s32 s1  }
0x61: {  	s2 =	rddreg [dreg:$0x8]  }
0x62: {  	s1 =	sadd.s32 $0x80, s2  }
0x63: {  	p0 =	slt.s32 s1, $0xC350  }
.Ltmp4:
0x64: {  	s1 =	simm.s32 @!p0 $0xC350;
	(pc) =	sbr.rel .LBB1_4-.Ltmp4, $4  }
0x65: {  	s23 =	sshll.u32 s0, $0xE;
	s1 =	ssub.s32 s1, s2  }
0x66: {  	s25 =	simm.s32 $0x0;
	s26 =	simm.s32 $0x400;
	s1 =	sadd.s32 $0xF, s1  }
0x67: {  	s21 =	sand.u32 $0xFFFFFFF0, s1;
	s22 =	sand.u32 $0xFFFFFF00, s1;
	s31 =	sshll.u32 s1, $0x3  }
0x68: {  	p0 =	slt.s32 s1, $0x100;
	s24 =	sand.u32 $0xFFFFF800, s31;
	p1 =	sge.s32 s22, s21  }
.LBB1_11:
0x69: {  	s25 =	sadd.s32 $0x1, s25  }
0x6a: {  	p2 =	sne.s32 s25, s20  }
.Ltmp5:
0x6b: {  	_ = 	snop;
	(pc) =	sbr.rel @!p2 .LBB1_12-.Ltmp5, $2  }
0x6c: {  	_ =	sdelay $0x2  }
0x6d: {  	s26 =	sadd.s32 $0x80, s26  }
.LBB1_4:
.Ltmp6:
0x6e: {  	(pc) =	sbr.rel @p0 .LBB1_8-.Ltmp6, $2  }
0x6f: {  	_ =	sdelay $0x2  }
0x70: {  	s27 =	sshll.u32 s25, $0x7;
	s28 =	sand.u32 $0x7F, s25  }
0x71: {  	s2 =	sshll.u32 s25, $0x3;
	s5 =	sand.u32 $0x380, s27  }
0x72: {  	s4 =	sshrl.u32 s2, $0x7;
	s1 =	sadd.s32 $0x800, s2;
	s6 =	sadd.s32 $0x1000, s2  }
0x73: {  	s19 =	sadd.s32 s5, s23;
	s17 =	sadd.s32 $0x1800, s2;
	s8 =	sadd.s32 $0x2800, s2  }
0x74: {  	s10 =	sadd.s32 $0x3000, s2;
	s2 =	sadd.s32 $0x3800, s2;
	s0 =	sand.u32 $0x78, s4  }
0x75: {  	s1 =	sshrl.u32 s1, $0x7;
	s16 =	sshrl.u32 s6, $0x7;
	s6 =	sshrl.u32 s17, $0x7  }
0x76: {  	s9 =	sshrl.u32 s8, $0x7;
	s15 =	sshrl.u32 s2, $0x7;
	s17 =	sadd.s32 $0x10, s4  }
0x77: {  	s8 =	sadd.s32 $0x30, s4;
	v0 =	vmov s19;
	s19 =	sand.u32 $0x3C00, s26;
	s3 =	smul.u32 $0x204, s0  }
0x78: {  	s1 =	sand.u32 $0x78, s1;
	s5 =	sand.u32 $0x78, s16;
	s6 =	sand.u32 $0x78, s6  }
0x79: {  	s16 =	sand.u32 $0x78, s15;
	s15 =	sadd.s32 $0x60, s4;
	s1 =	smul.u32 $0x204, s1  }
0x7a: {  	s5 =	smul.u32 $0x204, s5;
	s15 =	sand.u32 $0x78, s15;
	s3 =	sshrl.u32 s3, $0x2  }
0x7b: {  	s15 =	smul.u32 $0x204, s15;
	s3 =	sadd.s32 s3, s18;
	s1 =	sshrl.u32 s1, $0x2  }
0x7c: {  	s7 =	sshrl.u32 s5, $0x2;
	s5 =	sshrl.u32 s10, $0x7;
	s1 =	sadd.s32 s1, s18  }
0x7d: {  	s29 =	sadd.s32 s28, s3;
	s3 =	sadd.s32 s7, s18;
	s5 =	sand.u32 $0x78, s5  }
0x7e: {  	s7 =	sadd.s32 $0x20, s4;
	s30 =	sadd.s32 s28, s1;
	s1 =	smul.u32 $0x204, s6  }
0x7f: {  	s31 =	sadd.s32 s28, s3;
	s3 =	sand.u32 $0x78, s9;
	s5 =	smul.u32 $0x204, s5  }
0x80: {  	s15 =	sshrl.u32 s15, $0x2;
	s6 =	sand.u32 $0x78, s17;
	s3 =	smul.u32 $0x204, s3  }
0x81: {  	s7 =	sand.u32 $0x78, s7;
	s6 =	smul.u32 $0x204, s6;
	s5 =	sshrl.u32 s5, $0x2  }
0x82: {  	s15 =	sadd.s32 s15, s18;
	s3 =	sshrl.u32 s3, $0x2;
	s5 =	sadd.s32 s5, s18  }
0x83: {  	s6 =	sshrl.u32 s6, $0x2;
	s3 =	sadd.s32 s3, s18;
	s9 =	sadd.s32 s28, s5  }
0x84: {  	s5 =	smul.u32 $0x204, s7;
	s7 =	sand.u32 $0x78, s8;
	s8 =	sadd.s32 $0x50, s4  }
0x85: {  	s4 =	sadd.s32 $0x70, s4;
	s7 =	smul.u32 $0x204, s7;
	s8 =	sand.u32 $0x78, s8  }
0x86: {  	v1 =	vld.idx.msk [tilespmem:v0+s19+$0x0 ss:$0x1], $0xffff;
	s6 =	sadd.s32 s6, s18;
	s4 =	sand.u32 $0x78, s4;
	s8 =	smul.u32 $0x204, s8  }
0x87: {  	s2 =	sadd.s32 s28, s3;
	s4 =	smul.u32 $0x204, s4;
	s7 =	sshrl.u32 s7, $0x2  }
0x88: {  	s3 =	smul.u32 $0x204, s16;
	s16 =	sadd.s32 s7, s18;
	s7 =	sadd.s32 s28, s6  }
0x89: {  	s8 =	sshrl.u32 s8, $0x2;
	s4 =	sshrl.u32 s4, $0x2;
	s6 =	sadd.s32 s28, s16  }
0x8a: {  	s8 =	sadd.s32 s8, s18;
	s10 =	sadd.s32 s4, s18;
	s16 =	sadd.s32 $0xFFFFFC00, s26  }
0x8b: {  	[tilespmem:s29+$0x0 ss:$0x81] =	vst.msk $0xffff, v1;
	v1 =	vld.idx.msk [tilespmem:v0+s19+$0x20 ss:$0x1], $0xffff;
	s4 =	sadd.s32 s28, s8;
	s8 =	sadd.s32 s28, s15;
	s15 =	sand.u32 $0x3C00, s16  }
0x8c: {  	v2 =	vld.idx.msk [tilespmem:v0+s15+$0x70 ss:$0x1], $0xffff  }
0x8d: {  	v3 =	vld.idx.msk [tilespmem:v0+s15+$0x0 ss:$0x1], $0xffff  }
0x8e: {  	s3 =	sshrl.u32 s3, $0x2;
	v4 =	vld.idx.msk [tilespmem:v0+s15+$0x10 ss:$0x1], $0xffff  }
0x8f: {  	s3 =	sadd.s32 s3, s18;
	v5 =	vld.idx.msk [tilespmem:v0+s15+$0x20 ss:$0x1], $0xffff  }
0x90: {  	s0 =	sxor.u32 $0x40, s0;
	s3 =	sadd.s32 s28, s3;
	v6 =	vld.idx.msk [tilespmem:v0+s15+$0x30 ss:$0x1], $0xffff  }
0x91: {  	s0 =	smul.u32 $0x204, s0;
	v7 =	vld.idx.msk [tilespmem:v0+s15+$0x40 ss:$0x1], $0xffff;
	[tilespmem:s3+$0x0 ss:$0x81] =	vst.msk $0xffff, v2  }
0x92: {  	s1 =	sshrl.u32 s1, $0x2;
	v8 =	vld.idx.msk [tilespmem:v0+s15+$0x50 ss:$0x1], $0xffff;
	[tilespmem:s29+$0x0 ss:$0x81] =	vst.msk $0xffff, v3  }
0x93: {  	p2 =	sgt.s32 s22, $0x100;
	s0 =	sshrl.u32 s0, $0x2;
	s1 =	sadd.s32 s1, s18;
	v9 =	vld.idx.msk [tilespmem:v0+s15+$0x60 ss:$0x1], $0xffff;
	[tilespmem:s30+$0x0 ss:$0x81] =	vst.msk $0xffff, v4  }
.Ltmp7:
0x94: {  	s0 =	sadd.s32 s0, s18;
	s1 =	sadd.s32 s28, s1;
	v4 =	vld.idx.msk [tilespmem:v0+s19+$0x10 ss:$0x1], $0xffff;
	[tilespmem:s31+$0x0 ss:$0x81] =	vst.msk $0xffff, v5;
	(pc) =	sbr.rel @!p2 .LBB1_7-.Ltmp7, $4  }
0x95: {  	s0 =	sadd.s32 s28, s0;
	s5 =	sshrl.u32 s5, $0x2;
	[tilespmem:s1+$0x0 ss:$0x81] =	vst.msk $0xffff, v6;
	v2 =	vld.idx.msk [tilespmem:v0+s19+$0x30 ss:$0x1], $0xffff  }
0x96: {  	s5 =	sadd.s32 s5, s18;
	[tilespmem:s0+$0x0 ss:$0x81] =	vst.msk $0xffff, v7;
	v3 =	vld.idx.msk [tilespmem:v0+s19+$0x40 ss:$0x1], $0xffff  }
0x97: {  	s5 =	sadd.s32 s28, s5;
	[tilespmem:s2+$0x0 ss:$0x81] =	vst.msk $0xffff, v8;
	v5 =	vld.idx.msk [tilespmem:v0+s19+$0x50 ss:$0x1], $0xffff  }
0x98: {  	s17 =	sadd.s32 s28, s10;
	s16 =	sadd.s32 $0x800, s26;
	s15 =	simm.s32 $0x100;
	[tilespmem:s9+$0x0 ss:$0x81] =	vst.msk $0xffff, v9;
	v6 =	vld.idx.msk [tilespmem:v0+s19+$0x60 ss:$0x1], $0xffff  }
.LBB1_6:
0x99: {  	s10 =	sadd.s32 $0xFFFFFC00, s16;
	s15 =	sadd.s32 $0x100, s15;
	[tilespmem:s7+$0x0 ss:$0x81] =	vst.msk $0xffff, v4;
	v4 =	vld.idx.msk [tilespmem:v0+s19+$0x70 ss:$0x1], $0xffff;
	s19 =	sand.u32 $0x3C00, s16  }
0x9a: {  	s10 =	sand.u32 $0x3C00, s10;
	v7 =	vld.idx.msk [tilespmem:v0+s19+$0x0 ss:$0x1], $0xffff;
	p2 =	slt.s32 s15, s22;
	[tilespmem:s5+$0x0 ss:$0x81] =	vst.msk $0xffff, v1  }
0x9b: {  	v1 =	vld.idx.msk [tilespmem:v0+s10+$0x70 ss:$0x1], $0xffff;
	[tilespmem:s6+$0x0 ss:$0x81] =	vst.msk $0xffff, v2  }
0x9c: {  	v2 =	vld.idx.msk [tilespmem:v0+s10+$0x0 ss:$0x1], $0xffff;
	[tilespmem:s0+$0x0 ss:$0x81] =	vst.msk $0xffff, v3  }
0x9d: {  	v3 =	vld.idx.msk [tilespmem:v0+s10+$0x10 ss:$0x1], $0xffff;
	[tilespmem:s4+$0x0 ss:$0x81] =	vst.msk $0xffff, v5  }
0x9e: {  	v5 =	vld.idx.msk [tilespmem:v0+s10+$0x20 ss:$0x1], $0xffff;
	[tilespmem:s8+$0x0 ss:$0x81] =	vst.msk $0xffff, v6  }
0x9f: {  	v6 =	vld.idx.msk [tilespmem:v0+s10+$0x30 ss:$0x1], $0xffff;
	[tilespmem:s17+$0x0 ss:$0x81] =	vst.msk $0xffff, v4  }
0xa0: {  	v8 =	vld.idx.msk [tilespmem:v0+s10+$0x40 ss:$0x1], $0xffff;
	[tilespmem:s29+$0x0 ss:$0x81] =	vst.msk $0xffff, v7  }
0xa1: {  	v7 =	vld.idx.msk [tilespmem:v0+s10+$0x50 ss:$0x1], $0xffff;
	[tilespmem:s3+$0x0 ss:$0x81] =	vst.msk $0xffff, v1  }
0xa2: {  	[tilespmem:s29+$0x0 ss:$0x81] =	vst.msk $0xffff, v2;
	v9 =	vld.idx.msk [tilespmem:v0+s10+$0x60 ss:$0x1], $0xffff  }
0xa3: {  	[tilespmem:s30+$0x0 ss:$0x81] =	vst.msk $0xffff, v3;
	v4 =	vld.idx.msk [tilespmem:v0+s19+$0x10 ss:$0x1], $0xffff  }
.Ltmp8:
0xa4: {  	[tilespmem:s31+$0x0 ss:$0x81] =	vst.msk $0xffff, v5;
	v1 =	vld.idx.msk [tilespmem:v0+s19+$0x20 ss:$0x1], $0xffff;
	(pc) =	sbr.rel @p2 .LBB1_6-.Ltmp8, $4  }
0xa5: {  	[tilespmem:s1+$0x0 ss:$0x81] =	vst.msk $0xffff, v6;
	v2 =	vld.idx.msk [tilespmem:v0+s19+$0x30 ss:$0x1], $0xffff  }
0xa6: {  	[tilespmem:s0+$0x0 ss:$0x81] =	vst.msk $0xffff, v8;
	v3 =	vld.idx.msk [tilespmem:v0+s19+$0x40 ss:$0x1], $0xffff  }
0xa7: {  	[tilespmem:s2+$0x0 ss:$0x81] =	vst.msk $0xffff, v7;
	v5 =	vld.idx.msk [tilespmem:v0+s19+$0x50 ss:$0x1], $0xffff  }
0xa8: {  	s16 =	sadd.s32 $0x800, s16;
	[tilespmem:s9+$0x0 ss:$0x81] =	vst.msk $0xffff, v9;
	v6 =	vld.idx.msk [tilespmem:v0+s19+$0x60 ss:$0x1], $0xffff  }
.LBB1_7:
0xa9: {  	_ =	sdelay $0x2  }
0xaa: {  	[tilespmem:s7+$0x0 ss:$0x81] =	vst.msk $0xffff, v4  }
0xab: {  	v0 =	vld.idx.msk [tilespmem:v0+s19+$0x70 ss:$0x1], $0xffff;
	[tilespmem:s5+$0x0 ss:$0x81] =	vst.msk $0xffff, v1  }
0xac: {  	[tilespmem:s6+$0x0 ss:$0x81] =	vst.msk $0xffff, v2  }
0xad: {  	[tilespmem:s0+$0x0 ss:$0x81] =	vst.msk $0xffff, v3  }
0xae: {  	[tilespmem:s4+$0x0 ss:$0x81] =	vst.msk $0xffff, v5  }
0xaf: {  	[tilespmem:s8+$0x0 ss:$0x81] =	vst.msk $0xffff, v6  }
0xb0: {  	[tilespmem:s17+$0x0 ss:$0x81] =	vst.msk $0xffff, v0  }
.LBB1_8:
.Ltmp9:
0xb1: {  	(pc) =	sbr.rel @p1 .LBB1_11-.Ltmp9, $1  }
0xb2: {  	_ =	sdelay $0x3  }
0xb3: {  	s1 =	sand.u32 $0x380, s27;
	s0 =	sshrl.u32 s25, $0x4;
	s2 =	sadd.s32 s28, s18  }
0xb4: {  	s3 =	smov.u32 s24;
	s4 =	smov.u32 s22;
	s1 =	sadd.s32 s1, s23  }
.LBB1_10:
0xb5: {  	s5 =	sand.u32 $0x3C00, s3  }
0xb6: {  	s5 =	sadd.s32 s27, s5  }
0xb7: {  	s5 =	sand.u32 $0x3C00, s5  }
0xb8: {  	s6 =	sand.u32 $0x70, s4;
	s30 =	sadd.s32 s4, s0;
	s5 =	sadd.s32 s5, s1  }
0xb9: {  	s4 =	sadd.s32 $0x10, s4;
	s31 =	sand.u32 $0x78, s30;
	s5 =	sadd.s32 s6, s5  }
0xba: {  	p2 =	slt.s32 s4, s21;
	v0 =	vld [tilespmem:s5+$0x0];
	s5 =	smul.u32 $0x204, s31  }
.Ltmp10:
0xbb: {  	_ = 	snop;
	(pc) =	sbr.rel @p2 .LBB1_10-.Ltmp10, $4  }
0xbc: {  	_ = 	snop  }
0xbd: {  	s5 =	sshrl.u32 s5, $0x2  }
0xbe: {  	s5 =	sadd.s32 s5, s2  }
0xbf: {  	s3 =	sadd.s32 $0x80, s3;
	[tilespmem:s5+$0x0 ss:$0x81] =	vst.msk $0xffff, v0  }
.Ltmp11:
0xc0: {  	_ = 	snop;
	(pc) =	sbr.rel .LBB1_11-.Ltmp11, $1  }
0xc1: {  	_ =	sdelay $0x3  }
.LBB1_14:
0xc2: {  	_ =	sfence.sel $0x180000  }
0xc3: {  	s0 =	simm.s32 $0x1;
	[bflag:$0x0] =	sbarrier.arrive $0xFFFF  }
0xc4: {  	s30 =	simm.s32 $0x2;
	[sflag:s0] =	ssyncpa.u1 $0x1  }
0xc5: {  	[sflag:s30] =	ssyncpa.u1 $0x1  }
0xc6: {  	_ =	strace $0x9000004A  }
0xc7: {  	s31 =	stileid.u32;
	[bflag:$0x2] =	sbarrier.arrive $0xFFFF  }
0xc8: {  	p0 =	sne.s32 s31, $0x0;
	s0 =	rddreg [dreg:$0x2]  }
0xc9: {  	s0 =	sadd.s32 @!p0 $0x100000, s0  }
0xca: {  	[sflag:s0] =	ssyncadd.tile.s32 @!p0 $0x1;
	_ =	shalt  }
.Lfunc_end1:
_tile_overlayer_lowered:
.L_overlay_start_2:
0xcb: {  	(tag) =	ssettag $0x2  }
0xcc: {  	s0 =	rddreg [dreg:$0x0];
	s2 =	stileid.u32  }
0xcd: {  	s1 =	rddreg [dreg:$0x1];
	p0 =	sne.s32 s2, $0x0  }
0xce: {  	s3 =	rddreg [dreg:$0x2];
	[bflag:$0x3] =	sbarrier.arrive $0xFFFF;
	s2 =	simm.s32 @!p0 $0x1C01  }
0xcf: {  	[timem:s3], [sflag:s2] =	dma.local @!p0 [hbm:s0], s1  }
0xd0: {  	s0 =	simm.s32 @!p0 $0x1  }
0xd1: {  	_ =	swait.ge @!p0 [sflag:s0], s1  }
0xd2: {  	s1 =	ssub.s32 @!p0 $0x0, s1;
	[sflag:s0] =	ssyncset.done @!p0 $0x0  }
0xd3: {  	[sflag:s0] =	ssyncadd.s32 @!p0 s1  }
0xd4: {  	[bflag:$0x3] =	sbarrier.arrive $0xFFFF  }
0xd5: {  	_ =	shalt  }

// kernel: sparse-core-data-format-call.cloned.1.call-start
scs
called_computation.2_lowered:
.L_overlay_start_0:
0x0: {  	s2 =	sld [smem:$0x3FD9]  }
0x1: {  	s3 =	sld [smem:$0x3FFE];
	_ =	sdelay $0x1  }
0x2: {  	s1 =	srdreg.scid  }
0x3: {  	s0 =	sand.u32 $0x1, s1  }
0x4: {  	s18 =	sshll.u32 s0, $0xA;
	s2 =	sadd.s32 s3, s2  }
0x5: {  	s2 =	sadd.s32 s2, s18  }
0x6: {  	[smem:$0x3FC2] =	sst s2  }
0x7: {  	_ = 	snop  }
0x8: {  	s2 =	sld [smem:$0x3FD0];
	(tm) =	ssettm $0x1  }
0x9: {  	s19 =	sld [smem:$0x3FFB];
	_ =	sdelay $0x3  }
0xa: {  	_ =	strace s19  }
0xb: {  	s3 =	sld [smem:$0x3FFC];
	_ =	sdelay $0x3  }
0xc: {  	_ =	strace s3  }
0xd: {  	s3 =	sld [smem:$0x3FFD];
	_ =	sdelay $0x3  }
0xe: {  	_ =	strace s3  }
0xf: {  	_ =	strace $0x8FFFFFFF  }
0x10: {  	s20 =	sld [smem:$0x3FDB];
	_ =	sdelay $0x1  }
0x11: {  	s4 =	simm.s32 $_scs_section_size  }
0x12: {  	s5 =	simm.s32 $_size__tile_overlayer_lowered;
	s6 =	simm.s32 $_tile_overlayer_lowered  }
0x13: {  	s23 =	simm.s32 $0x1BFF;
	s22 =	sshll.u32 s6, $0x1;
	s3 =	sadd.s32 s4, s20  }
0x14: {  	s7 =	simm.s32 $0x0;
	s21 =	sshll.u32 s5, $0x1;
	s5 =	sadd.s32 s22, s3  }
0x15: {  	[timem:s7], [sflag:s23] =	dma.local [hbm:s5], s21  }
0x16: {  	_ =	swait.ge [sflag:s23], s21  }
0x17: {  	s4 =	ssub.s32 $0x0, s21;
	[sflag:s23] =	ssyncset.done $0x0  }
0x18: {  	[sflag:s23] =	ssyncadd.s32 s4;
	_ =	sdelay $0x1  }
0x19: {  	s24 =	simm.s32 $0x1B8B  }
0x1a: {  	_ =	swait.ge [sflag:s24], $0x1  }
0x1b: {  	[sflag:s24] =	ssyncset.done $0x0  }
0x1c: {  	s26 =	simm.s32 $0x1B8E;
	s25 =	sld [smem:$0x3FFE];
	[sflag:s24] =	ssyncadd.s32 $0xFFFFFFFF  }
0x1d: {  	s27 =	simm.s32 $execute0_lowered;
	[smem:$0x3FD2] =	sst s26  }
0x1e: {  	s5 =	sshll.u32 s27, $0x1;
	_ =	strace $0x80000055;
	[dreg:$0x1] =	wrdreg $0xFFFFFFFF  }
0x1f: {  	s28 =	simm.s32 $_size_execute0_lowered;
	s3 =	sadd.s32 s3, s5;
	[dreg:$0x0] =	wrdreg $0x0  }
0x20: {  	s5 =	sshll.u32 s28, $0x1;
	[dreg:$0x2] =	wrdreg s3  }
0x21: {  	[dreg:$0x3] =	wrdreg s5  }
0x22: {  	[dreg:$0x4] =	wrdreg $0xC0  }
0x23: {  	_ =	task [dreg:s7], $0x5FFFF  }
0x24: {  	[dreg:$0x1] =	wrdreg $0xFFFFFFFF  }
0x25: {  	[dreg:$0x0] =	wrdreg $0x60  }
0x26: {  	[dreg:$0x2] =	wrdreg s25  }
0x27: {  	[dreg:$0x3] =	wrdreg s2  }
0x28: {  	[dreg:$0x4] =	wrdreg $0x9  }
0x29: {  	_ =	task.clear_ibuf [dreg:s7], $0x5FFFF;
	_ =	strace $0x90000055  }
0x2a: {  	s29 =	simm.s32 $0x9;
	_ =	strace $0x80000057  }
0x2b: {  	_ =	swait.ge [sflag:s29], $0x1  }
0x2c: {  	[sflag:s29] =	ssyncadd.s32 $0xFFFFFFFF  }
0x2d: {  	_ =	strace $0x90000057  }
0x2e: {  	_ =	sfence  }
0x2f: {  	s30 =	sld [smem:$0x0];
	_ =	sdelay $0x2  }
0x30: {  	s31 =	sshll.u32 s1, $0xD;
	s1 =	sshrl.u32 s1, $0x2  }
0x31: {  	s3 =	sand.u32 $0x4000, s31;
	s1 =	sadd.s32 s1, s30  }
0x32: {  	s0 =	sor.u32 s3, s0;
	s1 =	sshll.u32 s1, $0x11  }
0x33: {  	s0 =	sor.u32 s1, s0  }
0x34: {  	s0 =	sadd.s32 $0x8F2B, s0  }
0x35: {  	[sflag:s0] =	ssyncadd.remote.s32 $0x1  }
0x36: {  	_ =	sfence.sel $0xFFFF  }
0x37: {  	[dreg:$0x0] =	wrdreg $0xFFFFFFFF;
	(pc) =	sbr.abs _section_cstart, $3  }
0x38: {  	[dreg:$0x1] =	wrdreg $0xFFFFFFFF  }
0x39: {  	_ =	task.clear_ibuf [dreg:s7], $0x2FFFF;
	_ =	strace $0x9FFFFFFF  }
0x3a: {  	(tm) =	ssettm $0x7FFFFFFF  }
0x3b: {  	_ =	shalt  }
tec
execute0_lowered:
.L_overlay_start_1:
0x0: {  	(tag) =	ssettag $0x1  }
0x1: {  	s0 =	srdreg.scid;
	s2 =	rddreg [dreg:$0x0]  }
0x2: {  	s4 =	rddreg [dreg:$0x1];
	s31 =	simm.s32 $0x2;
	s1 =	sshll.u32 s0, $0x4  }
0x3: {  	s15 =	simm.s32 $0x0;
	s0 =	stileid.u32;
	s1 =	sand.u32 $0x10, s1  }
0x4: {  	s8 =	simm.s32 $0xC3800;
	s9 =	simm.s32 $0x0;
	s1 =	sor.u32 s0, s1  }
0x5: {  	s14 =	simm.s32 $0x0;
	s16 =	simm.s32 $0x0;
	s3 =	sshll.u32 s1, $0x7  }
.Ltmp0:
0x6: {  	s11 =	simm.s32 $0x0;
	s5 =	ssub.s32 $0x18680, s3;
	(pc) =	sbr.rel .LBB1_1-.Ltmp0, $4  }
0x7: {  	s12 =	simm.s32 $0x0;
	s1 =	rddreg [dreg:$0x2];
	s6 =	sshrl.u32 s5, $0xC  }
0x8: {  	_ =	strace $0x80000056;
	s5 =	simm.s32 $0x1;
	s7 =	smul.u32 $0x3, s6  }
0x9: {  	s13 =	simm.s32 $0x0;
	s10 =	smov.u32 s3;
	[sflag:s5] =	ssyncpa.u1 $0x0  }
0xa: {  	[sflag:s31] =	ssyncpa.u1 $0x0;
	s6 =	sadd.s32 $0x3, s7;
	s7 =	sadd.s32 $0x4, s7  }
.LBB1_5:
0xb: {  	s17 =	sadd.s32 $0x1000, s10  }
0xc: {  	s14 =	simm.s32 $0x1;
	p1 =	sgt.s32 s17, $0x1869F  }
0xd: {  	s14 =	simm.s32 @!p1 $0x0  }
0xe: {  	s18 =	sadd.s32 s14, s11  }
0xf: {  	s20 =	smov.u32 s12;
	s14 =	sadd.s32 $0x40, s12;
	p2 =	sgt.s32 s18, $0x2  }
0x10: {  	s20 =	smov.u32 @p2 s14  }
0x11: {  	s17 =	smov.u32 @p1 s3;
	p1 =	sgt.s32 s20, $0x3F  }
0x12: {  	p0 =	slt.u32 s13, $0x2;
	s20 =	simm.s32 @p1 $0x0;
	p1 =	sne.s32 s13, s7  }
.Ltmp1:
0x13: {  	s19 =	simm.s32 @!p0 $0x2;
	(pc) =	sbr.rel @!p1 .LBB1_6-.Ltmp1, $4  }
0x14: {  	s15 =	smov.u32 s10;
	s16 =	smov.u32 s12;
	_ =	swait.ge @!p0 [sflag:s19], $0x2000  }
0x15: {  	s9 =	sadd.s32 $0x2000, s9;
	[sflag:s19] =	ssyncset.done @!p0 $0x0;
	s10 =	smov.u32 s17  }
0x16: {  	[sflag:s19] =	ssyncadd.s32 @!p0 $0xFFFFE000;
	s18 =	simm.s32 @p2 $0x0;
	s14 =	smov.u32 s11  }
0x17: {  	s11 =	smov.u32 s18;
	s13 =	sadd.s32 $0x1, s13;
	s12 =	smov.u32 s20  }
.LBB1_1:
0x18: {  	p0 =	sge.u32 s13, s6  }
0x19: {  	s17 =	sshrl.u32 @!p0 s11, $0x2  }
0x1a: {  	s18 =	sshll.u32 @!p0 s10, $0x2;
	s17 =	smul.u32 @!p0 $0x61C00, s17  }
0x1b: {  	s19 =	sshll.u32 @!p0 s11, $0x7;
	s18 =	sand.u32 @!p0 $0xFFFFFE00, s18  }
0x1c: {  	s17 =	sadd.s32 @!p0 s17, s18;
	s18 =	sand.u32 @!p0 $0x180, s19  }
0x1d: {  	s19 =	sand.u32 @!p0 $0x7F, s10;
	s17 =	sor.u32 @!p0 s18, s17  }
0x1e: {  	s18 =	sor.u32 @!p0 s19, s17  }
0x1f: {  	s19 =	smulhi.u32 @!p0 $0xA79C7B17, s18  }
0x20: {  	s17 =	smulhi.u32 @!p0 $0xA79C7B17, s17  }
0x21: {  	s19 =	sshrl.u32 @!p0 s19, $0x10  }
0x22: {  	s17 =	sshrl.u32 @!p0 s17, $0x10;
	s19 =	smul.u32 @!p0 $0x18700, s19  }
0x23: {  	s20 =	sxor.u32 @!p0 $0xFFFFFFFF, s13;
	s21 =	smul.u32 @!p0 $0xC380, s12;
	s17 =	sand.u32 @!p0 $0x3, s17  }
0x24: {  	s20 =	sshll.u32 @!p0 s20, $0xD;
	s17 =	smul.u32 @!p0 $0x30E0, s17;
	s18 =	ssub.s32 @!p0 s18, s19  }
0x25: {  	s19 =	sand.u32 @!p0 $0x2000, s20;
	s20 =	sadd.s32 @!p0 s2, s21;
	s21 =	sand.u32 @!p0 $0x7, s18  }
0x26: {  	s18 =	sshrl.u32 @!p0 s18, $0x3;
	s17 =	sadd.s32 @!p0 s17, s20;
	s20 =	sshll.u32 @!p0 s21, $0x12  }
0x27: {  	s17 =	sadd.s32 @!p0 s18, s17;
	s18 =	sor.u32 @!p0 $0x80, s20;
	s20 =	simm.s32 @!p0 $0x61C00  }
0x28: {  	[tilespmem:s19], [sflag:$0x1] =	stream.strided.gather @!p0 [hbm4b:s17+s18], $0x2000, s20, s18, $0x38;
	[tilespmem:$0x8000] =	vst v63  }
0x29: {  	p0 =	seq.s32 s13, $0x0  }
0x2a: {  	p1 =	sge.u32 @!p0 s13, s7  }
0x2b: {  	p0 =	por p0, p1  }
.Ltmp2:
0x2c: {  	_ = 	snop;
	(pc) =	sbr.rel @p0 .LBB1_5-.Ltmp2, $1  }
0x2d: {  	_ =	sdelay $0x3  }
0x2e: {  	s17 =	sand.u32 $0x2000, s9  }
0x2f: {  	s18 =	sor.u32 $0x70, s17  }
0x30: {  	v1 =	vmov s18;
	_ =	sdelay $0x1  }
0x31: {  	_ =	swait.ge [sflag:s5], $0x2000  }
0x32: {  	[sflag:s5] =	ssyncset.done $0x0  }
0x33: {  	s19 =	simm.s32 $0x0;
	[sflag:s5] =	ssyncadd.s32 $0xFFFFE000  }
0x34: {  	s17 =	sor.u32 $0x4040, s17;
	v6 =	vld.idx.msk [tilespmem:v1+s19+$0x0 ss:$0x1], $0xffff  }
0x35: {  	v0 =	vmov s17;
	v8 =	vld.idx.msk [tilespmem:v1+s19+$0xFFFFFF90 ss:$0x1], $0xffff  }
0x36: {  	v7 =	vld.idx.msk [tilespmem:v1+s19+$0xFFFFFFA0 ss:$0x1], $0xffff  }
0x37: {  	v5 =	vld.idx.msk [tilespmem:v1+s19+$0xFFFFFFB0 ss:$0x1], $0xffff  }
0x38: {  	v4 =	vld.idx.msk [tilespmem:v1+s19+$0xFFFFFFC0 ss:$0x1], $0xffff  }
0x39: {  	s31 =	sshll.u32 s13, $0xD;
	v2 =	vld.idx.msk [tilespmem:v1+s19+$0xFFFFFFD0 ss:$0x1], $0xffff  }
0x3a: {  	s17 =	sand.u32 $0x2000, s31;
	v3 =	vld.idx.msk [tilespmem:v1+s19+$0xFFFFFFE0 ss:$0x1], $0xffff;
	[tilespmem:v0+s19+$0x30 ss:$0x1] =	vst.idx.msk $0xffff, v6  }
0x3b: {  	s20 =	simm.s32 $0x400;
	s18 =	simm.s32 $0x80;
	s17 =	sor.u32 $0x4000, s17;
	[tilespmem:v0+s19+$0xFFFFFFC0 ss:$0x1] =	vst.idx.msk $0xffff, v8;
	v6 =	vld.idx.msk [tilespmem:v1+s19+$0xFFFFFFF0 ss:$0x1], $0xffff  }
.LBB1_3:
0x3c: {  	p0 =	sne.s32 s20, $0x7E00;
	v8 =	vld.idx.msk [tilespmem:v1+s18+$0x0 ss:$0x1], $0xffff;
	[tilespmem:v0+s19+$0xFFFFFFD0 ss:$0x1] =	vst.idx.msk $0xffff, v7  }
0x3d: {  	v9 =	vld.idx.msk [tilespmem:v1+s18+$0xFFFFFF90 ss:$0x1], $0xffff;
	[tilespmem:v0+s19+$0xFFFFFFE0 ss:$0x1] =	vst.idx.msk $0xffff, v5  }
0x3e: {  	v7 =	vld.idx.msk [tilespmem:v1+s18+$0xFFFFFFA0 ss:$0x1], $0xffff;
	[tilespmem:v0+s19+$0xFFFFFFF0 ss:$0x1] =	vst.idx.msk $0xffff, v4  }
.Ltmp3:
0x3f: {  	v5 =	vld.idx.msk [tilespmem:v1+s18+$0xFFFFFFB0 ss:$0x1], $0xffff;
	[tilespmem:v0+s19+$0x0 ss:$0x1] =	vst.idx.msk $0xffff, v2;
	(pc) =	sbr.rel @p0 .LBB1_3-.Ltmp3, $4  }
0x40: {  	v4 =	vld.idx.msk [tilespmem:v1+s18+$0xFFFFFFC0 ss:$0x1], $0xffff;
	[tilespmem:v0+s19+$0x10 ss:$0x1] =	vst.idx.msk $0xffff, v3  }
0x41: {  	v2 =	vld.idx.msk [tilespmem:v1+s18+$0xFFFFFFD0 ss:$0x1], $0xffff;
	[tilespmem:v0+s19+$0x20 ss:$0x1] =	vst.idx.msk $0xffff, v6;
	s19 =	smov.u32 s18  }
0x42: {  	v3 =	vld.idx.msk [tilespmem:v1+s19+$0xFFFFFFE0 ss:$0x1], $0xffff;
	[tilespmem:v0+s19+$0x30 ss:$0x1] =	vst.idx.msk $0xffff, v8  }
0x43: {  	s18 =	sshra.s32 s20, $0x2;
	s20 =	sadd.s32 $0x200, s20;
	[tilespmem:v0+s19+$0xFFFFFFC0 ss:$0x1] =	vst.idx.msk $0xffff, v9;
	v6 =	vld.idx.msk [tilespmem:v1+s19+$0xFFFFFFF0 ss:$0x1], $0xffff  }
0x44: {  	_ =	sdelay $0x2  }
0x45: {  	s20 =	sshrl.u32 s16, $0x3  }
0x46: {  	[tilespmem:v0+s19+$0xFFFFFFD0 ss:$0x1] =	vst.idx.msk $0xffff, v7;
	s21 =	sshll.u32 s15, $0x3;
	s20 =	smul.u32 $0xC3800, s20  }
0x47: {  	v56 =	vld.idx.msk [tilespmem:v1+s18+$0x0 ss:$0x1], $0xffff;
	[tilespmem:v0+s19+$0xFFFFFFE0 ss:$0x1] =	vst.idx.msk $0xffff, v5;
	s27 =	sshll.u32 s16, $0x7;
	s21 =	sand.u32 $0xFFFFFC00, s21  }
0x48: {  	v57 =	vld.idx.msk [tilespmem:v1+s18+$0xFFFFFF90 ss:$0x1], $0xffff;
	[tilespmem:v0+s19+$0xFFFFFFF0 ss:$0x1] =	vst.idx.msk $0xffff, v4;
	s16 =	sand.u32 $0x380, s27;
	s20 =	sadd.s32 s20, s21  }
0x49: {  	v58 =	vld.idx.msk [tilespmem:v1+s18+$0xFFFFFFA0 ss:$0x1], $0xffff;
	s28 =	sand.u32 $0x7F, s15;
	[tilespmem:v0+s19+$0x0 ss:$0x1] =	vst.idx.msk $0xffff, v2;
	s16 =	sor.u32 s16, s20  }
0x4a: {  	v59 =	vld.idx.msk [tilespmem:v1+s18+$0xFFFFFFB0 ss:$0x1], $0xffff;
	[tilespmem:v0+s19+$0x10 ss:$0x1] =	vst.idx.msk $0xffff, v3;
	s15 =	sor.u32 s28, s16;
	s16 =	smulhi.u32 $0xA79C7B17, s16  }
0x4b: {  	v60 =	vld.idx.msk [tilespmem:v1+s18+$0xFFFFFFC0 ss:$0x1], $0xffff;
	[tilespmem:v0+s19+$0x20 ss:$0x1] =	vst.idx.msk $0xffff, v6;
	s29 =	smulhi.u32 $0xA79C7B17, s15  }
0x4c: {  	v61 =	vld.idx.msk [tilespmem:v1+s18+$0xFFFFFFD0 ss:$0x1], $0xffff;
	[tilespmem:v0+s18+$0x30 ss:$0x1] =	vst.idx.msk $0xffff, v56  }
0x4d: {  	v62 =	vld.idx.msk [tilespmem:v1+s18+$0xFFFFFFE0 ss:$0x1], $0xffff;
	s14 =	smul.u32 $0xC3800, s14;
	[tilespmem:v0+s18+$0xFFFFFFC0 ss:$0x1] =	vst.idx.msk $0xffff, v57;
	s16 =	sshrl.u32 s16, $0x10;
	s19 =	sshrl.u32 s29, $0x10  }
0x4e: {  	v63 =	vld.idx.msk [tilespmem:v1+s18+$0xFFFFFFF0 ss:$0x1], $0xffff;
	[tilespmem:v0+s18+$0xFFFFFFD0 ss:$0x1] =	vst.idx.msk $0xffff, v58;
	s16 =	sand.u32 $0x3F, s16;
	s19 =	smul.u32 $0x18700, s19  }
0x4f: {  	[tilespmem:v0+s18+$0xFFFFFFE0 ss:$0x1] =	vst.idx.msk $0xffff, v59;
	s16 =	smul.u32 $0x30E0, s16  }
.Ltmp4:
0x50: {  	[tilespmem:v0+s18+$0xFFFFFFF0 ss:$0x1] =	vst.idx.msk $0xffff, v60;
	s15 =	ssub.s32 s15, s19;
	(pc) =	sbr.rel .LBB1_5-.Ltmp4, $4  }
0x51: {  	s14 =	sadd.s32 s4, s14;
	[tilespmem:v0+s18+$0x0 ss:$0x1] =	vst.idx.msk $0xffff, v61;
	s19 =	sand.u32 $0x7, s15  }
0x52: {  	[tilespmem:v0+s18+$0x10 ss:$0x1] =	vst.idx.msk $0xffff, v62;
	s14 =	sadd.s32 s16, s14;
	s15 =	sshrl.u32 s15, $0x3;
	s30 =	sshll.u32 s19, $0x12  }
0x53: {  	[tilespmem:v0+s18+$0x20 ss:$0x1] =	vst.idx.msk $0xffff, v63;
	s14 =	sadd.s32 s15, s14;
	s31 =	sor.u32 $0x400, s30  }
0x54: {  	[hbm4b:s14+s31] =	stream.strided.scatter [tilespmem:s17], [sflag:$0x2], $0x2000, s8, s31, $0x38;
	[tilespmem:$0x8000] =	vst v63  }
.LBB1_6:
0x55: {  	_ =	sfence.sel $0x180000  }
0x56: {  	s2 =	simm.s32 $0x1;
	[bflag:$0x0] =	sbarrier.arrive $0xFFFF  }
0x57: {  	s31 =	simm.s32 $0x2;
	[sflag:s2] =	ssyncpa.u1 $0x1  }
0x58: {  	[sflag:s31] =	ssyncpa.u1 $0x1  }
0x59: {  	p0 =	sne.s32 s0, $0x0;
	_ =	strace $0x90000056  }
0x5a: {  	s0 =	sadd.s32 @!p0 $0x100000, s1;
	[bflag:$0x2] =	sbarrier.arrive $0xFFFF  }
0x5b: {  	[sflag:s0] =	ssyncadd.tile.s32 @!p0 $0x1;
	_ =	shalt  }
.Lfunc_end1:
_tile_overlayer_lowered:
.L_overlay_start_2:
0x5c: {  	(tag) =	ssettag $0x2  }
0x5d: {  	s0 =	rddreg [dreg:$0x0];
	s2 =	stileid.u32  }
0x5e: {  	s1 =	rddreg [dreg:$0x1];
	p0 =	sne.s32 s2, $0x0  }
0x5f: {  	s3 =	rddreg [dreg:$0x2];
	[bflag:$0x3] =	sbarrier.arrive $0xFFFF;
	s2 =	simm.s32 @!p0 $0x1C01  }
0x60: {  	[timem:s3], [sflag:s2] =	dma.local @!p0 [hbm:s0], s1  }
0x61: {  	s0 =	simm.s32 @!p0 $0x1  }
0x62: {  	_ =	swait.ge @!p0 [sflag:s0], s1  }
0x63: {  	s1 =	ssub.s32 @!p0 $0x0, s1;
	[sflag:s0] =	ssyncset.done @!p0 $0x0  }
0x64: {  	[sflag:s0] =	ssyncadd.s32 @!p0 s1  }
0x65: {  	[bflag:$0x3] =	sbarrier.arrive $0xFFFF  }
0x66: {  	_ =	shalt  }

</sc_bundles>
